<compile_context>
chip_gen: v7x
topology: tpu7x:2x2x1
jax: 0.10.2.dev20260603
libtpu: 0.0.44.dev20260713+nightly
codegen_flags: <defaults>
</compile_context>

<pallas_src>
import functools

import jax
import jax.numpy as jnp
from jax import lax
from jax.experimental import pallas as pl
from jax.experimental.pallas import tpu as pltpu
from jax.experimental.pallas import tpu_sc as plsc

VOCAB = 1000000
DIM = 64
BATCH = 16384
HIST = 50

BLK = 128
NBLK = BATCH * HIST // BLK
NW = 32
BLK_PW = NBLK // NW
NBUF = 4
T = BLK_PW // NBUF
DT = DIM // 8
BT = BATCH // 128


def _embed_body(idx_hbm, table_hbm, out_hbm, idx_v, rows_v, tp_v,
                gs0, gs1, gs2, gs3, os0, os1, os2, os3):
    gsems = (gs0, gs1, gs2, gs3)
    osems = (os0, os1, os2, os3)
    cid = lax.axis_index("c")
    sid = lax.axis_index("s")
    wid = sid * 2 + cid
    pltpu.sync_copy(idx_hbm.at[pl.ds(wid * BLK_PW, BLK_PW)], idx_v)
    g0 = wid * BLK_PW

    def gfire(l, j):
        pltpu.async_copy(table_hbm.at[idx_v.at[l]], rows_v.at[j], gsems[j])

    def gwait(l, j):
        pltpu.make_async_copy(
            table_hbm.at[idx_v.at[l]], rows_v.at[j], gsems[j]).wait()

    def ocopy(l, j):
        g = g0 + l
        h = g // 128
        bt = g % 128
        return pltpu.make_async_copy(
            tp_v.at[j, :, :, :, pl.ds(0, 128)],
            out_hbm.at[pl.ds(h * DT, DT), pl.ds(bt, 1)],
            osems[j],
        )

    lanes = jnp.arange(16, dtype=jnp.int32)
    dt_base = lanes // 8
    r_base = lanes % 8
    zv = jnp.zeros((16,), dtype=jnp.int32)
    d0s = tuple(range(0, DIM, 16))

    def transpose(j):
        @plsc.parallel_loop(0, BLK, step=1, unroll=8)
        def _(c):
            cv = zv + c
            vs = [rows_v[j, c, pl.ds(d0, 16)] for d0 in d0s]
            for k, d0 in enumerate(d0s):
                plsc.store_scatter(
                    tp_v.at[j],
                    [dt_base + (d0 // 8), zv, r_base, cv], vs[k])

    for j in range(NBUF):
        gfire(j, j)

    def ring(t, carry):
        for j in range(NBUF):
            l = t * NBUF + j
            gwait(l, j)

            @pl.when(t > 0)
            def _():
                ocopy(l - NBUF, j).wait()

            transpose(j)
            ocopy(l, j).start()

            @pl.when(t < T - 1)
            def _():
                gfire(l + NBUF, j)

        return carry

    lax.fori_loop(0, T, ring, 0)

    for j in range(NBUF):
        ocopy(BLK_PW - NBUF + j, j).wait()


@functools.partial(jax.jit, static_argnames=())
def kernel(input_, table):
    idx = input_.T.reshape(NBLK, BLK).astype(jnp.int32)
    mesh = plsc.VectorSubcoreMesh(core_axis_name="c", subcore_axis_name="s")
    out = pl.kernel(
        _embed_body,
        out_type=jax.ShapeDtypeStruct((HIST * DT, BT, 8, 128), jnp.float32),
        mesh=mesh,
        scratch_types=[
            pltpu.VMEM((BLK_PW, BLK), jnp.int32),
            pltpu.VMEM((NBUF, BLK, DIM), jnp.float32),
            pltpu.VMEM((NBUF, DT, 1, 8, 129), jnp.float32),
        ] + [pltpu.SemaphoreType.DMA] * (2 * NBUF),
        compiler_params=pltpu.CompilerParams(
            use_tc_tiling_on_sc=False, needs_layout_passes=False),
    )(idx, table)
    out = out.reshape(HIST, DT, BT, 8, 128)
    return out.transpose(2, 4, 0, 1, 3).reshape(BATCH, HIST, DIM)

# --- scband reference (transcript-rebuilt; emitter-appended) ---
"""Pipeline reference for scband-word-embed-22900765622804 (READ-ONLY COPY).

The authoritative reference and input builder live on the scoring server;
editing this copy changes nothing except your own understanding.
"""

import jax, jax.numpy as jnp
import numpy as np

VOCAB = 1000000
DIM = 64
BATCH = 16384
HIST = 50
PADID = 0

def setup_inputs(seed: int = 0) -> dict:
    key = jax.random.key(seed)
    k1, k2 = jax.random.split(key)
    input_ = jax.random.randint(k1, (BATCH, HIST), 0, VOCAB)
    # Embedding table: rows for unknown words initialized uniform(-0.25, 0.25),
    # padding row zeroed (nn.Embedding padding_idx semantics).
    table = jax.random.uniform(k2, (VOCAB, DIM), minval=-0.25, maxval=0.25, dtype=jnp.float32)
    table = table.at[PADID].set(0.0)
    return {"input_": input_, "table": table}

def reference(input_, table):
    # WordEmbed.forward: plain embedding lookup
    return jnp.take(table, input_, axis=0)

if __name__ == "__main__":
    import jax
    _d = setup_inputs()
    print(jax.jit(kernel)(*tuple(_d.values())))

</pallas_src>

<mosaic_0001>
#map = affine_map<(d0, d1) -> (0, 0)>
#map1 = affine_map<(d0, d1) -> (0, 0, 0, 0)>
module attributes {stable_mosaic.version = 14 : i64} {
  func.func @_embed_body(%arg0: i32, %arg1: i32, %arg2: memref<6400x128xi32, #tpu.memory_space<hbm>>, %arg3: memref<1000000x64xf32, #tpu.memory_space<hbm>>, %arg4: memref<400x128x8x128xf32, #tpu.memory_space<hbm>>, %arg5: memref<200x128xi32, #tpu.memory_space<vmem>>, %arg6: memref<4x128x64xf32, #tpu.memory_space<vmem>>, %arg7: memref<4x8x1x8x129xf32, #tpu.memory_space<vmem>>, %arg8: memref<!tpu.dma_semaphore, #tpu.memory_space<semaphore_mem>>, %arg9: memref<!tpu.dma_semaphore, #tpu.memory_space<semaphore_mem>>, %arg10: memref<!tpu.dma_semaphore, #tpu.memory_space<semaphore_mem>>, %arg11: memref<!tpu.dma_semaphore, #tpu.memory_space<semaphore_mem>>, %arg12: memref<!tpu.dma_semaphore, #tpu.memory_space<semaphore_mem>>, %arg13: memref<!tpu.dma_semaphore, #tpu.memory_space<semaphore_mem>>, %arg14: memref<!tpu.dma_semaphore, #tpu.memory_space<semaphore_mem>>, %arg15: memref<!tpu.dma_semaphore, #tpu.memory_space<semaphore_mem>>) attributes {dimension_semantics = [#tpu.dimension_semantics<core_parallel>, #tpu.dimension_semantics<subcore_parallel>], iteration_bounds = array<i64: 2, 16>, scalar_prefetch = 0 : i64, scratch_operands = 11 : i64, tpu.core_type = #tpu.core_type<sc_vector_subcore>, window_params = [{transform_indices = #map}, {transform_indices = #map}, {transform_indices = #map1}]} {
    %mul3A = arith.constant 2 : i32
    %mul3A_0 = arith.muli %arg1, %mul3A : i32
    %add3A = arith.addi %mul3A_0, %arg0 : i32
    %mul3A_1 = arith.constant 200 : i32
    %mul3A_2 = arith.muli %add3A, %mul3A_1 : i32
    "tpu.region"() ({
      %run_scoped3A = tpu.sem_alloc : memref<!tpu.dma_semaphore, #tpu.memory_space<semaphore_mem>>
      %dma_start3A_352 = arith.constant 0 : i32
      %dma_start3A_353 = tpu.memref_slice %arg2[%mul3A_2, %dma_start3A_352] : memref<6400x128xi32, #tpu.memory_space<hbm>> -> memref<200x128xi32, #tpu.memory_space<hbm>>
      %dma_start3A_354 = arith.constant 0 : i32
      %dma_start3A_355 = tpu.memref_slice %arg2[%mul3A_2, %dma_start3A_354] : memref<6400x128xi32, #tpu.memory_space<hbm>> -> memref<200x128xi32, #tpu.memory_space<hbm>>
      tpu.enqueue_dma source(%dma_start3A_355 : memref<200x128xi32, #tpu.memory_space<hbm>>) target(%arg5 : memref<200x128xi32, #tpu.memory_space<vmem>>) target_semaphore(%run_scoped3A : memref<!tpu.dma_semaphore, #tpu.memory_space<semaphore_mem>>)
      %dma_wait3A_356 = arith.constant 0 : i32
      %dma_wait3A_357 = tpu.memref_slice %arg2[%mul3A_2, %dma_wait3A_356] : memref<6400x128xi32, #tpu.memory_space<hbm>> -> memref<200x128xi32, #tpu.memory_space<hbm>>
      %dma_wait3A_358 = arith.constant 0 : i32
      %dma_wait3A_359 = tpu.memref_slice %arg2[%mul3A_2, %dma_wait3A_358] : memref<6400x128xi32, #tpu.memory_space<hbm>> -> memref<200x128xi32, #tpu.memory_space<hbm>>
      tpu.wait_dma2 semaphore(%run_scoped3A : memref<!tpu.dma_semaphore, #tpu.memory_space<semaphore_mem>>) src(%dma_wait3A_359 : memref<200x128xi32, #tpu.memory_space<hbm>>) dst(%arg5 : memref<200x128xi32, #tpu.memory_space<vmem>>)
      tpu.yield
    }) : () -> ()
    %mul3A_3 = arith.constant 200 : i32
    %mul3A_4 = arith.muli %add3A, %mul3A_3 : i32
    %iota3A = tpu.iota {dimensions = array<i32: 0>} : vector<16xi32>
    %jit3A = arith.constant 8 : i32
    %div3A = vector.broadcast %jit3A : i32 to vector<16xi32>
    %div3A_5 = arith.divsi %iota3A, %div3A : vector<16xi32>
    %sign3A = arith.constant 0 : i32
    %sign3A_6 = vector.broadcast %sign3A : i32 to vector<16xi32>
    %sign3A_7 = arith.cmpi sgt, %iota3A, %sign3A_6 : vector<16xi32>
    %sign3A_8 = arith.extui %sign3A_7 : vector<16xi1> to vector<16xi32>
    %sign3A_9 = arith.constant 0 : i32
    %sign3A_10 = vector.broadcast %sign3A_9 : i32 to vector<16xi32>
    %sign3A_11 = arith.cmpi slt, %iota3A, %sign3A_10 : vector<16xi32>
    %sign3A_12 = arith.extui %sign3A_11 : vector<16xi1> to vector<16xi32>
    %sign3A_13 = arith.subi %sign3A_8, %sign3A_12 : vector<16xi32>
    %sign3A_14 = arith.constant 0 : i32
    %sign3A_15 = arith.cmpi sgt, %jit3A, %sign3A_14 : i32
    %sign3A_16 = arith.extui %sign3A_15 : i1 to i32
    %sign3A_17 = arith.constant 0 : i32
    %sign3A_18 = arith.cmpi slt, %jit3A, %sign3A_17 : i32
    %sign3A_19 = arith.extui %sign3A_18 : i1 to i32
    %sign3A_20 = arith.subi %sign3A_16, %sign3A_19 : i32
    %ne3A = vector.broadcast %sign3A_20 : i32 to vector<16xi32>
    %ne3A_21 = arith.cmpi ne, %sign3A_13, %ne3A : vector<16xi32>
    %rem3A = vector.broadcast %jit3A : i32 to vector<16xi32>
    %rem3A_22 = arith.remsi %iota3A, %rem3A : vector<16xi32>
    %ne3A_23 = arith.constant 0 : i32
    %ne3A_24 = vector.broadcast %ne3A_23 : i32 to vector<16xi32>
    %ne3A_25 = arith.cmpi ne, %rem3A_22, %ne3A_24 : vector<16xi32>
    %and3A = arith.andi %ne3A_21, %ne3A_25 : vector<16xi1>
    %sub3A = arith.constant 1 : i32
    %sub3A_26 = vector.broadcast %sub3A : i32 to vector<16xi32>
    %sub3A_27 = arith.subi %div3A_5, %sub3A_26 : vector<16xi32>
    %select_n3A = arith.select %and3A, %sub3A_27, %div3A_5 : vector<16xi1>, vector<16xi32>
    %jit3A_28 = arith.constant 8 : i32
    %eq3A = arith.constant 0 : i32
    %eq3A_29 = arith.cmpi eq, %jit3A_28, %eq3A : i32
    %jit3A_30 = arith.constant 1 : i32
    %select_n3A_31 = arith.select %eq3A_29, %jit3A_30, %jit3A_28 : i32
    %rem3A_32 = vector.broadcast %select_n3A_31 : i32 to vector<16xi32>
    %rem3A_33 = arith.remsi %iota3A, %rem3A_32 : vector<16xi32>
    %ne3A_34 = arith.constant 0 : i32
    %ne3A_35 = vector.broadcast %ne3A_34 : i32 to vector<16xi32>
    %ne3A_36 = arith.cmpi ne, %rem3A_33, %ne3A_35 : vector<16xi32>
    %lt3A = arith.constant 0 : i32
    %lt3A_37 = vector.broadcast %lt3A : i32 to vector<16xi32>
    %lt3A_38 = arith.cmpi slt, %rem3A_33, %lt3A_37 : vector<16xi32>
    %lt3A_39 = arith.constant 0 : i32
    %lt3A_40 = arith.cmpi slt, %select_n3A_31, %lt3A_39 : i32
    %ne3A_41 = vector.broadcast %lt3A_40 : i1 to vector<16xi1>
    %ne3A_42 = vector.broadcast %ne3A_41 : vector<16xi1> to vector<16xi1>
    %ne3A_43 = arith.xori %lt3A_38, %ne3A_42 : vector<16xi1>
    %and3A_44 = arith.andi %ne3A_43, %ne3A_36 : vector<16xi1>
    %add3A_45 = vector.broadcast %select_n3A_31 : i32 to vector<16xi32>
    %add3A_46 = arith.addi %rem3A_33, %add3A_45 : vector<16xi32>
    %select_n3A_47 = arith.select %and3A_44, %add3A_46, %rem3A_33 : vector<16xi1>, vector<16xi32>
    %broadcast_in_dim3A = arith.constant 0 : i32
    %broadcast_in_dim3A_48 = vector.broadcast %broadcast_in_dim3A : i32 to vector<16xi32>
    %dma_start3A = arith.constant 0 : i32
    %dma_start3A_49 = arith.constant 0 : i32
    %dma_start3A_50 = arith.constant 0 : i32
    %dma_start3A_51 = arith.constant 0 : i32
    %dma_start3A_52 = tpu.memref_slice %arg6[%dma_start3A_49, %dma_start3A_50, %dma_start3A_51] : memref<4x128x64xf32, #tpu.memory_space<vmem>> -> memref<1x128x64xf32, #tpu.memory_space<vmem>>
    %dma_start3A_53 = tpu.memref_squeeze %dma_start3A_52 : memref<1x128x64xf32, #tpu.memory_space<vmem>> -> memref<128x64xf32, #tpu.memory_space<vmem>>
    %dma_start3A_54 = arith.constant 0 : i32
    %dma_start3A_55 = tpu.memref_slice %arg5[%dma_start3A, %dma_start3A_54] : memref<200x128xi32, #tpu.memory_space<vmem>> -> memref<1x128xi32, #tpu.memory_space<vmem>>
    %dma_start3A_56 = tpu.memref_squeeze %dma_start3A_55 : memref<1x128xi32, #tpu.memory_space<vmem>> -> memref<128xi32, #tpu.memory_space<vmem>>
    %dma_start3A_57 = arith.constant 0 : i32
    %dma_start3A_58 = arith.constant 0 : i32
    %dma_start3A_59 = tpu.memref_slice %arg3[%dma_start3A_57, %dma_start3A_58] : memref<1000000x64xf32, #tpu.memory_space<hbm>> -> memref<1000000x64xf32, #tpu.memory_space<hbm>>
    tpu.enqueue_indirect_dma source(%dma_start3A_59 : memref<1000000x64xf32, #tpu.memory_space<hbm>>) target(%dma_start3A_53 : memref<128x64xf32, #tpu.memory_space<vmem>>) offsets(%dma_start3A_56 : memref<128xi32, #tpu.memory_space<vmem>>) semaphore(%arg8 : memref<!tpu.dma_semaphore, #tpu.memory_space<semaphore_mem>>)
    %dma_start3A_60 = arith.constant 1 : i32
    %dma_start3A_61 = arith.constant 1 : i32
    %dma_start3A_62 = arith.constant 0 : i32
    %dma_start3A_63 = arith.constant 0 : i32
    %dma_start3A_64 = tpu.memref_slice %arg6[%dma_start3A_61, %dma_start3A_62, %dma_start3A_63] : memref<4x128x64xf32, #tpu.memory_space<vmem>> -> memref<1x128x64xf32, #tpu.memory_space<vmem>>
    %dma_start3A_65 = tpu.memref_squeeze %dma_start3A_64 : memref<1x128x64xf32, #tpu.memory_space<vmem>> -> memref<128x64xf32, #tpu.memory_space<vmem>>
    %dma_start3A_66 = arith.constant 0 : i32
    %dma_start3A_67 = tpu.memref_slice %arg5[%dma_start3A_60, %dma_start3A_66] : memref<200x128xi32, #tpu.memory_space<vmem>> -> memref<1x128xi32, #tpu.memory_space<vmem>>
    %dma_start3A_68 = tpu.memref_squeeze %dma_start3A_67 : memref<1x128xi32, #tpu.memory_space<vmem>> -> memref<128xi32, #tpu.memory_space<vmem>>
    %dma_start3A_69 = arith.constant 0 : i32
    %dma_start3A_70 = arith.constant 0 : i32
    %dma_start3A_71 = tpu.memref_slice %arg3[%dma_start3A_69, %dma_start3A_70] : memref<1000000x64xf32, #tpu.memory_space<hbm>> -> memref<1000000x64xf32, #tpu.memory_space<hbm>>
    tpu.enqueue_indirect_dma source(%dma_start3A_71 : memref<1000000x64xf32, #tpu.memory_space<hbm>>) target(%dma_start3A_65 : memref<128x64xf32, #tpu.memory_space<vmem>>) offsets(%dma_start3A_68 : memref<128xi32, #tpu.memory_space<vmem>>) semaphore(%arg9 : memref<!tpu.dma_semaphore, #tpu.memory_space<semaphore_mem>>)
    %dma_start3A_72 = arith.constant 2 : i32
    %dma_start3A_73 = arith.constant 2 : i32
    %dma_start3A_74 = arith.constant 0 : i32
    %dma_start3A_75 = arith.constant 0 : i32
    %dma_start3A_76 = tpu.memref_slice %arg6[%dma_start3A_73, %dma_start3A_74, %dma_start3A_75] : memref<4x128x64xf32, #tpu.memory_space<vmem>> -> memref<1x128x64xf32, #tpu.memory_space<vmem>>
    %dma_start3A_77 = tpu.memref_squeeze %dma_start3A_76 : memref<1x128x64xf32, #tpu.memory_space<vmem>> -> memref<128x64xf32, #tpu.memory_space<vmem>>
    %dma_start3A_78 = arith.constant 0 : i32
    %dma_start3A_79 = tpu.memref_slice %arg5[%dma_start3A_72, %dma_start3A_78] : memref<200x128xi32, #tpu.memory_space<vmem>> -> memref<1x128xi32, #tpu.memory_space<vmem>>
    %dma_start3A_80 = tpu.memref_squeeze %dma_start3A_79 : memref<1x128xi32, #tpu.memory_space<vmem>> -> memref<128xi32, #tpu.memory_space<vmem>>
    %dma_start3A_81 = arith.constant 0 : i32
    %dma_start3A_82 = arith.constant 0 : i32
    %dma_start3A_83 = tpu.memref_slice %arg3[%dma_start3A_81, %dma_start3A_82] : memref<1000000x64xf32, #tpu.memory_space<hbm>> -> memref<1000000x64xf32, #tpu.memory_space<hbm>>
    tpu.enqueue_indirect_dma source(%dma_start3A_83 : memref<1000000x64xf32, #tpu.memory_space<hbm>>) target(%dma_start3A_77 : memref<128x64xf32, #tpu.memory_space<vmem>>) offsets(%dma_start3A_80 : memref<128xi32, #tpu.memory_space<vmem>>) semaphore(%arg10 : memref<!tpu.dma_semaphore, #tpu.memory_space<semaphore_mem>>)
    %dma_start3A_84 = arith.constant 3 : i32
    %dma_start3A_85 = arith.constant 3 : i32
    %dma_start3A_86 = arith.constant 0 : i32
    %dma_start3A_87 = arith.constant 0 : i32
    %dma_start3A_88 = tpu.memref_slice %arg6[%dma_start3A_85, %dma_start3A_86, %dma_start3A_87] : memref<4x128x64xf32, #tpu.memory_space<vmem>> -> memref<1x128x64xf32, #tpu.memory_space<vmem>>
    %dma_start3A_89 = tpu.memref_squeeze %dma_start3A_88 : memref<1x128x64xf32, #tpu.memory_space<vmem>> -> memref<128x64xf32, #tpu.memory_space<vmem>>
    %dma_start3A_90 = arith.constant 0 : i32
    %dma_start3A_91 = tpu.memref_slice %arg5[%dma_start3A_84, %dma_start3A_90] : memref<200x128xi32, #tpu.memory_space<vmem>> -> memref<1x128xi32, #tpu.memory_space<vmem>>
    %dma_start3A_92 = tpu.memref_squeeze %dma_start3A_91 : memref<1x128xi32, #tpu.memory_space<vmem>> -> memref<128xi32, #tpu.memory_space<vmem>>
    %dma_start3A_93 = arith.constant 0 : i32
    %dma_start3A_94 = arith.constant 0 : i32
    %dma_start3A_95 = tpu.memref_slice %arg3[%dma_start3A_93, %dma_start3A_94] : memref<1000000x64xf32, #tpu.memory_space<hbm>> -> memref<1000000x64xf32, #tpu.memory_space<hbm>>
    tpu.enqueue_indirect_dma source(%dma_start3A_95 : memref<1000000x64xf32, #tpu.memory_space<hbm>>) target(%dma_start3A_89 : memref<128x64xf32, #tpu.memory_space<vmem>>) offsets(%dma_start3A_92 : memref<128xi32, #tpu.memory_space<vmem>>) semaphore(%arg11 : memref<!tpu.dma_semaphore, #tpu.memory_space<semaphore_mem>>)
    %scan3A = arith.constant 0 : i32
    %scan3A_96 = arith.constant 0 : i32
    %scan3A_97 = arith.constant 50 : i32
    %scan3A_98 = arith.addi %scan3A_96, %scan3A_97 : i32
    %scan3A_99 = arith.constant 1 : i32
    scf.for %scan3A_352 = %scan3A_96 to %scan3A_98 step %scan3A_99  : i32 {
      %mul3A_353 = arith.constant 4 : i32
      %mul3A_354 = arith.muli %scan3A_352, %mul3A_353 : i32
      %add3A_355 = arith.constant 0 : i32
      %add3A_356 = arith.addi %mul3A_354, %add3A_355 : i32
      %dma_wait3A_357 = arith.constant 0 : i32
      %dma_wait3A_358 = arith.constant 0 : i32
      %dma_wait3A_359 = arith.constant 0 : i32
      %dma_wait3A_360 = tpu.memref_slice %arg6[%dma_wait3A_357, %dma_wait3A_358, %dma_wait3A_359] : memref<4x128x64xf32, #tpu.memory_space<vmem>> -> memref<1x128x64xf32, #tpu.memory_space<vmem>>
      %dma_wait3A_361 = tpu.memref_squeeze %dma_wait3A_360 : memref<1x128x64xf32, #tpu.memory_space<vmem>> -> memref<128x64xf32, #tpu.memory_space<vmem>>
      %dma_wait3A_362 = arith.constant 0 : i32
      %dma_wait3A_363 = tpu.memref_slice %arg5[%add3A_356, %dma_wait3A_362] : memref<200x128xi32, #tpu.memory_space<vmem>> -> memref<1x128xi32, #tpu.memory_space<vmem>>
      %dma_wait3A_364 = tpu.memref_squeeze %dma_wait3A_363 : memref<1x128xi32, #tpu.memory_space<vmem>> -> memref<128xi32, #tpu.memory_space<vmem>>
      %dma_wait3A_365 = arith.constant 0 : i32
      %dma_wait3A_366 = arith.constant 0 : i32
      %dma_wait3A_367 = tpu.memref_slice %arg3[%dma_wait3A_365, %dma_wait3A_366] : memref<1000000x64xf32, #tpu.memory_space<hbm>> -> memref<1000000x64xf32, #tpu.memory_space<hbm>>
      tpu.wait_indirect_dma semaphore(%arg8 : memref<!tpu.dma_semaphore, #tpu.memory_space<semaphore_mem>>) src(%dma_wait3A_367 : memref<1000000x64xf32, #tpu.memory_space<hbm>>) dst(%dma_wait3A_361 : memref<128x64xf32, #tpu.memory_space<vmem>>)
      %gt3A = arith.constant 0 : i32
      %gt3A_368 = arith.cmpi sgt, %scan3A_352, %gt3A : i32
      %convert_element_type3A = arith.extui %gt3A_368 : i1 to i32
      %cond3A = arith.constant 0 : i32
      %cond3A_369 = arith.cmpi ne, %convert_element_type3A, %cond3A : i32
      scf.if %cond3A_369 {
        %sub3A_709 = arith.constant 4 : i32
        %sub3A_710 = arith.subi %add3A_356, %sub3A_709 : i32
        %add3A_711 = arith.addi %mul3A_4, %sub3A_710 : i32
        %jit3A_712 = arith.constant 128 : i32
        %div3A_713 = arith.divsi %add3A_711, %jit3A_712 : i32
        %sign3A_714 = arith.constant 0 : i32
        %sign3A_715 = arith.cmpi sgt, %add3A_711, %sign3A_714 : i32
        %sign3A_716 = arith.extui %sign3A_715 : i1 to i32
        %sign3A_717 = arith.constant 0 : i32
        %sign3A_718 = arith.cmpi slt, %add3A_711, %sign3A_717 : i32
        %sign3A_719 = arith.extui %sign3A_718 : i1 to i32
        %sign3A_720 = arith.subi %sign3A_716, %sign3A_719 : i32
        %sign3A_721 = arith.constant 0 : i32
        %sign3A_722 = arith.cmpi sgt, %jit3A_712, %sign3A_721 : i32
        %sign3A_723 = arith.extui %sign3A_722 : i1 to i32
        %sign3A_724 = arith.constant 0 : i32
        %sign3A_725 = arith.cmpi slt, %jit3A_712, %sign3A_724 : i32
        %sign3A_726 = arith.extui %sign3A_725 : i1 to i32
        %sign3A_727 = arith.subi %sign3A_723, %sign3A_726 : i32
        %ne3A_728 = arith.cmpi ne, %sign3A_720, %sign3A_727 : i32
        %rem3A_729 = arith.remsi %add3A_711, %jit3A_712 : i32
        %ne3A_730 = arith.constant 0 : i32
        %ne3A_731 = arith.cmpi ne, %rem3A_729, %ne3A_730 : i32
        %and3A_732 = arith.andi %ne3A_728, %ne3A_731 : i1
        %sub3A_733 = arith.constant 1 : i32
        %sub3A_734 = arith.subi %div3A_713, %sub3A_733 : i32
        %select_n3A_735 = arith.select %and3A_732, %sub3A_734, %div3A_713 : i32
        %jit3A_736 = arith.constant 128 : i32
        %eq3A_737 = arith.constant 0 : i32
        %eq3A_738 = arith.cmpi eq, %jit3A_736, %eq3A_737 : i32
        %jit3A_739 = arith.constant 1 : i32
        %select_n3A_740 = arith.select %eq3A_738, %jit3A_739, %jit3A_736 : i32
        %rem3A_741 = arith.remsi %add3A_711, %select_n3A_740 : i32
        %ne3A_742 = arith.constant 0 : i32
        %ne3A_743 = arith.cmpi ne, %rem3A_741, %ne3A_742 : i32
        %lt3A_744 = arith.constant 0 : i32
        %lt3A_745 = arith.cmpi slt, %rem3A_741, %lt3A_744 : i32
        %lt3A_746 = arith.constant 0 : i32
        %lt3A_747 = arith.cmpi slt, %select_n3A_740, %lt3A_746 : i32
        %ne3A_748 = arith.xori %lt3A_745, %lt3A_747 : i1
        %and3A_749 = arith.andi %ne3A_748, %ne3A_743 : i1
        %add3A_750 = arith.addi %rem3A_741, %select_n3A_740 : i32
        %select_n3A_751 = arith.select %and3A_749, %add3A_750, %rem3A_741 : i32
        %mul3A_752 = arith.constant 8 : i32
        %mul3A_753 = arith.muli %select_n3A_735, %mul3A_752 : i32
        %dma_wait3A_754 = arith.constant 0 : i32
        %dma_wait3A_755 = arith.constant 0 : i32
        %dma_wait3A_756 = arith.constant 0 : i32
        %dma_wait3A_757 = arith.constant 0 : i32
        %dma_wait3A_758 = arith.constant 0 : i32
        %dma_wait3A_759 = tpu.memref_slice %arg7[%dma_wait3A_754, %dma_wait3A_755, %dma_wait3A_756, %dma_wait3A_757, %dma_wait3A_758] : memref<4x8x1x8x129xf32, #tpu.memory_space<vmem>> -> memref<1x8x1x8x128xf32, #tpu.memory_space<vmem>>
        %dma_wait3A_760 = tpu.memref_squeeze %dma_wait3A_759 : memref<1x8x1x8x128xf32, #tpu.memory_space<vmem>> -> memref<8x1x8x128xf32, #tpu.memory_space<vmem>>
        %dma_wait3A_761 = arith.constant 0 : i32
        %dma_wait3A_762 = arith.constant 0 : i32
        %dma_wait3A_763 = tpu.memref_slice %arg4[%mul3A_753, %select_n3A_751, %dma_wait3A_761, %dma_wait3A_762] : memref<400x128x8x128xf32, #tpu.memory_space<hbm>> -> memref<8x1x8x128xf32, #tpu.memory_space<hbm>>
        %dma_wait3A_764 = arith.constant 0 : i32
        %dma_wait3A_765 = arith.constant 0 : i32
        %dma_wait3A_766 = tpu.memref_slice %arg4[%mul3A_753, %select_n3A_751, %dma_wait3A_764, %dma_wait3A_765] : memref<400x128x8x128xf32, #tpu.memory_space<hbm>> -> memref<8x1x8x128xf32, #tpu.memory_space<hbm>>
        %dma_wait3A_767 = arith.constant 0 : i32
        %dma_wait3A_768 = arith.constant 0 : i32
        %dma_wait3A_769 = arith.constant 0 : i32
        %dma_wait3A_770 = arith.constant 0 : i32
        %dma_wait3A_771 = tpu.memref_slice %arg7[%dma_wait3A_754, %dma_wait3A_767, %dma_wait3A_768, %dma_wait3A_769, %dma_wait3A_770] : memref<4x8x1x8x129xf32, #tpu.memory_space<vmem>> -> memref<1x8x1x8x128xf32, #tpu.memory_space<vmem>>
        %dma_wait3A_772 = tpu.memref_squeeze %dma_wait3A_771 : memref<1x8x1x8x128xf32, #tpu.memory_space<vmem>> -> memref<8x1x8x128xf32, #tpu.memory_space<vmem>>
        tpu.wait_dma2 semaphore(%arg12 : memref<!tpu.dma_semaphore, #tpu.memory_space<semaphore_mem>>) src(%dma_wait3A_772 : memref<8x1x8x128xf32, #tpu.memory_space<vmem>>) dst(%dma_wait3A_766 : memref<8x1x8x128xf32, #tpu.memory_space<hbm>>)
      } else {
      }
      %parallel_loop3A = arith.constant 0 : i32
      %parallel_loop3A_370 = arith.constant 128 : i32
      %parallel_loop3A_371 = arith.constant 1 : i32
      scf.for %parallel_loop3A_709 = %parallel_loop3A to %parallel_loop3A_370 step %parallel_loop3A_371  : i32 {
        %parallel_loop3A_710 = vector.broadcast %parallel_loop3A_709 : i32 to vector<16xi32>
        %parallel_loop3A_711 = arith.addi %broadcast_in_dim3A_48, %parallel_loop3A_710 : vector<16xi32>
        %parallel_loop3A_712 = arith.constant 0 : i32
        %parallel_loop3A_713 = arith.index_cast %parallel_loop3A_712 : i32 to index
        %parallel_loop3A_714 = arith.index_cast %parallel_loop3A_709 : i32 to index
        %parallel_loop3A_715 = arith.constant 0 : index
        %parallel_loop3A_716 = tpu.vector_load %arg6[%parallel_loop3A_713, %parallel_loop3A_714, %parallel_loop3A_715] {strides = array<i32>} : memref<4x128x64xf32, #tpu.memory_space<vmem>>, vector<16xf32>,
        %parallel_loop3A_717 = arith.constant 0 : i32
        %parallel_loop3A_718 = arith.index_cast %parallel_loop3A_717 : i32 to index
        %parallel_loop3A_719 = arith.index_cast %parallel_loop3A_709 : i32 to index
        %parallel_loop3A_720 = arith.constant 16 : index
        %parallel_loop3A_721 = tpu.vector_load %arg6[%parallel_loop3A_718, %parallel_loop3A_719, %parallel_loop3A_720] {strides = array<i32>} : memref<4x128x64xf32, #tpu.memory_space<vmem>>, vector<16xf32>,
        %parallel_loop3A_722 = arith.constant 0 : i32
        %parallel_loop3A_723 = arith.index_cast %parallel_loop3A_722 : i32 to index
        %parallel_loop3A_724 = arith.index_cast %parallel_loop3A_709 : i32 to index
        %parallel_loop3A_725 = arith.constant 32 : index
        %parallel_loop3A_726 = tpu.vector_load %arg6[%parallel_loop3A_723, %parallel_loop3A_724, %parallel_loop3A_725] {strides = array<i32>} : memref<4x128x64xf32, #tpu.memory_space<vmem>>, vector<16xf32>,
        %parallel_loop3A_727 = arith.constant 0 : i32
        %parallel_loop3A_728 = arith.index_cast %parallel_loop3A_727 : i32 to index
        %parallel_loop3A_729 = arith.index_cast %parallel_loop3A_709 : i32 to index
        %parallel_loop3A_730 = arith.constant 48 : index
        %parallel_loop3A_731 = tpu.vector_load %arg6[%parallel_loop3A_728, %parallel_loop3A_729, %parallel_loop3A_730] {strides = array<i32>} : memref<4x128x64xf32, #tpu.memory_space<vmem>>, vector<16xf32>,
        %parallel_loop3A_732 = arith.constant 0 : i32
        %parallel_loop3A_733 = vector.broadcast %parallel_loop3A_732 : i32 to vector<16xi32>
        %parallel_loop3A_734 = arith.addi %select_n3A, %parallel_loop3A_733 : vector<16xi32>
        %parallel_loop3A_735 = arith.constant 0 : i32
        %parallel_loop3A_736 = arith.constant 0 : i32
        %parallel_loop3A_737 = arith.constant 0 : i32
        %parallel_loop3A_738 = arith.constant 0 : i32
        %parallel_loop3A_739 = arith.constant 0 : i32
        %parallel_loop3A_740 = tpu.memref_slice %arg7[%parallel_loop3A_735, %parallel_loop3A_736, %parallel_loop3A_737, %parallel_loop3A_738, %parallel_loop3A_739] : memref<4x8x1x8x129xf32, #tpu.memory_space<vmem>> -> memref<1x8x1x8x129xf32, #tpu.memory_space<vmem>>
        %parallel_loop3A_741 = tpu.memref_squeeze %parallel_loop3A_740 : memref<1x8x1x8x129xf32, #tpu.memory_space<vmem>> -> memref<8x1x8x129xf32, #tpu.memory_space<vmem>>
        tpu.vector_store_idx %parallel_loop3A_741[%parallel_loop3A_734, %broadcast_in_dim3A_48, %select_n3A_47, %parallel_loop3A_711], %parallel_loop3A_716 : memref<8x1x8x129xf32, #tpu.memory_space<vmem>>[vector<16xi32>, vector<16xi32>, vector<16xi32>, vector<16xi32>], vector<16xf32>,
        %parallel_loop3A_742 = arith.constant 2 : i32
        %parallel_loop3A_743 = vector.broadcast %parallel_loop3A_742 : i32 to vector<16xi32>
        %parallel_loop3A_744 = arith.addi %select_n3A, %parallel_loop3A_743 : vector<16xi32>
        %parallel_loop3A_745 = arith.constant 0 : i32
        %parallel_loop3A_746 = arith.constant 0 : i32
        %parallel_loop3A_747 = arith.constant 0 : i32
        %parallel_loop3A_748 = arith.constant 0 : i32
        %parallel_loop3A_749 = arith.constant 0 : i32
        %parallel_loop3A_750 = tpu.memref_slice %arg7[%parallel_loop3A_745, %parallel_loop3A_746, %parallel_loop3A_747, %parallel_loop3A_748, %parallel_loop3A_749] : memref<4x8x1x8x129xf32, #tpu.memory_space<vmem>> -> memref<1x8x1x8x129xf32, #tpu.memory_space<vmem>>
        %parallel_loop3A_751 = tpu.memref_squeeze %parallel_loop3A_750 : memref<1x8x1x8x129xf32, #tpu.memory_space<vmem>> -> memref<8x1x8x129xf32, #tpu.memory_space<vmem>>
        tpu.vector_store_idx %parallel_loop3A_751[%parallel_loop3A_744, %broadcast_in_dim3A_48, %select_n3A_47, %parallel_loop3A_711], %parallel_loop3A_721 : memref<8x1x8x129xf32, #tpu.memory_space<vmem>>[vector<16xi32>, vector<16xi32>, vector<16xi32>, vector<16xi32>], vector<16xf32>,
        %parallel_loop3A_752 = arith.constant 4 : i32
        %parallel_loop3A_753 = vector.broadcast %parallel_loop3A_752 : i32 to vector<16xi32>
        %parallel_loop3A_754 = arith.addi %select_n3A, %parallel_loop3A_753 : vector<16xi32>
        %parallel_loop3A_755 = arith.constant 0 : i32
        %parallel_loop3A_756 = arith.constant 0 : i32
        %parallel_loop3A_757 = arith.constant 0 : i32
        %parallel_loop3A_758 = arith.constant 0 : i32
        %parallel_loop3A_759 = arith.constant 0 : i32
        %parallel_loop3A_760 = tpu.memref_slice %arg7[%parallel_loop3A_755, %parallel_loop3A_756, %parallel_loop3A_757, %parallel_loop3A_758, %parallel_loop3A_759] : memref<4x8x1x8x129xf32, #tpu.memory_space<vmem>> -> memref<1x8x1x8x129xf32, #tpu.memory_space<vmem>>
        %parallel_loop3A_761 = tpu.memref_squeeze %parallel_loop3A_760 : memref<1x8x1x8x129xf32, #tpu.memory_space<vmem>> -> memref<8x1x8x129xf32, #tpu.memory_space<vmem>>
        tpu.vector_store_idx %parallel_loop3A_761[%parallel_loop3A_754, %broadcast_in_dim3A_48, %select_n3A_47, %parallel_loop3A_711], %parallel_loop3A_726 : memref<8x1x8x129xf32, #tpu.memory_space<vmem>>[vector<16xi32>, vector<16xi32>, vector<16xi32>, vector<16xi32>], vector<16xf32>,
        %parallel_loop3A_762 = arith.constant 6 : i32
        %parallel_loop3A_763 = vector.broadcast %parallel_loop3A_762 : i32 to vector<16xi32>
        %parallel_loop3A_764 = arith.addi %select_n3A, %parallel_loop3A_763 : vector<16xi32>
        %parallel_loop3A_765 = arith.constant 0 : i32
        %parallel_loop3A_766 = arith.constant 0 : i32
        %parallel_loop3A_767 = arith.constant 0 : i32
        %parallel_loop3A_768 = arith.constant 0 : i32
        %parallel_loop3A_769 = arith.constant 0 : i32
        %parallel_loop3A_770 = tpu.memref_slice %arg7[%parallel_loop3A_765, %parallel_loop3A_766, %parallel_loop3A_767, %parallel_loop3A_768, %parallel_loop3A_769] : memref<4x8x1x8x129xf32, #tpu.memory_space<vmem>> -> memref<1x8x1x8x129xf32, #tpu.memory_space<vmem>>
        %parallel_loop3A_771 = tpu.memref_squeeze %parallel_loop3A_770 : memref<1x8x1x8x129xf32, #tpu.memory_space<vmem>> -> memref<8x1x8x129xf32, #tpu.memory_space<vmem>>
        tpu.vector_store_idx %parallel_loop3A_771[%parallel_loop3A_764, %broadcast_in_dim3A_48, %select_n3A_47, %parallel_loop3A_711], %parallel_loop3A_731 : memref<8x1x8x129xf32, #tpu.memory_space<vmem>>[vector<16xi32>, vector<16xi32>, vector<16xi32>, vector<16xi32>], vector<16xf32>,
      } {sc.loop_unroll_factor = 8 : i64, sc.parallel_access}
      %add3A_372 = arith.addi %mul3A_4, %add3A_356 : i32
      %jit3A_373 = arith.constant 128 : i32
      %div3A_374 = arith.divsi %add3A_372, %jit3A_373 : i32
      %sign3A_375 = arith.constant 0 : i32
      %sign3A_376 = arith.cmpi sgt, %add3A_372, %sign3A_375 : i32
      %sign3A_377 = arith.extui %sign3A_376 : i1 to i32
      %sign3A_378 = arith.constant 0 : i32
      %sign3A_379 = arith.cmpi slt, %add3A_372, %sign3A_378 : i32
      %sign3A_380 = arith.extui %sign3A_379 : i1 to i32
      %sign3A_381 = arith.subi %sign3A_377, %sign3A_380 : i32
      %sign3A_382 = arith.constant 0 : i32
      %sign3A_383 = arith.cmpi sgt, %jit3A_373, %sign3A_382 : i32
      %sign3A_384 = arith.extui %sign3A_383 : i1 to i32
      %sign3A_385 = arith.constant 0 : i32
      %sign3A_386 = arith.cmpi slt, %jit3A_373, %sign3A_385 : i32
      %sign3A_387 = arith.extui %sign3A_386 : i1 to i32
      %sign3A_388 = arith.subi %sign3A_384, %sign3A_387 : i32
      %ne3A_389 = arith.cmpi ne, %sign3A_381, %sign3A_388 : i32
      %rem3A_390 = arith.remsi %add3A_372, %jit3A_373 : i32
      %ne3A_391 = arith.constant 0 : i32
      %ne3A_392 = arith.cmpi ne, %rem3A_390, %ne3A_391 : i32
      %and3A_393 = arith.andi %ne3A_389, %ne3A_392 : i1
      %sub3A_394 = arith.constant 1 : i32
      %sub3A_395 = arith.subi %div3A_374, %sub3A_394 : i32
      %select_n3A_396 = arith.select %and3A_393, %sub3A_395, %div3A_374 : i32
      %jit3A_397 = arith.constant 128 : i32
      %eq3A_398 = arith.constant 0 : i32
      %eq3A_399 = arith.cmpi eq, %jit3A_397, %eq3A_398 : i32
      %jit3A_400 = arith.constant 1 : i32
      %select_n3A_401 = arith.select %eq3A_399, %jit3A_400, %jit3A_397 : i32
      %rem3A_402 = arith.remsi %add3A_372, %select_n3A_401 : i32
      %ne3A_403 = arith.constant 0 : i32
      %ne3A_404 = arith.cmpi ne, %rem3A_402, %ne3A_403 : i32
      %lt3A_405 = arith.constant 0 : i32
      %lt3A_406 = arith.cmpi slt, %rem3A_402, %lt3A_405 : i32
      %lt3A_407 = arith.constant 0 : i32
      %lt3A_408 = arith.cmpi slt, %select_n3A_401, %lt3A_407 : i32
      %ne3A_409 = arith.xori %lt3A_406, %lt3A_408 : i1
      %and3A_410 = arith.andi %ne3A_409, %ne3A_404 : i1
      %add3A_411 = arith.addi %rem3A_402, %select_n3A_401 : i32
      %select_n3A_412 = arith.select %and3A_410, %add3A_411, %rem3A_402 : i32
      %mul3A_413 = arith.constant 8 : i32
      %mul3A_414 = arith.muli %select_n3A_396, %mul3A_413 : i32
      %dma_start3A_415 = arith.constant 0 : i32
      %dma_start3A_416 = arith.constant 0 : i32
      %dma_start3A_417 = arith.constant 0 : i32
      %dma_start3A_418 = arith.constant 0 : i32
      %dma_start3A_419 = arith.constant 0 : i32
      %dma_start3A_420 = tpu.memref_slice %arg7[%dma_start3A_415, %dma_start3A_416, %dma_start3A_417, %dma_start3A_418, %dma_start3A_419] : memref<4x8x1x8x129xf32, #tpu.memory_space<vmem>> -> memref<1x8x1x8x128xf32, #tpu.memory_space<vmem>>
      %dma_start3A_421 = tpu.memref_squeeze %dma_start3A_420 : memref<1x8x1x8x128xf32, #tpu.memory_space<vmem>> -> memref<8x1x8x128xf32, #tpu.memory_space<vmem>>
      %dma_start3A_422 = arith.constant 0 : i32
      %dma_start3A_423 = arith.constant 0 : i32
      %dma_start3A_424 = tpu.memref_slice %arg4[%mul3A_414, %select_n3A_412, %dma_start3A_422, %dma_start3A_423] : memref<400x128x8x128xf32, #tpu.memory_space<hbm>> -> memref<8x1x8x128xf32, #tpu.memory_space<hbm>>
      %dma_start3A_425 = arith.constant 0 : i32
      %dma_start3A_426 = arith.constant 0 : i32
      %dma_start3A_427 = tpu.memref_slice %arg4[%mul3A_414, %select_n3A_412, %dma_start3A_425, %dma_start3A_426] : memref<400x128x8x128xf32, #tpu.memory_space<hbm>> -> memref<8x1x8x128xf32, #tpu.memory_space<hbm>>
      %dma_start3A_428 = arith.constant 0 : i32
      %dma_start3A_429 = arith.constant 0 : i32
      %dma_start3A_430 = arith.constant 0 : i32
      %dma_start3A_431 = arith.constant 0 : i32
      %dma_start3A_432 = tpu.memref_slice %arg7[%dma_start3A_415, %dma_start3A_428, %dma_start3A_429, %dma_start3A_430, %dma_start3A_431] : memref<4x8x1x8x129xf32, #tpu.memory_space<vmem>> -> memref<1x8x1x8x128xf32, #tpu.memory_space<vmem>>
      %dma_start3A_433 = tpu.memref_squeeze %dma_start3A_432 : memref<1x8x1x8x128xf32, #tpu.memory_space<vmem>> -> memref<8x1x8x128xf32, #tpu.memory_space<vmem>>
      tpu.enqueue_dma source(%dma_start3A_433 : memref<8x1x8x128xf32, #tpu.memory_space<vmem>>) target(%dma_start3A_427 : memref<8x1x8x128xf32, #tpu.memory_space<hbm>>) target_semaphore(%arg12 : memref<!tpu.dma_semaphore, #tpu.memory_space<semaphore_mem>>)
      %lt3A_434 = arith.constant 49 : i32
      %lt3A_435 = arith.cmpi slt, %scan3A_352, %lt3A_434 : i32
      %convert_element_type3A_436 = arith.extui %lt3A_435 : i1 to i32
      %cond3A_437 = arith.constant 0 : i32
      %cond3A_438 = arith.cmpi ne, %convert_element_type3A_436, %cond3A_437 : i32
      scf.if %cond3A_438 {
        %add3A_709 = arith.constant 4 : i32
        %add3A_710 = arith.addi %add3A_356, %add3A_709 : i32
        %dma_start3A_711 = arith.constant 0 : i32
        %dma_start3A_712 = arith.constant 0 : i32
        %dma_start3A_713 = arith.constant 0 : i32
        %dma_start3A_714 = tpu.memref_slice %arg6[%dma_start3A_711, %dma_start3A_712, %dma_start3A_713] : memref<4x128x64xf32, #tpu.memory_space<vmem>> -> memref<1x128x64xf32, #tpu.memory_space<vmem>>
        %dma_start3A_715 = tpu.memref_squeeze %dma_start3A_714 : memref<1x128x64xf32, #tpu.memory_space<vmem>> -> memref<128x64xf32, #tpu.memory_space<vmem>>
        %dma_start3A_716 = arith.constant 0 : i32
        %dma_start3A_717 = tpu.memref_slice %arg5[%add3A_710, %dma_start3A_716] : memref<200x128xi32, #tpu.memory_space<vmem>> -> memref<1x128xi32, #tpu.memory_space<vmem>>
        %dma_start3A_718 = tpu.memref_squeeze %dma_start3A_717 : memref<1x128xi32, #tpu.memory_space<vmem>> -> memref<128xi32, #tpu.memory_space<vmem>>
        %dma_start3A_719 = arith.constant 0 : i32
        %dma_start3A_720 = arith.constant 0 : i32
        %dma_start3A_721 = tpu.memref_slice %arg3[%dma_start3A_719, %dma_start3A_720] : memref<1000000x64xf32, #tpu.memory_space<hbm>> -> memref<1000000x64xf32, #tpu.memory_space<hbm>>
        tpu.enqueue_indirect_dma source(%dma_start3A_721 : memref<1000000x64xf32, #tpu.memory_space<hbm>>) target(%dma_start3A_715 : memref<128x64xf32, #tpu.memory_space<vmem>>) offsets(%dma_start3A_718 : memref<128xi32, #tpu.memory_space<vmem>>) semaphore(%arg8 : memref<!tpu.dma_semaphore, #tpu.memory_space<semaphore_mem>>)
      } else {
      }
      %mul3A_439 = arith.constant 4 : i32
      %mul3A_440 = arith.muli %scan3A_352, %mul3A_439 : i32
      %add3A_441 = arith.constant 1 : i32
      %add3A_442 = arith.addi %mul3A_440, %add3A_441 : i32
      %dma_wait3A_443 = arith.constant 1 : i32
      %dma_wait3A_444 = arith.constant 0 : i32
      %dma_wait3A_445 = arith.constant 0 : i32
      %dma_wait3A_446 = tpu.memref_slice %arg6[%dma_wait3A_443, %dma_wait3A_444, %dma_wait3A_445] : memref<4x128x64xf32, #tpu.memory_space<vmem>> -> memref<1x128x64xf32, #tpu.memory_space<vmem>>
      %dma_wait3A_447 = tpu.memref_squeeze %dma_wait3A_446 : memref<1x128x64xf32, #tpu.memory_space<vmem>> -> memref<128x64xf32, #tpu.memory_space<vmem>>
      %dma_wait3A_448 = arith.constant 0 : i32
      %dma_wait3A_449 = tpu.memref_slice %arg5[%add3A_442, %dma_wait3A_448] : memref<200x128xi32, #tpu.memory_space<vmem>> -> memref<1x128xi32, #tpu.memory_space<vmem>>
      %dma_wait3A_450 = tpu.memref_squeeze %dma_wait3A_449 : memref<1x128xi32, #tpu.memory_space<vmem>> -> memref<128xi32, #tpu.memory_space<vmem>>
      %dma_wait3A_451 = arith.constant 0 : i32
      %dma_wait3A_452 = arith.constant 0 : i32
      %dma_wait3A_453 = tpu.memref_slice %arg3[%dma_wait3A_451, %dma_wait3A_452] : memref<1000000x64xf32, #tpu.memory_space<hbm>> -> memref<1000000x64xf32, #tpu.memory_space<hbm>>
      tpu.wait_indirect_dma semaphore(%arg9 : memref<!tpu.dma_semaphore, #tpu.memory_space<semaphore_mem>>) src(%dma_wait3A_453 : memref<1000000x64xf32, #tpu.memory_space<hbm>>) dst(%dma_wait3A_447 : memref<128x64xf32, #tpu.memory_space<vmem>>)
      %gt3A_454 = arith.constant 0 : i32
      %gt3A_455 = arith.cmpi sgt, %scan3A_352, %gt3A_454 : i32
      %convert_element_type3A_456 = arith.extui %gt3A_455 : i1 to i32
      %cond3A_457 = arith.constant 0 : i32
      %cond3A_458 = arith.cmpi ne, %convert_element_type3A_456, %cond3A_457 : i32
      scf.if %cond3A_458 {
        %sub3A_709 = arith.constant 4 : i32
        %sub3A_710 = arith.subi %add3A_442, %sub3A_709 : i32
        %add3A_711 = arith.addi %mul3A_4, %sub3A_710 : i32
        %jit3A_712 = arith.constant 128 : i32
        %div3A_713 = arith.divsi %add3A_711, %jit3A_712 : i32
        %sign3A_714 = arith.constant 0 : i32
        %sign3A_715 = arith.cmpi sgt, %add3A_711, %sign3A_714 : i32
        %sign3A_716 = arith.extui %sign3A_715 : i1 to i32
        %sign3A_717 = arith.constant 0 : i32
        %sign3A_718 = arith.cmpi slt, %add3A_711, %sign3A_717 : i32
        %sign3A_719 = arith.extui %sign3A_718 : i1 to i32
        %sign3A_720 = arith.subi %sign3A_716, %sign3A_719 : i32
        %sign3A_721 = arith.constant 0 : i32
        %sign3A_722 = arith.cmpi sgt, %jit3A_712, %sign3A_721 : i32
        %sign3A_723 = arith.extui %sign3A_722 : i1 to i32
        %sign3A_724 = arith.constant 0 : i32
        %sign3A_725 = arith.cmpi slt, %jit3A_712, %sign3A_724 : i32
        %sign3A_726 = arith.extui %sign3A_725 : i1 to i32
        %sign3A_727 = arith.subi %sign3A_723, %sign3A_726 : i32
        %ne3A_728 = arith.cmpi ne, %sign3A_720, %sign3A_727 : i32
        %rem3A_729 = arith.remsi %add3A_711, %jit3A_712 : i32
        %ne3A_730 = arith.constant 0 : i32
        %ne3A_731 = arith.cmpi ne, %rem3A_729, %ne3A_730 : i32
        %and3A_732 = arith.andi %ne3A_728, %ne3A_731 : i1
        %sub3A_733 = arith.constant 1 : i32
        %sub3A_734 = arith.subi %div3A_713, %sub3A_733 : i32
        %select_n3A_735 = arith.select %and3A_732, %sub3A_734, %div3A_713 : i32
        %jit3A_736 = arith.constant 128 : i32
        %eq3A_737 = arith.constant 0 : i32
        %eq3A_738 = arith.cmpi eq, %jit3A_736, %eq3A_737 : i32
        %jit3A_739 = arith.constant 1 : i32
        %select_n3A_740 = arith.select %eq3A_738, %jit3A_739, %jit3A_736 : i32
        %rem3A_741 = arith.remsi %add3A_711, %select_n3A_740 : i32
        %ne3A_742 = arith.constant 0 : i32
        %ne3A_743 = arith.cmpi ne, %rem3A_741, %ne3A_742 : i32
        %lt3A_744 = arith.constant 0 : i32
        %lt3A_745 = arith.cmpi slt, %rem3A_741, %lt3A_744 : i32
        %lt3A_746 = arith.constant 0 : i32
        %lt3A_747 = arith.cmpi slt, %select_n3A_740, %lt3A_746 : i32
        %ne3A_748 = arith.xori %lt3A_745, %lt3A_747 : i1
        %and3A_749 = arith.andi %ne3A_748, %ne3A_743 : i1
        %add3A_750 = arith.addi %rem3A_741, %select_n3A_740 : i32
        %select_n3A_751 = arith.select %and3A_749, %add3A_750, %rem3A_741 : i32
        %mul3A_752 = arith.constant 8 : i32
        %mul3A_753 = arith.muli %select_n3A_735, %mul3A_752 : i32
        %dma_wait3A_754 = arith.constant 1 : i32
        %dma_wait3A_755 = arith.constant 0 : i32
        %dma_wait3A_756 = arith.constant 0 : i32
        %dma_wait3A_757 = arith.constant 0 : i32
        %dma_wait3A_758 = arith.constant 0 : i32
        %dma_wait3A_759 = tpu.memref_slice %arg7[%dma_wait3A_754, %dma_wait3A_755, %dma_wait3A_756, %dma_wait3A_757, %dma_wait3A_758] : memref<4x8x1x8x129xf32, #tpu.memory_space<vmem>> -> memref<1x8x1x8x128xf32, #tpu.memory_space<vmem>>
        %dma_wait3A_760 = tpu.memref_squeeze %dma_wait3A_759 : memref<1x8x1x8x128xf32, #tpu.memory_space<vmem>> -> memref<8x1x8x128xf32, #tpu.memory_space<vmem>>
        %dma_wait3A_761 = arith.constant 0 : i32
        %dma_wait3A_762 = arith.constant 0 : i32
        %dma_wait3A_763 = tpu.memref_slice %arg4[%mul3A_753, %select_n3A_751, %dma_wait3A_761, %dma_wait3A_762] : memref<400x128x8x128xf32, #tpu.memory_space<hbm>> -> memref<8x1x8x128xf32, #tpu.memory_space<hbm>>
        %dma_wait3A_764 = arith.constant 0 : i32
        %dma_wait3A_765 = arith.constant 0 : i32
        %dma_wait3A_766 = tpu.memref_slice %arg4[%mul3A_753, %select_n3A_751, %dma_wait3A_764, %dma_wait3A_765] : memref<400x128x8x128xf32, #tpu.memory_space<hbm>> -> memref<8x1x8x128xf32, #tpu.memory_space<hbm>>
        %dma_wait3A_767 = arith.constant 0 : i32
        %dma_wait3A_768 = arith.constant 0 : i32
        %dma_wait3A_769 = arith.constant 0 : i32
        %dma_wait3A_770 = arith.constant 0 : i32
        %dma_wait3A_771 = tpu.memref_slice %arg7[%dma_wait3A_754, %dma_wait3A_767, %dma_wait3A_768, %dma_wait3A_769, %dma_wait3A_770] : memref<4x8x1x8x129xf32, #tpu.memory_space<vmem>> -> memref<1x8x1x8x128xf32, #tpu.memory_space<vmem>>
        %dma_wait3A_772 = tpu.memref_squeeze %dma_wait3A_771 : memref<1x8x1x8x128xf32, #tpu.memory_space<vmem>> -> memref<8x1x8x128xf32, #tpu.memory_space<vmem>>
        tpu.wait_dma2 semaphore(%arg13 : memref<!tpu.dma_semaphore, #tpu.memory_space<semaphore_mem>>) src(%dma_wait3A_772 : memref<8x1x8x128xf32, #tpu.memory_space<vmem>>) dst(%dma_wait3A_766 : memref<8x1x8x128xf32, #tpu.memory_space<hbm>>)
      } else {
      }
      %parallel_loop3A_459 = arith.constant 0 : i32
      %parallel_loop3A_460 = arith.constant 128 : i32
      %parallel_loop3A_461 = arith.constant 1 : i32
      scf.for %parallel_loop3A_709 = %parallel_loop3A_459 to %parallel_loop3A_460 step %parallel_loop3A_461  : i32 {
        %parallel_loop3A_710 = vector.broadcast %parallel_loop3A_709 : i32 to vector<16xi32>
        %parallel_loop3A_711 = arith.addi %broadcast_in_dim3A_48, %parallel_loop3A_710 : vector<16xi32>
        %parallel_loop3A_712 = arith.constant 1 : i32
        %parallel_loop3A_713 = arith.index_cast %parallel_loop3A_712 : i32 to index
        %parallel_loop3A_714 = arith.index_cast %parallel_loop3A_709 : i32 to index
        %parallel_loop3A_715 = arith.constant 0 : index
        %parallel_loop3A_716 = tpu.vector_load %arg6[%parallel_loop3A_713, %parallel_loop3A_714, %parallel_loop3A_715] {strides = array<i32>} : memref<4x128x64xf32, #tpu.memory_space<vmem>>, vector<16xf32>,
        %parallel_loop3A_717 = arith.constant 1 : i32
        %parallel_loop3A_718 = arith.index_cast %parallel_loop3A_717 : i32 to index
        %parallel_loop3A_719 = arith.index_cast %parallel_loop3A_709 : i32 to index
        %parallel_loop3A_720 = arith.constant 16 : index
        %parallel_loop3A_721 = tpu.vector_load %arg6[%parallel_loop3A_718, %parallel_loop3A_719, %parallel_loop3A_720] {strides = array<i32>} : memref<4x128x64xf32, #tpu.memory_space<vmem>>, vector<16xf32>,
        %parallel_loop3A_722 = arith.constant 1 : i32
        %parallel_loop3A_723 = arith.index_cast %parallel_loop3A_722 : i32 to index
        %parallel_loop3A_724 = arith.index_cast %parallel_loop3A_709 : i32 to index
        %parallel_loop3A_725 = arith.constant 32 : index
        %parallel_loop3A_726 = tpu.vector_load %arg6[%parallel_loop3A_723, %parallel_loop3A_724, %parallel_loop3A_725] {strides = array<i32>} : memref<4x128x64xf32, #tpu.memory_space<vmem>>, vector<16xf32>,
        %parallel_loop3A_727 = arith.constant 1 : i32
        %parallel_loop3A_728 = arith.index_cast %parallel_loop3A_727 : i32 to index
        %parallel_loop3A_729 = arith.index_cast %parallel_loop3A_709 : i32 to index
        %parallel_loop3A_730 = arith.constant 48 : index
        %parallel_loop3A_731 = tpu.vector_load %arg6[%parallel_loop3A_728, %parallel_loop3A_729, %parallel_loop3A_730] {strides = array<i32>} : memref<4x128x64xf32, #tpu.memory_space<vmem>>, vector<16xf32>,
        %parallel_loop3A_732 = arith.constant 0 : i32
        %parallel_loop3A_733 = vector.broadcast %parallel_loop3A_732 : i32 to vector<16xi32>
        %parallel_loop3A_734 = arith.addi %select_n3A, %parallel_loop3A_733 : vector<16xi32>
        %parallel_loop3A_735 = arith.constant 1 : i32
        %parallel_loop3A_736 = arith.constant 0 : i32
        %parallel_loop3A_737 = arith.constant 0 : i32
        %parallel_loop3A_738 = arith.constant 0 : i32
        %parallel_loop3A_739 = arith.constant 0 : i32
        %parallel_loop3A_740 = tpu.memref_slice %arg7[%parallel_loop3A_735, %parallel_loop3A_736, %parallel_loop3A_737, %parallel_loop3A_738, %parallel_loop3A_739] : memref<4x8x1x8x129xf32, #tpu.memory_space<vmem>> -> memref<1x8x1x8x129xf32, #tpu.memory_space<vmem>>
        %parallel_loop3A_741 = tpu.memref_squeeze %parallel_loop3A_740 : memref<1x8x1x8x129xf32, #tpu.memory_space<vmem>> -> memref<8x1x8x129xf32, #tpu.memory_space<vmem>>
        tpu.vector_store_idx %parallel_loop3A_741[%parallel_loop3A_734, %broadcast_in_dim3A_48, %select_n3A_47, %parallel_loop3A_711], %parallel_loop3A_716 : memref<8x1x8x129xf32, #tpu.memory_space<vmem>>[vector<16xi32>, vector<16xi32>, vector<16xi32>, vector<16xi32>], vector<16xf32>,
        %parallel_loop3A_742 = arith.constant 2 : i32
        %parallel_loop3A_743 = vector.broadcast %parallel_loop3A_742 : i32 to vector<16xi32>
        %parallel_loop3A_744 = arith.addi %select_n3A, %parallel_loop3A_743 : vector<16xi32>
        %parallel_loop3A_745 = arith.constant 1 : i32
        %parallel_loop3A_746 = arith.constant 0 : i32
        %parallel_loop3A_747 = arith.constant 0 : i32
        %parallel_loop3A_748 = arith.constant 0 : i32
        %parallel_loop3A_749 = arith.constant 0 : i32
        %parallel_loop3A_750 = tpu.memref_slice %arg7[%parallel_loop3A_745, %parallel_loop3A_746, %parallel_loop3A_747, %parallel_loop3A_748, %parallel_loop3A_749] : memref<4x8x1x8x129xf32, #tpu.memory_space<vmem>> -> memref<1x8x1x8x129xf32, #tpu.memory_space<vmem>>
        %parallel_loop3A_751 = tpu.memref_squeeze %parallel_loop3A_750 : memref<1x8x1x8x129xf32, #tpu.memory_space<vmem>> -> memref<8x1x8x129xf32, #tpu.memory_space<vmem>>
        tpu.vector_store_idx %parallel_loop3A_751[%parallel_loop3A_744, %broadcast_in_dim3A_48, %select_n3A_47, %parallel_loop3A_711], %parallel_loop3A_721 : memref<8x1x8x129xf32, #tpu.memory_space<vmem>>[vector<16xi32>, vector<16xi32>, vector<16xi32>, vector<16xi32>], vector<16xf32>,
        %parallel_loop3A_752 = arith.constant 4 : i32
        %parallel_loop3A_753 = vector.broadcast %parallel_loop3A_752 : i32 to vector<16xi32>
        %parallel_loop3A_754 = arith.addi %select_n3A, %parallel_loop3A_753 : vector<16xi32>
        %parallel_loop3A_755 = arith.constant 1 : i32
        %parallel_loop3A_756 = arith.constant 0 : i32
        %parallel_loop3A_757 = arith.constant 0 : i32
        %parallel_loop3A_758 = arith.constant 0 : i32
        %parallel_loop3A_759 = arith.constant 0 : i32
        %parallel_loop3A_760 = tpu.memref_slice %arg7[%parallel_loop3A_755, %parallel_loop3A_756, %parallel_loop3A_757, %parallel_loop3A_758, %parallel_loop3A_759] : memref<4x8x1x8x129xf32, #tpu.memory_space<vmem>> -> memref<1x8x1x8x129xf32, #tpu.memory_space<vmem>>
        %parallel_loop3A_761 = tpu.memref_squeeze %parallel_loop3A_760 : memref<1x8x1x8x129xf32, #tpu.memory_space<vmem>> -> memref<8x1x8x129xf32, #tpu.memory_space<vmem>>
        tpu.vector_store_idx %parallel_loop3A_761[%parallel_loop3A_754, %broadcast_in_dim3A_48, %select_n3A_47, %parallel_loop3A_711], %parallel_loop3A_726 : memref<8x1x8x129xf32, #tpu.memory_space<vmem>>[vector<16xi32>, vector<16xi32>, vector<16xi32>, vector<16xi32>], vector<16xf32>,
        %parallel_loop3A_762 = arith.constant 6 : i32
        %parallel_loop3A_763 = vector.broadcast %parallel_loop3A_762 : i32 to vector<16xi32>
        %parallel_loop3A_764 = arith.addi %select_n3A, %parallel_loop3A_763 : vector<16xi32>
        %parallel_loop3A_765 = arith.constant 1 : i32
        %parallel_loop3A_766 = arith.constant 0 : i32
        %parallel_loop3A_767 = arith.constant 0 : i32
        %parallel_loop3A_768 = arith.constant 0 : i32
        %parallel_loop3A_769 = arith.constant 0 : i32
        %parallel_loop3A_770 = tpu.memref_slice %arg7[%parallel_loop3A_765, %parallel_loop3A_766, %parallel_loop3A_767, %parallel_loop3A_768, %parallel_loop3A_769] : memref<4x8x1x8x129xf32, #tpu.memory_space<vmem>> -> memref<1x8x1x8x129xf32, #tpu.memory_space<vmem>>
        %parallel_loop3A_771 = tpu.memref_squeeze %parallel_loop3A_770 : memref<1x8x1x8x129xf32, #tpu.memory_space<vmem>> -> memref<8x1x8x129xf32, #tpu.memory_space<vmem>>
        tpu.vector_store_idx %parallel_loop3A_771[%parallel_loop3A_764, %broadcast_in_dim3A_48, %select_n3A_47, %parallel_loop3A_711], %parallel_loop3A_731 : memref<8x1x8x129xf32, #tpu.memory_space<vmem>>[vector<16xi32>, vector<16xi32>, vector<16xi32>, vector<16xi32>], vector<16xf32>,
      } {sc.loop_unroll_factor = 8 : i64, sc.parallel_access}
      %add3A_462 = arith.addi %mul3A_4, %add3A_442 : i32
      %jit3A_463 = arith.constant 128 : i32
      %div3A_464 = arith.divsi %add3A_462, %jit3A_463 : i32
      %sign3A_465 = arith.constant 0 : i32
      %sign3A_466 = arith.cmpi sgt, %add3A_462, %sign3A_465 : i32
      %sign3A_467 = arith.extui %sign3A_466 : i1 to i32
      %sign3A_468 = arith.constant 0 : i32
      %sign3A_469 = arith.cmpi slt, %add3A_462, %sign3A_468 : i32
      %sign3A_470 = arith.extui %sign3A_469 : i1 to i32
      %sign3A_471 = arith.subi %sign3A_467, %sign3A_470 : i32
      %sign3A_472 = arith.constant 0 : i32
      %sign3A_473 = arith.cmpi sgt, %jit3A_463, %sign3A_472 : i32
      %sign3A_474 = arith.extui %sign3A_473 : i1 to i32
      %sign3A_475 = arith.constant 0 : i32
      %sign3A_476 = arith.cmpi slt, %jit3A_463, %sign3A_475 : i32
      %sign3A_477 = arith.extui %sign3A_476 : i1 to i32
      %sign3A_478 = arith.subi %sign3A_474, %sign3A_477 : i32
      %ne3A_479 = arith.cmpi ne, %sign3A_471, %sign3A_478 : i32
      %rem3A_480 = arith.remsi %add3A_462, %jit3A_463 : i32
      %ne3A_481 = arith.constant 0 : i32
      %ne3A_482 = arith.cmpi ne, %rem3A_480, %ne3A_481 : i32
      %and3A_483 = arith.andi %ne3A_479, %ne3A_482 : i1
      %sub3A_484 = arith.constant 1 : i32
      %sub3A_485 = arith.subi %div3A_464, %sub3A_484 : i32
      %select_n3A_486 = arith.select %and3A_483, %sub3A_485, %div3A_464 : i32
      %jit3A_487 = arith.constant 128 : i32
      %eq3A_488 = arith.constant 0 : i32
      %eq3A_489 = arith.cmpi eq, %jit3A_487, %eq3A_488 : i32
      %jit3A_490 = arith.constant 1 : i32
      %select_n3A_491 = arith.select %eq3A_489, %jit3A_490, %jit3A_487 : i32
      %rem3A_492 = arith.remsi %add3A_462, %select_n3A_491 : i32
      %ne3A_493 = arith.constant 0 : i32
      %ne3A_494 = arith.cmpi ne, %rem3A_492, %ne3A_493 : i32
      %lt3A_495 = arith.constant 0 : i32
      %lt3A_496 = arith.cmpi slt, %rem3A_492, %lt3A_495 : i32
      %lt3A_497 = arith.constant 0 : i32
      %lt3A_498 = arith.cmpi slt, %select_n3A_491, %lt3A_497 : i32
      %ne3A_499 = arith.xori %lt3A_496, %lt3A_498 : i1
      %and3A_500 = arith.andi %ne3A_499, %ne3A_494 : i1
      %add3A_501 = arith.addi %rem3A_492, %select_n3A_491 : i32
      %select_n3A_502 = arith.select %and3A_500, %add3A_501, %rem3A_492 : i32
      %mul3A_503 = arith.constant 8 : i32
      %mul3A_504 = arith.muli %select_n3A_486, %mul3A_503 : i32
      %dma_start3A_505 = arith.constant 1 : i32
      %dma_start3A_506 = arith.constant 0 : i32
      %dma_start3A_507 = arith.constant 0 : i32
      %dma_start3A_508 = arith.constant 0 : i32
      %dma_start3A_509 = arith.constant 0 : i32
      %dma_start3A_510 = tpu.memref_slice %arg7[%dma_start3A_505, %dma_start3A_506, %dma_start3A_507, %dma_start3A_508, %dma_start3A_509] : memref<4x8x1x8x129xf32, #tpu.memory_space<vmem>> -> memref<1x8x1x8x128xf32, #tpu.memory_space<vmem>>
      %dma_start3A_511 = tpu.memref_squeeze %dma_start3A_510 : memref<1x8x1x8x128xf32, #tpu.memory_space<vmem>> -> memref<8x1x8x128xf32, #tpu.memory_space<vmem>>
      %dma_start3A_512 = arith.constant 0 : i32
      %dma_start3A_513 = arith.constant 0 : i32
      %dma_start3A_514 = tpu.memref_slice %arg4[%mul3A_504, %select_n3A_502, %dma_start3A_512, %dma_start3A_513] : memref<400x128x8x128xf32, #tpu.memory_space<hbm>> -> memref<8x1x8x128xf32, #tpu.memory_space<hbm>>
      %dma_start3A_515 = arith.constant 0 : i32
      %dma_start3A_516 = arith.constant 0 : i32
      %dma_start3A_517 = tpu.memref_slice %arg4[%mul3A_504, %select_n3A_502, %dma_start3A_515, %dma_start3A_516] : memref<400x128x8x128xf32, #tpu.memory_space<hbm>> -> memref<8x1x8x128xf32, #tpu.memory_space<hbm>>
      %dma_start3A_518 = arith.constant 0 : i32
      %dma_start3A_519 = arith.constant 0 : i32
      %dma_start3A_520 = arith.constant 0 : i32
      %dma_start3A_521 = arith.constant 0 : i32
      %dma_start3A_522 = tpu.memref_slice %arg7[%dma_start3A_505, %dma_start3A_518, %dma_start3A_519, %dma_start3A_520, %dma_start3A_521] : memref<4x8x1x8x129xf32, #tpu.memory_space<vmem>> -> memref<1x8x1x8x128xf32, #tpu.memory_space<vmem>>
      %dma_start3A_523 = tpu.memref_squeeze %dma_start3A_522 : memref<1x8x1x8x128xf32, #tpu.memory_space<vmem>> -> memref<8x1x8x128xf32, #tpu.memory_space<vmem>>
      tpu.enqueue_dma source(%dma_start3A_523 : memref<8x1x8x128xf32, #tpu.memory_space<vmem>>) target(%dma_start3A_517 : memref<8x1x8x128xf32, #tpu.memory_space<hbm>>) target_semaphore(%arg13 : memref<!tpu.dma_semaphore, #tpu.memory_space<semaphore_mem>>)
      %lt3A_524 = arith.constant 49 : i32
      %lt3A_525 = arith.cmpi slt, %scan3A_352, %lt3A_524 : i32
      %convert_element_type3A_526 = arith.extui %lt3A_525 : i1 to i32
      %cond3A_527 = arith.constant 0 : i32
      %cond3A_528 = arith.cmpi ne, %convert_element_type3A_526, %cond3A_527 : i32
      scf.if %cond3A_528 {
        %add3A_709 = arith.constant 4 : i32
        %add3A_710 = arith.addi %add3A_442, %add3A_709 : i32
        %dma_start3A_711 = arith.constant 1 : i32
        %dma_start3A_712 = arith.constant 0 : i32
        %dma_start3A_713 = arith.constant 0 : i32
        %dma_start3A_714 = tpu.memref_slice %arg6[%dma_start3A_711, %dma_start3A_712, %dma_start3A_713] : memref<4x128x64xf32, #tpu.memory_space<vmem>> -> memref<1x128x64xf32, #tpu.memory_space<vmem>>
        %dma_start3A_715 = tpu.memref_squeeze %dma_start3A_714 : memref<1x128x64xf32, #tpu.memory_space<vmem>> -> memref<128x64xf32, #tpu.memory_space<vmem>>
        %dma_start3A_716 = arith.constant 0 : i32
        %dma_start3A_717 = tpu.memref_slice %arg5[%add3A_710, %dma_start3A_716] : memref<200x128xi32, #tpu.memory_space<vmem>> -> memref<1x128xi32, #tpu.memory_space<vmem>>
        %dma_start3A_718 = tpu.memref_squeeze %dma_start3A_717 : memref<1x128xi32, #tpu.memory_space<vmem>> -> memref<128xi32, #tpu.memory_space<vmem>>
        %dma_start3A_719 = arith.constant 0 : i32
        %dma_start3A_720 = arith.constant 0 : i32
        %dma_start3A_721 = tpu.memref_slice %arg3[%dma_start3A_719, %dma_start3A_720] : memref<1000000x64xf32, #tpu.memory_space<hbm>> -> memref<1000000x64xf32, #tpu.memory_space<hbm>>
        tpu.enqueue_indirect_dma source(%dma_start3A_721 : memref<1000000x64xf32, #tpu.memory_space<hbm>>) target(%dma_start3A_715 : memref<128x64xf32, #tpu.memory_space<vmem>>) offsets(%dma_start3A_718 : memref<128xi32, #tpu.memory_space<vmem>>) semaphore(%arg9 : memref<!tpu.dma_semaphore, #tpu.memory_space<semaphore_mem>>)
      } else {
      }
      %mul3A_529 = arith.constant 4 : i32
      %mul3A_530 = arith.muli %scan3A_352, %mul3A_529 : i32
      %add3A_531 = arith.constant 2 : i32
      %add3A_532 = arith.addi %mul3A_530, %add3A_531 : i32
      %dma_wait3A_533 = arith.constant 2 : i32
      %dma_wait3A_534 = arith.constant 0 : i32
      %dma_wait3A_535 = arith.constant 0 : i32
      %dma_wait3A_536 = tpu.memref_slice %arg6[%dma_wait3A_533, %dma_wait3A_534, %dma_wait3A_535] : memref<4x128x64xf32, #tpu.memory_space<vmem>> -> memref<1x128x64xf32, #tpu.memory_space<vmem>>
      %dma_wait3A_537 = tpu.memref_squeeze %dma_wait3A_536 : memref<1x128x64xf32, #tpu.memory_space<vmem>> -> memref<128x64xf32, #tpu.memory_space<vmem>>
      %dma_wait3A_538 = arith.constant 0 : i32
      %dma_wait3A_539 = tpu.memref_slice %arg5[%add3A_532, %dma_wait3A_538] : memref<200x128xi32, #tpu.memory_space<vmem>> -> memref<1x128xi32, #tpu.memory_space<vmem>>
      %dma_wait3A_540 = tpu.memref_squeeze %dma_wait3A_539 : memref<1x128xi32, #tpu.memory_space<vmem>> -> memref<128xi32, #tpu.memory_space<vmem>>
      %dma_wait3A_541 = arith.constant 0 : i32
      %dma_wait3A_542 = arith.constant 0 : i32
      %dma_wait3A_543 = tpu.memref_slice %arg3[%dma_wait3A_541, %dma_wait3A_542] : memref<1000000x64xf32, #tpu.memory_space<hbm>> -> memref<1000000x64xf32, #tpu.memory_space<hbm>>
      tpu.wait_indirect_dma semaphore(%arg10 : memref<!tpu.dma_semaphore, #tpu.memory_space<semaphore_mem>>) src(%dma_wait3A_543 : memref<1000000x64xf32, #tpu.memory_space<hbm>>) dst(%dma_wait3A_537 : memref<128x64xf32, #tpu.memory_space<vmem>>)
      %gt3A_544 = arith.constant 0 : i32
      %gt3A_545 = arith.cmpi sgt, %scan3A_352, %gt3A_544 : i32
      %convert_element_type3A_546 = arith.extui %gt3A_545 : i1 to i32
      %cond3A_547 = arith.constant 0 : i32
      %cond3A_548 = arith.cmpi ne, %convert_element_type3A_546, %cond3A_547 : i32
      scf.if %cond3A_548 {
        %sub3A_709 = arith.constant 4 : i32
        %sub3A_710 = arith.subi %add3A_532, %sub3A_709 : i32
        %add3A_711 = arith.addi %mul3A_4, %sub3A_710 : i32
        %jit3A_712 = arith.constant 128 : i32
        %div3A_713 = arith.divsi %add3A_711, %jit3A_712 : i32
        %sign3A_714 = arith.constant 0 : i32
        %sign3A_715 = arith.cmpi sgt, %add3A_711, %sign3A_714 : i32
        %sign3A_716 = arith.extui %sign3A_715 : i1 to i32
        %sign3A_717 = arith.constant 0 : i32
        %sign3A_718 = arith.cmpi slt, %add3A_711, %sign3A_717 : i32
        %sign3A_719 = arith.extui %sign3A_718 : i1 to i32
        %sign3A_720 = arith.subi %sign3A_716, %sign3A_719 : i32
        %sign3A_721 = arith.constant 0 : i32
        %sign3A_722 = arith.cmpi sgt, %jit3A_712, %sign3A_721 : i32
        %sign3A_723 = arith.extui %sign3A_722 : i1 to i32
        %sign3A_724 = arith.constant 0 : i32
        %sign3A_725 = arith.cmpi slt, %jit3A_712, %sign3A_724 : i32
        %sign3A_726 = arith.extui %sign3A_725 : i1 to i32
        %sign3A_727 = arith.subi %sign3A_723, %sign3A_726 : i32
        %ne3A_728 = arith.cmpi ne, %sign3A_720, %sign3A_727 : i32
        %rem3A_729 = arith.remsi %add3A_711, %jit3A_712 : i32
        %ne3A_730 = arith.constant 0 : i32
        %ne3A_731 = arith.cmpi ne, %rem3A_729, %ne3A_730 : i32
        %and3A_732 = arith.andi %ne3A_728, %ne3A_731 : i1
        %sub3A_733 = arith.constant 1 : i32
        %sub3A_734 = arith.subi %div3A_713, %sub3A_733 : i32
        %select_n3A_735 = arith.select %and3A_732, %sub3A_734, %div3A_713 : i32
        %jit3A_736 = arith.constant 128 : i32
        %eq3A_737 = arith.constant 0 : i32
        %eq3A_738 = arith.cmpi eq, %jit3A_736, %eq3A_737 : i32
        %jit3A_739 = arith.constant 1 : i32
        %select_n3A_740 = arith.select %eq3A_738, %jit3A_739, %jit3A_736 : i32
        %rem3A_741 = arith.remsi %add3A_711, %select_n3A_740 : i32
        %ne3A_742 = arith.constant 0 : i32
        %ne3A_743 = arith.cmpi ne, %rem3A_741, %ne3A_742 : i32
        %lt3A_744 = arith.constant 0 : i32
        %lt3A_745 = arith.cmpi slt, %rem3A_741, %lt3A_744 : i32
        %lt3A_746 = arith.constant 0 : i32
        %lt3A_747 = arith.cmpi slt, %select_n3A_740, %lt3A_746 : i32
        %ne3A_748 = arith.xori %lt3A_745, %lt3A_747 : i1
        %and3A_749 = arith.andi %ne3A_748, %ne3A_743 : i1
        %add3A_750 = arith.addi %rem3A_741, %select_n3A_740 : i32
        %select_n3A_751 = arith.select %and3A_749, %add3A_750, %rem3A_741 : i32
        %mul3A_752 = arith.constant 8 : i32
        %mul3A_753 = arith.muli %select_n3A_735, %mul3A_752 : i32
        %dma_wait3A_754 = arith.constant 2 : i32
        %dma_wait3A_755 = arith.constant 0 : i32
        %dma_wait3A_756 = arith.constant 0 : i32
        %dma_wait3A_757 = arith.constant 0 : i32
        %dma_wait3A_758 = arith.constant 0 : i32
        %dma_wait3A_759 = tpu.memref_slice %arg7[%dma_wait3A_754, %dma_wait3A_755, %dma_wait3A_756, %dma_wait3A_757, %dma_wait3A_758] : memref<4x8x1x8x129xf32, #tpu.memory_space<vmem>> -> memref<1x8x1x8x128xf32, #tpu.memory_space<vmem>>
        %dma_wait3A_760 = tpu.memref_squeeze %dma_wait3A_759 : memref<1x8x1x8x128xf32, #tpu.memory_space<vmem>> -> memref<8x1x8x128xf32, #tpu.memory_space<vmem>>
        %dma_wait3A_761 = arith.constant 0 : i32
        %dma_wait3A_762 = arith.constant 0 : i32
        %dma_wait3A_763 = tpu.memref_slice %arg4[%mul3A_753, %select_n3A_751, %dma_wait3A_761, %dma_wait3A_762] : memref<400x128x8x128xf32, #tpu.memory_space<hbm>> -> memref<8x1x8x128xf32, #tpu.memory_space<hbm>>
        %dma_wait3A_764 = arith.constant 0 : i32
        %dma_wait3A_765 = arith.constant 0 : i32
        %dma_wait3A_766 = tpu.memref_slice %arg4[%mul3A_753, %select_n3A_751, %dma_wait3A_764, %dma_wait3A_765] : memref<400x128x8x128xf32, #tpu.memory_space<hbm>> -> memref<8x1x8x128xf32, #tpu.memory_space<hbm>>
        %dma_wait3A_767 = arith.constant 0 : i32
        %dma_wait3A_768 = arith.constant 0 : i32
        %dma_wait3A_769 = arith.constant 0 : i32
        %dma_wait3A_770 = arith.constant 0 : i32
        %dma_wait3A_771 = tpu.memref_slice %arg7[%dma_wait3A_754, %dma_wait3A_767, %dma_wait3A_768, %dma_wait3A_769, %dma_wait3A_770] : memref<4x8x1x8x129xf32, #tpu.memory_space<vmem>> -> memref<1x8x1x8x128xf32, #tpu.memory_space<vmem>>
        %dma_wait3A_772 = tpu.memref_squeeze %dma_wait3A_771 : memref<1x8x1x8x128xf32, #tpu.memory_space<vmem>> -> memref<8x1x8x128xf32, #tpu.memory_space<vmem>>
        tpu.wait_dma2 semaphore(%arg14 : memref<!tpu.dma_semaphore, #tpu.memory_space<semaphore_mem>>) src(%dma_wait3A_772 : memref<8x1x8x128xf32, #tpu.memory_space<vmem>>) dst(%dma_wait3A_766 : memref<8x1x8x128xf32, #tpu.memory_space<hbm>>)
      } else {
      }
      %parallel_loop3A_549 = arith.constant 0 : i32
      %parallel_loop3A_550 = arith.constant 128 : i32
      %parallel_loop3A_551 = arith.constant 1 : i32
      scf.for %parallel_loop3A_709 = %parallel_loop3A_549 to %parallel_loop3A_550 step %parallel_loop3A_551  : i32 {
        %parallel_loop3A_710 = vector.broadcast %parallel_loop3A_709 : i32 to vector<16xi32>
        %parallel_loop3A_711 = arith.addi %broadcast_in_dim3A_48, %parallel_loop3A_710 : vector<16xi32>
        %parallel_loop3A_712 = arith.constant 2 : i32
        %parallel_loop3A_713 = arith.index_cast %parallel_loop3A_712 : i32 to index
        %parallel_loop3A_714 = arith.index_cast %parallel_loop3A_709 : i32 to index
        %parallel_loop3A_715 = arith.constant 0 : index
        %parallel_loop3A_716 = tpu.vector_load %arg6[%parallel_loop3A_713, %parallel_loop3A_714, %parallel_loop3A_715] {strides = array<i32>} : memref<4x128x64xf32, #tpu.memory_space<vmem>>, vector<16xf32>,
        %parallel_loop3A_717 = arith.constant 2 : i32
        %parallel_loop3A_718 = arith.index_cast %parallel_loop3A_717 : i32 to index
        %parallel_loop3A_719 = arith.index_cast %parallel_loop3A_709 : i32 to index
        %parallel_loop3A_720 = arith.constant 16 : index
        %parallel_loop3A_721 = tpu.vector_load %arg6[%parallel_loop3A_718, %parallel_loop3A_719, %parallel_loop3A_720] {strides = array<i32>} : memref<4x128x64xf32, #tpu.memory_space<vmem>>, vector<16xf32>,
        %parallel_loop3A_722 = arith.constant 2 : i32
        %parallel_loop3A_723 = arith.index_cast %parallel_loop3A_722 : i32 to index
        %parallel_loop3A_724 = arith.index_cast %parallel_loop3A_709 : i32 to index
        %parallel_loop3A_725 = arith.constant 32 : index
        %parallel_loop3A_726 = tpu.vector_load %arg6[%parallel_loop3A_723, %parallel_loop3A_724, %parallel_loop3A_725] {strides = array<i32>} : memref<4x128x64xf32, #tpu.memory_space<vmem>>, vector<16xf32>,
        %parallel_loop3A_727 = arith.constant 2 : i32
        %parallel_loop3A_728 = arith.index_cast %parallel_loop3A_727 : i32 to index
        %parallel_loop3A_729 = arith.index_cast %parallel_loop3A_709 : i32 to index
        %parallel_loop3A_730 = arith.constant 48 : index
        %parallel_loop3A_731 = tpu.vector_load %arg6[%parallel_loop3A_728, %parallel_loop3A_729, %parallel_loop3A_730] {strides = array<i32>} : memref<4x128x64xf32, #tpu.memory_space<vmem>>, vector<16xf32>,
        %parallel_loop3A_732 = arith.constant 0 : i32
        %parallel_loop3A_733 = vector.broadcast %parallel_loop3A_732 : i32 to vector<16xi32>
        %parallel_loop3A_734 = arith.addi %select_n3A, %parallel_loop3A_733 : vector<16xi32>
        %parallel_loop3A_735 = arith.constant 2 : i32
        %parallel_loop3A_736 = arith.constant 0 : i32
        %parallel_loop3A_737 = arith.constant 0 : i32
        %parallel_loop3A_738 = arith.constant 0 : i32
        %parallel_loop3A_739 = arith.constant 0 : i32
        %parallel_loop3A_740 = tpu.memref_slice %arg7[%parallel_loop3A_735, %parallel_loop3A_736, %parallel_loop3A_737, %parallel_loop3A_738, %parallel_loop3A_739] : memref<4x8x1x8x129xf32, #tpu.memory_space<vmem>> -> memref<1x8x1x8x129xf32, #tpu.memory_space<vmem>>
        %parallel_loop3A_741 = tpu.memref_squeeze %parallel_loop3A_740 : memref<1x8x1x8x129xf32, #tpu.memory_space<vmem>> -> memref<8x1x8x129xf32, #tpu.memory_space<vmem>>
        tpu.vector_store_idx %parallel_loop3A_741[%parallel_loop3A_734, %broadcast_in_dim3A_48, %select_n3A_47, %parallel_loop3A_711], %parallel_loop3A_716 : memref<8x1x8x129xf32, #tpu.memory_space<vmem>>[vector<16xi32>, vector<16xi32>, vector<16xi32>, vector<16xi32>], vector<16xf32>,
        %parallel_loop3A_742 = arith.constant 2 : i32
        %parallel_loop3A_743 = vector.broadcast %parallel_loop3A_742 : i32 to vector<16xi32>
        %parallel_loop3A_744 = arith.addi %select_n3A, %parallel_loop3A_743 : vector<16xi32>
        %parallel_loop3A_745 = arith.constant 2 : i32
        %parallel_loop3A_746 = arith.constant 0 : i32
        %parallel_loop3A_747 = arith.constant 0 : i32
        %parallel_loop3A_748 = arith.constant 0 : i32
        %parallel_loop3A_749 = arith.constant 0 : i32
        %parallel_loop3A_750 = tpu.memref_slice %arg7[%parallel_loop3A_745, %parallel_loop3A_746, %parallel_loop3A_747, %parallel_loop3A_748, %parallel_loop3A_749] : memref<4x8x1x8x129xf32, #tpu.memory_space<vmem>> -> memref<1x8x1x8x129xf32, #tpu.memory_space<vmem>>
        %parallel_loop3A_751 = tpu.memref_squeeze %parallel_loop3A_750 : memref<1x8x1x8x129xf32, #tpu.memory_space<vmem>> -> memref<8x1x8x129xf32, #tpu.memory_space<vmem>>
        tpu.vector_store_idx %parallel_loop3A_751[%parallel_loop3A_744, %broadcast_in_dim3A_48, %select_n3A_47, %parallel_loop3A_711], %parallel_loop3A_721 : memref<8x1x8x129xf32, #tpu.memory_space<vmem>>[vector<16xi32>, vector<16xi32>, vector<16xi32>, vector<16xi32>], vector<16xf32>,
        %parallel_loop3A_752 = arith.constant 4 : i32
        %parallel_loop3A_753 = vector.broadcast %parallel_loop3A_752 : i32 to vector<16xi32>
        %parallel_loop3A_754 = arith.addi %select_n3A, %parallel_loop3A_753 : vector<16xi32>
        %parallel_loop3A_755 = arith.constant 2 : i32
        %parallel_loop3A_756 = arith.constant 0 : i32
        %parallel_loop3A_757 = arith.constant 0 : i32
        %parallel_loop3A_758 = arith.constant 0 : i32
        %parallel_loop3A_759 = arith.constant 0 : i32
        %parallel_loop3A_760 = tpu.memref_slice %arg7[%parallel_loop3A_755, %parallel_loop3A_756, %parallel_loop3A_757, %parallel_loop3A_758, %parallel_loop3A_759] : memref<4x8x1x8x129xf32, #tpu.memory_space<vmem>> -> memref<1x8x1x8x129xf32, #tpu.memory_space<vmem>>
        %parallel_loop3A_761 = tpu.memref_squeeze %parallel_loop3A_760 : memref<1x8x1x8x129xf32, #tpu.memory_space<vmem>> -> memref<8x1x8x129xf32, #tpu.memory_space<vmem>>
        tpu.vector_store_idx %parallel_loop3A_761[%parallel_loop3A_754, %broadcast_in_dim3A_48, %select_n3A_47, %parallel_loop3A_711], %parallel_loop3A_726 : memref<8x1x8x129xf32, #tpu.memory_space<vmem>>[vector<16xi32>, vector<16xi32>, vector<16xi32>, vector<16xi32>], vector<16xf32>,
        %parallel_loop3A_762 = arith.constant 6 : i32
        %parallel_loop3A_763 = vector.broadcast %parallel_loop3A_762 : i32 to vector<16xi32>
        %parallel_loop3A_764 = arith.addi %select_n3A, %parallel_loop3A_763 : vector<16xi32>
        %parallel_loop3A_765 = arith.constant 2 : i32
        %parallel_loop3A_766 = arith.constant 0 : i32
        %parallel_loop3A_767 = arith.constant 0 : i32
        %parallel_loop3A_768 = arith.constant 0 : i32
        %parallel_loop3A_769 = arith.constant 0 : i32
        %parallel_loop3A_770 = tpu.memref_slice %arg7[%parallel_loop3A_765, %parallel_loop3A_766, %parallel_loop3A_767, %parallel_loop3A_768, %parallel_loop3A_769] : memref<4x8x1x8x129xf32, #tpu.memory_space<vmem>> -> memref<1x8x1x8x129xf32, #tpu.memory_space<vmem>>
        %parallel_loop3A_771 = tpu.memref_squeeze %parallel_loop3A_770 : memref<1x8x1x8x129xf32, #tpu.memory_space<vmem>> -> memref<8x1x8x129xf32, #tpu.memory_space<vmem>>
        tpu.vector_store_idx %parallel_loop3A_771[%parallel_loop3A_764, %broadcast_in_dim3A_48, %select_n3A_47, %parallel_loop3A_711], %parallel_loop3A_731 : memref<8x1x8x129xf32, #tpu.memory_space<vmem>>[vector<16xi32>, vector<16xi32>, vector<16xi32>, vector<16xi32>], vector<16xf32>,
      } {sc.loop_unroll_factor = 8 : i64, sc.parallel_access}
      %add3A_552 = arith.addi %mul3A_4, %add3A_532 : i32
      %jit3A_553 = arith.constant 128 : i32
      %div3A_554 = arith.divsi %add3A_552, %jit3A_553 : i32
      %sign3A_555 = arith.constant 0 : i32
      %sign3A_556 = arith.cmpi sgt, %add3A_552, %sign3A_555 : i32
      %sign3A_557 = arith.extui %sign3A_556 : i1 to i32
      %sign3A_558 = arith.constant 0 : i32
      %sign3A_559 = arith.cmpi slt, %add3A_552, %sign3A_558 : i32
      %sign3A_560 = arith.extui %sign3A_559 : i1 to i32
      %sign3A_561 = arith.subi %sign3A_557, %sign3A_560 : i32
      %sign3A_562 = arith.constant 0 : i32
      %sign3A_563 = arith.cmpi sgt, %jit3A_553, %sign3A_562 : i32
      %sign3A_564 = arith.extui %sign3A_563 : i1 to i32
      %sign3A_565 = arith.constant 0 : i32
      %sign3A_566 = arith.cmpi slt, %jit3A_553, %sign3A_565 : i32
      %sign3A_567 = arith.extui %sign3A_566 : i1 to i32
      %sign3A_568 = arith.subi %sign3A_564, %sign3A_567 : i32
      %ne3A_569 = arith.cmpi ne, %sign3A_561, %sign3A_568 : i32
      %rem3A_570 = arith.remsi %add3A_552, %jit3A_553 : i32
      %ne3A_571 = arith.constant 0 : i32
      %ne3A_572 = arith.cmpi ne, %rem3A_570, %ne3A_571 : i32
      %and3A_573 = arith.andi %ne3A_569, %ne3A_572 : i1
      %sub3A_574 = arith.constant 1 : i32
      %sub3A_575 = arith.subi %div3A_554, %sub3A_574 : i32
      %select_n3A_576 = arith.select %and3A_573, %sub3A_575, %div3A_554 : i32
      %jit3A_577 = arith.constant 128 : i32
      %eq3A_578 = arith.constant 0 : i32
      %eq3A_579 = arith.cmpi eq, %jit3A_577, %eq3A_578 : i32
      %jit3A_580 = arith.constant 1 : i32
      %select_n3A_581 = arith.select %eq3A_579, %jit3A_580, %jit3A_577 : i32
      %rem3A_582 = arith.remsi %add3A_552, %select_n3A_581 : i32
      %ne3A_583 = arith.constant 0 : i32
      %ne3A_584 = arith.cmpi ne, %rem3A_582, %ne3A_583 : i32
      %lt3A_585 = arith.constant 0 : i32
      %lt3A_586 = arith.cmpi slt, %rem3A_582, %lt3A_585 : i32
      %lt3A_587 = arith.constant 0 : i32
      %lt3A_588 = arith.cmpi slt, %select_n3A_581, %lt3A_587 : i32
      %ne3A_589 = arith.xori %lt3A_586, %lt3A_588 : i1
      %and3A_590 = arith.andi %ne3A_589, %ne3A_584 : i1
      %add3A_591 = arith.addi %rem3A_582, %select_n3A_581 : i32
      %select_n3A_592 = arith.select %and3A_590, %add3A_591, %rem3A_582 : i32
      %mul3A_593 = arith.constant 8 : i32
      %mul3A_594 = arith.muli %select_n3A_576, %mul3A_593 : i32
      %dma_start3A_595 = arith.constant 2 : i32
      %dma_start3A_596 = arith.constant 0 : i32
      %dma_start3A_597 = arith.constant 0 : i32
      %dma_start3A_598 = arith.constant 0 : i32
      %dma_start3A_599 = arith.constant 0 : i32
      %dma_start3A_600 = tpu.memref_slice %arg7[%dma_start3A_595, %dma_start3A_596, %dma_start3A_597, %dma_start3A_598, %dma_start3A_599] : memref<4x8x1x8x129xf32, #tpu.memory_space<vmem>> -> memref<1x8x1x8x128xf32, #tpu.memory_space<vmem>>
      %dma_start3A_601 = tpu.memref_squeeze %dma_start3A_600 : memref<1x8x1x8x128xf32, #tpu.memory_space<vmem>> -> memref<8x1x8x128xf32, #tpu.memory_space<vmem>>
      %dma_start3A_602 = arith.constant 0 : i32
      %dma_start3A_603 = arith.constant 0 : i32
      %dma_start3A_604 = tpu.memref_slice %arg4[%mul3A_594, %select_n3A_592, %dma_start3A_602, %dma_start3A_603] : memref<400x128x8x128xf32, #tpu.memory_space<hbm>> -> memref<8x1x8x128xf32, #tpu.memory_space<hbm>>
      %dma_start3A_605 = arith.constant 0 : i32
      %dma_start3A_606 = arith.constant 0 : i32
      %dma_start3A_607 = tpu.memref_slice %arg4[%mul3A_594, %select_n3A_592, %dma_start3A_605, %dma_start3A_606] : memref<400x128x8x128xf32, #tpu.memory_space<hbm>> -> memref<8x1x8x128xf32, #tpu.memory_space<hbm>>
      %dma_start3A_608 = arith.constant 0 : i32
      %dma_start3A_609 = arith.constant 0 : i32
      %dma_start3A_610 = arith.constant 0 : i32
      %dma_start3A_611 = arith.constant 0 : i32
      %dma_start3A_612 = tpu.memref_slice %arg7[%dma_start3A_595, %dma_start3A_608, %dma_start3A_609, %dma_start3A_610, %dma_start3A_611] : memref<4x8x1x8x129xf32, #tpu.memory_space<vmem>> -> memref<1x8x1x8x128xf32, #tpu.memory_space<vmem>>
      %dma_start3A_613 = tpu.memref_squeeze %dma_start3A_612 : memref<1x8x1x8x128xf32, #tpu.memory_space<vmem>> -> memref<8x1x8x128xf32, #tpu.memory_space<vmem>>
      tpu.enqueue_dma source(%dma_start3A_613 : memref<8x1x8x128xf32, #tpu.memory_space<vmem>>) target(%dma_start3A_607 : memref<8x1x8x128xf32, #tpu.memory_space<hbm>>) target_semaphore(%arg14 : memref<!tpu.dma_semaphore, #tpu.memory_space<semaphore_mem>>)
      %lt3A_614 = arith.constant 49 : i32
      %lt3A_615 = arith.cmpi slt, %scan3A_352, %lt3A_614 : i32
      %convert_element_type3A_616 = arith.extui %lt3A_615 : i1 to i32
      %cond3A_617 = arith.constant 0 : i32
      %cond3A_618 = arith.cmpi ne, %convert_element_type3A_616, %cond3A_617 : i32
      scf.if %cond3A_618 {
        %add3A_709 = arith.constant 4 : i32
        %add3A_710 = arith.addi %add3A_532, %add3A_709 : i32
        %dma_start3A_711 = arith.constant 2 : i32
        %dma_start3A_712 = arith.constant 0 : i32
        %dma_start3A_713 = arith.constant 0 : i32
        %dma_start3A_714 = tpu.memref_slice %arg6[%dma_start3A_711, %dma_start3A_712, %dma_start3A_713] : memref<4x128x64xf32, #tpu.memory_space<vmem>> -> memref<1x128x64xf32, #tpu.memory_space<vmem>>
        %dma_start3A_715 = tpu.memref_squeeze %dma_start3A_714 : memref<1x128x64xf32, #tpu.memory_space<vmem>> -> memref<128x64xf32, #tpu.memory_space<vmem>>
        %dma_start3A_716 = arith.constant 0 : i32
        %dma_start3A_717 = tpu.memref_slice %arg5[%add3A_710, %dma_start3A_716] : memref<200x128xi32, #tpu.memory_space<vmem>> -> memref<1x128xi32, #tpu.memory_space<vmem>>
        %dma_start3A_718 = tpu.memref_squeeze %dma_start3A_717 : memref<1x128xi32, #tpu.memory_space<vmem>> -> memref<128xi32, #tpu.memory_space<vmem>>
        %dma_start3A_719 = arith.constant 0 : i32
        %dma_start3A_720 = arith.constant 0 : i32
        %dma_start3A_721 = tpu.memref_slice %arg3[%dma_start3A_719, %dma_start3A_720] : memref<1000000x64xf32, #tpu.memory_space<hbm>> -> memref<1000000x64xf32, #tpu.memory_space<hbm>>
        tpu.enqueue_indirect_dma source(%dma_start3A_721 : memref<1000000x64xf32, #tpu.memory_space<hbm>>) target(%dma_start3A_715 : memref<128x64xf32, #tpu.memory_space<vmem>>) offsets(%dma_start3A_718 : memref<128xi32, #tpu.memory_space<vmem>>) semaphore(%arg10 : memref<!tpu.dma_semaphore, #tpu.memory_space<semaphore_mem>>)
      } else {
      }
      %mul3A_619 = arith.constant 4 : i32
      %mul3A_620 = arith.muli %scan3A_352, %mul3A_619 : i32
      %add3A_621 = arith.constant 3 : i32
      %add3A_622 = arith.addi %mul3A_620, %add3A_621 : i32
      %dma_wait3A_623 = arith.constant 3 : i32
      %dma_wait3A_624 = arith.constant 0 : i32
      %dma_wait3A_625 = arith.constant 0 : i32
      %dma_wait3A_626 = tpu.memref_slice %arg6[%dma_wait3A_623, %dma_wait3A_624, %dma_wait3A_625] : memref<4x128x64xf32, #tpu.memory_space<vmem>> -> memref<1x128x64xf32, #tpu.memory_space<vmem>>
      %dma_wait3A_627 = tpu.memref_squeeze %dma_wait3A_626 : memref<1x128x64xf32, #tpu.memory_space<vmem>> -> memref<128x64xf32, #tpu.memory_space<vmem>>
      %dma_wait3A_628 = arith.constant 0 : i32
      %dma_wait3A_629 = tpu.memref_slice %arg5[%add3A_622, %dma_wait3A_628] : memref<200x128xi32, #tpu.memory_space<vmem>> -> memref<1x128xi32, #tpu.memory_space<vmem>>
      %dma_wait3A_630 = tpu.memref_squeeze %dma_wait3A_629 : memref<1x128xi32, #tpu.memory_space<vmem>> -> memref<128xi32, #tpu.memory_space<vmem>>
      %dma_wait3A_631 = arith.constant 0 : i32
      %dma_wait3A_632 = arith.constant 0 : i32
      %dma_wait3A_633 = tpu.memref_slice %arg3[%dma_wait3A_631, %dma_wait3A_632] : memref<1000000x64xf32, #tpu.memory_space<hbm>> -> memref<1000000x64xf32, #tpu.memory_space<hbm>>
      tpu.wait_indirect_dma semaphore(%arg11 : memref<!tpu.dma_semaphore, #tpu.memory_space<semaphore_mem>>) src(%dma_wait3A_633 : memref<1000000x64xf32, #tpu.memory_space<hbm>>) dst(%dma_wait3A_627 : memref<128x64xf32, #tpu.memory_space<vmem>>)
      %gt3A_634 = arith.constant 0 : i32
      %gt3A_635 = arith.cmpi sgt, %scan3A_352, %gt3A_634 : i32
      %convert_element_type3A_636 = arith.extui %gt3A_635 : i1 to i32
      %cond3A_637 = arith.constant 0 : i32
      %cond3A_638 = arith.cmpi ne, %convert_element_type3A_636, %cond3A_637 : i32
      scf.if %cond3A_638 {
        %sub3A_709 = arith.constant 4 : i32
        %sub3A_710 = arith.subi %add3A_622, %sub3A_709 : i32
        %add3A_711 = arith.addi %mul3A_4, %sub3A_710 : i32
        %jit3A_712 = arith.constant 128 : i32
        %div3A_713 = arith.divsi %add3A_711, %jit3A_712 : i32
        %sign3A_714 = arith.constant 0 : i32
        %sign3A_715 = arith.cmpi sgt, %add3A_711, %sign3A_714 : i32
        %sign3A_716 = arith.extui %sign3A_715 : i1 to i32
        %sign3A_717 = arith.constant 0 : i32
        %sign3A_718 = arith.cmpi slt, %add3A_711, %sign3A_717 : i32
        %sign3A_719 = arith.extui %sign3A_718 : i1 to i32
        %sign3A_720 = arith.subi %sign3A_716, %sign3A_719 : i32
        %sign3A_721 = arith.constant 0 : i32
        %sign3A_722 = arith.cmpi sgt, %jit3A_712, %sign3A_721 : i32
        %sign3A_723 = arith.extui %sign3A_722 : i1 to i32
        %sign3A_724 = arith.constant 0 : i32
        %sign3A_725 = arith.cmpi slt, %jit3A_712, %sign3A_724 : i32
        %sign3A_726 = arith.extui %sign3A_725 : i1 to i32
        %sign3A_727 = arith.subi %sign3A_723, %sign3A_726 : i32
        %ne3A_728 = arith.cmpi ne, %sign3A_720, %sign3A_727 : i32
        %rem3A_729 = arith.remsi %add3A_711, %jit3A_712 : i32
        %ne3A_730 = arith.constant 0 : i32
        %ne3A_731 = arith.cmpi ne, %rem3A_729, %ne3A_730 : i32
        %and3A_732 = arith.andi %ne3A_728, %ne3A_731 : i1
        %sub3A_733 = arith.constant 1 : i32
        %sub3A_734 = arith.subi %div3A_713, %sub3A_733 : i32
        %select_n3A_735 = arith.select %and3A_732, %sub3A_734, %div3A_713 : i32
        %jit3A_736 = arith.constant 128 : i32
        %eq3A_737 = arith.constant 0 : i32
        %eq3A_738 = arith.cmpi eq, %jit3A_736, %eq3A_737 : i32
        %jit3A_739 = arith.constant 1 : i32
        %select_n3A_740 = arith.select %eq3A_738, %jit3A_739, %jit3A_736 : i32
        %rem3A_741 = arith.remsi %add3A_711, %select_n3A_740 : i32
        %ne3A_742 = arith.constant 0 : i32
        %ne3A_743 = arith.cmpi ne, %rem3A_741, %ne3A_742 : i32
        %lt3A_744 = arith.constant 0 : i32
        %lt3A_745 = arith.cmpi slt, %rem3A_741, %lt3A_744 : i32
        %lt3A_746 = arith.constant 0 : i32
        %lt3A_747 = arith.cmpi slt, %select_n3A_740, %lt3A_746 : i32
        %ne3A_748 = arith.xori %lt3A_745, %lt3A_747 : i1
        %and3A_749 = arith.andi %ne3A_748, %ne3A_743 : i1
        %add3A_750 = arith.addi %rem3A_741, %select_n3A_740 : i32
        %select_n3A_751 = arith.select %and3A_749, %add3A_750, %rem3A_741 : i32
        %mul3A_752 = arith.constant 8 : i32
        %mul3A_753 = arith.muli %select_n3A_735, %mul3A_752 : i32
        %dma_wait3A_754 = arith.constant 3 : i32
        %dma_wait3A_755 = arith.constant 0 : i32
        %dma_wait3A_756 = arith.constant 0 : i32
        %dma_wait3A_757 = arith.constant 0 : i32
        %dma_wait3A_758 = arith.constant 0 : i32
        %dma_wait3A_759 = tpu.memref_slice %arg7[%dma_wait3A_754, %dma_wait3A_755, %dma_wait3A_756, %dma_wait3A_757, %dma_wait3A_758] : memref<4x8x1x8x129xf32, #tpu.memory_space<vmem>> -> memref<1x8x1x8x128xf32, #tpu.memory_space<vmem>>
        %dma_wait3A_760 = tpu.memref_squeeze %dma_wait3A_759 : memref<1x8x1x8x128xf32, #tpu.memory_space<vmem>> -> memref<8x1x8x128xf32, #tpu.memory_space<vmem>>
        %dma_wait3A_761 = arith.constant 0 : i32
        %dma_wait3A_762 = arith.constant 0 : i32
        %dma_wait3A_763 = tpu.memref_slice %arg4[%mul3A_753, %select_n3A_751, %dma_wait3A_761, %dma_wait3A_762] : memref<400x128x8x128xf32, #tpu.memory_space<hbm>> -> memref<8x1x8x128xf32, #tpu.memory_space<hbm>>
        %dma_wait3A_764 = arith.constant 0 : i32
        %dma_wait3A_765 = arith.constant 0 : i32
        %dma_wait3A_766 = tpu.memref_slice %arg4[%mul3A_753, %select_n3A_751, %dma_wait3A_764, %dma_wait3A_765] : memref<400x128x8x128xf32, #tpu.memory_space<hbm>> -> memref<8x1x8x128xf32, #tpu.memory_space<hbm>>
        %dma_wait3A_767 = arith.constant 0 : i32
        %dma_wait3A_768 = arith.constant 0 : i32
        %dma_wait3A_769 = arith.constant 0 : i32
        %dma_wait3A_770 = arith.constant 0 : i32
        %dma_wait3A_771 = tpu.memref_slice %arg7[%dma_wait3A_754, %dma_wait3A_767, %dma_wait3A_768, %dma_wait3A_769, %dma_wait3A_770] : memref<4x8x1x8x129xf32, #tpu.memory_space<vmem>> -> memref<1x8x1x8x128xf32, #tpu.memory_space<vmem>>
        %dma_wait3A_772 = tpu.memref_squeeze %dma_wait3A_771 : memref<1x8x1x8x128xf32, #tpu.memory_space<vmem>> -> memref<8x1x8x128xf32, #tpu.memory_space<vmem>>
        tpu.wait_dma2 semaphore(%arg15 : memref<!tpu.dma_semaphore, #tpu.memory_space<semaphore_mem>>) src(%dma_wait3A_772 : memref<8x1x8x128xf32, #tpu.memory_space<vmem>>) dst(%dma_wait3A_766 : memref<8x1x8x128xf32, #tpu.memory_space<hbm>>)
      } else {
      }
      %parallel_loop3A_639 = arith.constant 0 : i32
      %parallel_loop3A_640 = arith.constant 128 : i32
      %parallel_loop3A_641 = arith.constant 1 : i32
      scf.for %parallel_loop3A_709 = %parallel_loop3A_639 to %parallel_loop3A_640 step %parallel_loop3A_641  : i32 {
        %parallel_loop3A_710 = vector.broadcast %parallel_loop3A_709 : i32 to vector<16xi32>
        %parallel_loop3A_711 = arith.addi %broadcast_in_dim3A_48, %parallel_loop3A_710 : vector<16xi32>
        %parallel_loop3A_712 = arith.constant 3 : i32
        %parallel_loop3A_713 = arith.index_cast %parallel_loop3A_712 : i32 to index
        %parallel_loop3A_714 = arith.index_cast %parallel_loop3A_709 : i32 to index
        %parallel_loop3A_715 = arith.constant 0 : index
        %parallel_loop3A_716 = tpu.vector_load %arg6[%parallel_loop3A_713, %parallel_loop3A_714, %parallel_loop3A_715] {strides = array<i32>} : memref<4x128x64xf32, #tpu.memory_space<vmem>>, vector<16xf32>,
        %parallel_loop3A_717 = arith.constant 3 : i32
        %parallel_loop3A_718 = arith.index_cast %parallel_loop3A_717 : i32 to index
        %parallel_loop3A_719 = arith.index_cast %parallel_loop3A_709 : i32 to index
        %parallel_loop3A_720 = arith.constant 16 : index
        %parallel_loop3A_721 = tpu.vector_load %arg6[%parallel_loop3A_718, %parallel_loop3A_719, %parallel_loop3A_720] {strides = array<i32>} : memref<4x128x64xf32, #tpu.memory_space<vmem>>, vector<16xf32>,
        %parallel_loop3A_722 = arith.constant 3 : i32
        %parallel_loop3A_723 = arith.index_cast %parallel_loop3A_722 : i32 to index
        %parallel_loop3A_724 = arith.index_cast %parallel_loop3A_709 : i32 to index
        %parallel_loop3A_725 = arith.constant 32 : index
        %parallel_loop3A_726 = tpu.vector_load %arg6[%parallel_loop3A_723, %parallel_loop3A_724, %parallel_loop3A_725] {strides = array<i32>} : memref<4x128x64xf32, #tpu.memory_space<vmem>>, vector<16xf32>,
        %parallel_loop3A_727 = arith.constant 3 : i32
        %parallel_loop3A_728 = arith.index_cast %parallel_loop3A_727 : i32 to index
        %parallel_loop3A_729 = arith.index_cast %parallel_loop3A_709 : i32 to index
        %parallel_loop3A_730 = arith.constant 48 : index
        %parallel_loop3A_731 = tpu.vector_load %arg6[%parallel_loop3A_728, %parallel_loop3A_729, %parallel_loop3A_730] {strides = array<i32>} : memref<4x128x64xf32, #tpu.memory_space<vmem>>, vector<16xf32>,
        %parallel_loop3A_732 = arith.constant 0 : i32
        %parallel_loop3A_733 = vector.broadcast %parallel_loop3A_732 : i32 to vector<16xi32>
        %parallel_loop3A_734 = arith.addi %select_n3A, %parallel_loop3A_733 : vector<16xi32>
        %parallel_loop3A_735 = arith.constant 3 : i32
        %parallel_loop3A_736 = arith.constant 0 : i32
        %parallel_loop3A_737 = arith.constant 0 : i32
        %parallel_loop3A_738 = arith.constant 0 : i32
        %parallel_loop3A_739 = arith.constant 0 : i32
        %parallel_loop3A_740 = tpu.memref_slice %arg7[%parallel_loop3A_735, %parallel_loop3A_736, %parallel_loop3A_737, %parallel_loop3A_738, %parallel_loop3A_739] : memref<4x8x1x8x129xf32, #tpu.memory_space<vmem>> -> memref<1x8x1x8x129xf32, #tpu.memory_space<vmem>>
        %parallel_loop3A_741 = tpu.memref_squeeze %parallel_loop3A_740 : memref<1x8x1x8x129xf32, #tpu.memory_space<vmem>> -> memref<8x1x8x129xf32, #tpu.memory_space<vmem>>
        tpu.vector_store_idx %parallel_loop3A_741[%parallel_loop3A_734, %broadcast_in_dim3A_48, %select_n3A_47, %parallel_loop3A_711], %parallel_loop3A_716 : memref<8x1x8x129xf32, #tpu.memory_space<vmem>>[vector<16xi32>, vector<16xi32>, vector<16xi32>, vector<16xi32>], vector<16xf32>,
        %parallel_loop3A_742 = arith.constant 2 : i32
        %parallel_loop3A_743 = vector.broadcast %parallel_loop3A_742 : i32 to vector<16xi32>
        %parallel_loop3A_744 = arith.addi %select_n3A, %parallel_loop3A_743 : vector<16xi32>
        %parallel_loop3A_745 = arith.constant 3 : i32
        %parallel_loop3A_746 = arith.constant 0 : i32
        %parallel_loop3A_747 = arith.constant 0 : i32
        %parallel_loop3A_748 = arith.constant 0 : i32
        %parallel_loop3A_749 = arith.constant 0 : i32
        %parallel_loop3A_750 = tpu.memref_slice %arg7[%parallel_loop3A_745, %parallel_loop3A_746, %parallel_loop3A_747, %parallel_loop3A_748, %parallel_loop3A_749] : memref<4x8x1x8x129xf32, #tpu.memory_space<vmem>> -> memref<1x8x1x8x129xf32, #tpu.memory_space<vmem>>
        %parallel_loop3A_751 = tpu.memref_squeeze %parallel_loop3A_750 : memref<1x8x1x8x129xf32, #tpu.memory_space<vmem>> -> memref<8x1x8x129xf32, #tpu.memory_space<vmem>>
        tpu.vector_store_idx %parallel_loop3A_751[%parallel_loop3A_744, %broadcast_in_dim3A_48, %select_n3A_47, %parallel_loop3A_711], %parallel_loop3A_721 : memref<8x1x8x129xf32, #tpu.memory_space<vmem>>[vector<16xi32>, vector<16xi32>, vector<16xi32>, vector<16xi32>], vector<16xf32>,
        %parallel_loop3A_752 = arith.constant 4 : i32
        %parallel_loop3A_753 = vector.broadcast %parallel_loop3A_752 : i32 to vector<16xi32>
        %parallel_loop3A_754 = arith.addi %select_n3A, %parallel_loop3A_753 : vector<16xi32>
        %parallel_loop3A_755 = arith.constant 3 : i32
        %parallel_loop3A_756 = arith.constant 0 : i32
        %parallel_loop3A_757 = arith.constant 0 : i32
        %parallel_loop3A_758 = arith.constant 0 : i32
        %parallel_loop3A_759 = arith.constant 0 : i32
        %parallel_loop3A_760 = tpu.memref_slice %arg7[%parallel_loop3A_755, %parallel_loop3A_756, %parallel_loop3A_757, %parallel_loop3A_758, %parallel_loop3A_759] : memref<4x8x1x8x129xf32, #tpu.memory_space<vmem>> -> memref<1x8x1x8x129xf32, #tpu.memory_space<vmem>>
        %parallel_loop3A_761 = tpu.memref_squeeze %parallel_loop3A_760 : memref<1x8x1x8x129xf32, #tpu.memory_space<vmem>> -> memref<8x1x8x129xf32, #tpu.memory_space<vmem>>
        tpu.vector_store_idx %parallel_loop3A_761[%parallel_loop3A_754, %broadcast_in_dim3A_48, %select_n3A_47, %parallel_loop3A_711], %parallel_loop3A_726 : memref<8x1x8x129xf32, #tpu.memory_space<vmem>>[vector<16xi32>, vector<16xi32>, vector<16xi32>, vector<16xi32>], vector<16xf32>,
        %parallel_loop3A_762 = arith.constant 6 : i32
        %parallel_loop3A_763 = vector.broadcast %parallel_loop3A_762 : i32 to vector<16xi32>
        %parallel_loop3A_764 = arith.addi %select_n3A, %parallel_loop3A_763 : vector<16xi32>
        %parallel_loop3A_765 = arith.constant 3 : i32
        %parallel_loop3A_766 = arith.constant 0 : i32
        %parallel_loop3A_767 = arith.constant 0 : i32
        %parallel_loop3A_768 = arith.constant 0 : i32
        %parallel_loop3A_769 = arith.constant 0 : i32
        %parallel_loop3A_770 = tpu.memref_slice %arg7[%parallel_loop3A_765, %parallel_loop3A_766, %parallel_loop3A_767, %parallel_loop3A_768, %parallel_loop3A_769] : memref<4x8x1x8x129xf32, #tpu.memory_space<vmem>> -> memref<1x8x1x8x129xf32, #tpu.memory_space<vmem>>
        %parallel_loop3A_771 = tpu.memref_squeeze %parallel_loop3A_770 : memref<1x8x1x8x129xf32, #tpu.memory_space<vmem>> -> memref<8x1x8x129xf32, #tpu.memory_space<vmem>>
        tpu.vector_store_idx %parallel_loop3A_771[%parallel_loop3A_764, %broadcast_in_dim3A_48, %select_n3A_47, %parallel_loop3A_711], %parallel_loop3A_731 : memref<8x1x8x129xf32, #tpu.memory_space<vmem>>[vector<16xi32>, vector<16xi32>, vector<16xi32>, vector<16xi32>], vector<16xf32>,
      } {sc.loop_unroll_factor = 8 : i64, sc.parallel_access}
      %add3A_642 = arith.addi %mul3A_4, %add3A_622 : i32
      %jit3A_643 = arith.constant 128 : i32
      %div3A_644 = arith.divsi %add3A_642, %jit3A_643 : i32
      %sign3A_645 = arith.constant 0 : i32
      %sign3A_646 = arith.cmpi sgt, %add3A_642, %sign3A_645 : i32
      %sign3A_647 = arith.extui %sign3A_646 : i1 to i32
      %sign3A_648 = arith.constant 0 : i32
      %sign3A_649 = arith.cmpi slt, %add3A_642, %sign3A_648 : i32
      %sign3A_650 = arith.extui %sign3A_649 : i1 to i32
      %sign3A_651 = arith.subi %sign3A_647, %sign3A_650 : i32
      %sign3A_652 = arith.constant 0 : i32
      %sign3A_653 = arith.cmpi sgt, %jit3A_643, %sign3A_652 : i32
      %sign3A_654 = arith.extui %sign3A_653 : i1 to i32
      %sign3A_655 = arith.constant 0 : i32
      %sign3A_656 = arith.cmpi slt, %jit3A_643, %sign3A_655 : i32
      %sign3A_657 = arith.extui %sign3A_656 : i1 to i32
      %sign3A_658 = arith.subi %sign3A_654, %sign3A_657 : i32
      %ne3A_659 = arith.cmpi ne, %sign3A_651, %sign3A_658 : i32
      %rem3A_660 = arith.remsi %add3A_642, %jit3A_643 : i32
      %ne3A_661 = arith.constant 0 : i32
      %ne3A_662 = arith.cmpi ne, %rem3A_660, %ne3A_661 : i32
      %and3A_663 = arith.andi %ne3A_659, %ne3A_662 : i1
      %sub3A_664 = arith.constant 1 : i32
      %sub3A_665 = arith.subi %div3A_644, %sub3A_664 : i32
      %select_n3A_666 = arith.select %and3A_663, %sub3A_665, %div3A_644 : i32
      %jit3A_667 = arith.constant 128 : i32
      %eq3A_668 = arith.constant 0 : i32
      %eq3A_669 = arith.cmpi eq, %jit3A_667, %eq3A_668 : i32
      %jit3A_670 = arith.constant 1 : i32
      %select_n3A_671 = arith.select %eq3A_669, %jit3A_670, %jit3A_667 : i32
      %rem3A_672 = arith.remsi %add3A_642, %select_n3A_671 : i32
      %ne3A_673 = arith.constant 0 : i32
      %ne3A_674 = arith.cmpi ne, %rem3A_672, %ne3A_673 : i32
      %lt3A_675 = arith.constant 0 : i32
      %lt3A_676 = arith.cmpi slt, %rem3A_672, %lt3A_675 : i32
      %lt3A_677 = arith.constant 0 : i32
      %lt3A_678 = arith.cmpi slt, %select_n3A_671, %lt3A_677 : i32
      %ne3A_679 = arith.xori %lt3A_676, %lt3A_678 : i1
      %and3A_680 = arith.andi %ne3A_679, %ne3A_674 : i1
      %add3A_681 = arith.addi %rem3A_672, %select_n3A_671 : i32
      %select_n3A_682 = arith.select %and3A_680, %add3A_681, %rem3A_672 : i32
      %mul3A_683 = arith.constant 8 : i32
      %mul3A_684 = arith.muli %select_n3A_666, %mul3A_683 : i32
      %dma_start3A_685 = arith.constant 3 : i32
      %dma_start3A_686 = arith.constant 0 : i32
      %dma_start3A_687 = arith.constant 0 : i32
      %dma_start3A_688 = arith.constant 0 : i32
      %dma_start3A_689 = arith.constant 0 : i32
      %dma_start3A_690 = tpu.memref_slice %arg7[%dma_start3A_685, %dma_start3A_686, %dma_start3A_687, %dma_start3A_688, %dma_start3A_689] : memref<4x8x1x8x129xf32, #tpu.memory_space<vmem>> -> memref<1x8x1x8x128xf32, #tpu.memory_space<vmem>>
      %dma_start3A_691 = tpu.memref_squeeze %dma_start3A_690 : memref<1x8x1x8x128xf32, #tpu.memory_space<vmem>> -> memref<8x1x8x128xf32, #tpu.memory_space<vmem>>
      %dma_start3A_692 = arith.constant 0 : i32
      %dma_start3A_693 = arith.constant 0 : i32
      %dma_start3A_694 = tpu.memref_slice %arg4[%mul3A_684, %select_n3A_682, %dma_start3A_692, %dma_start3A_693] : memref<400x128x8x128xf32, #tpu.memory_space<hbm>> -> memref<8x1x8x128xf32, #tpu.memory_space<hbm>>
      %dma_start3A_695 = arith.constant 0 : i32
      %dma_start3A_696 = arith.constant 0 : i32
      %dma_start3A_697 = tpu.memref_slice %arg4[%mul3A_684, %select_n3A_682, %dma_start3A_695, %dma_start3A_696] : memref<400x128x8x128xf32, #tpu.memory_space<hbm>> -> memref<8x1x8x128xf32, #tpu.memory_space<hbm>>
      %dma_start3A_698 = arith.constant 0 : i32
      %dma_start3A_699 = arith.constant 0 : i32
      %dma_start3A_700 = arith.constant 0 : i32
      %dma_start3A_701 = arith.constant 0 : i32
      %dma_start3A_702 = tpu.memref_slice %arg7[%dma_start3A_685, %dma_start3A_698, %dma_start3A_699, %dma_start3A_700, %dma_start3A_701] : memref<4x8x1x8x129xf32, #tpu.memory_space<vmem>> -> memref<1x8x1x8x128xf32, #tpu.memory_space<vmem>>
      %dma_start3A_703 = tpu.memref_squeeze %dma_start3A_702 : memref<1x8x1x8x128xf32, #tpu.memory_space<vmem>> -> memref<8x1x8x128xf32, #tpu.memory_space<vmem>>
      tpu.enqueue_dma source(%dma_start3A_703 : memref<8x1x8x128xf32, #tpu.memory_space<vmem>>) target(%dma_start3A_697 : memref<8x1x8x128xf32, #tpu.memory_space<hbm>>) target_semaphore(%arg15 : memref<!tpu.dma_semaphore, #tpu.memory_space<semaphore_mem>>)
      %lt3A_704 = arith.constant 49 : i32
      %lt3A_705 = arith.cmpi slt, %scan3A_352, %lt3A_704 : i32
      %convert_element_type3A_706 = arith.extui %lt3A_705 : i1 to i32
      %cond3A_707 = arith.constant 0 : i32
      %cond3A_708 = arith.cmpi ne, %convert_element_type3A_706, %cond3A_707 : i32
      scf.if %cond3A_708 {
        %add3A_709 = arith.constant 4 : i32
        %add3A_710 = arith.addi %add3A_622, %add3A_709 : i32
        %dma_start3A_711 = arith.constant 3 : i32
        %dma_start3A_712 = arith.constant 0 : i32
        %dma_start3A_713 = arith.constant 0 : i32
        %dma_start3A_714 = tpu.memref_slice %arg6[%dma_start3A_711, %dma_start3A_712, %dma_start3A_713] : memref<4x128x64xf32, #tpu.memory_space<vmem>> -> memref<1x128x64xf32, #tpu.memory_space<vmem>>
        %dma_start3A_715 = tpu.memref_squeeze %dma_start3A_714 : memref<1x128x64xf32, #tpu.memory_space<vmem>> -> memref<128x64xf32, #tpu.memory_space<vmem>>
        %dma_start3A_716 = arith.constant 0 : i32
        %dma_start3A_717 = tpu.memref_slice %arg5[%add3A_710, %dma_start3A_716] : memref<200x128xi32, #tpu.memory_space<vmem>> -> memref<1x128xi32, #tpu.memory_space<vmem>>
        %dma_start3A_718 = tpu.memref_squeeze %dma_start3A_717 : memref<1x128xi32, #tpu.memory_space<vmem>> -> memref<128xi32, #tpu.memory_space<vmem>>
        %dma_start3A_719 = arith.constant 0 : i32
        %dma_start3A_720 = arith.constant 0 : i32
        %dma_start3A_721 = tpu.memref_slice %arg3[%dma_start3A_719, %dma_start3A_720] : memref<1000000x64xf32, #tpu.memory_space<hbm>> -> memref<1000000x64xf32, #tpu.memory_space<hbm>>
        tpu.enqueue_indirect_dma source(%dma_start3A_721 : memref<1000000x64xf32, #tpu.memory_space<hbm>>) target(%dma_start3A_715 : memref<128x64xf32, #tpu.memory_space<vmem>>) offsets(%dma_start3A_718 : memref<128xi32, #tpu.memory_space<vmem>>) semaphore(%arg11 : memref<!tpu.dma_semaphore, #tpu.memory_space<semaphore_mem>>)
      } else {
      }
    }
    %scan3A_100 = arith.constant 50 : i32
    %add3A_101 = arith.constant 196 : i32
    %add3A_102 = arith.addi %mul3A_4, %add3A_101 : i32
    %jit3A_103 = arith.constant 128 : i32
    %div3A_104 = arith.divsi %add3A_102, %jit3A_103 : i32
    %sign3A_105 = arith.constant 0 : i32
    %sign3A_106 = arith.cmpi sgt, %add3A_102, %sign3A_105 : i32
    %sign3A_107 = arith.extui %sign3A_106 : i1 to i32
    %sign3A_108 = arith.constant 0 : i32
    %sign3A_109 = arith.cmpi slt, %add3A_102, %sign3A_108 : i32
    %sign3A_110 = arith.extui %sign3A_109 : i1 to i32
    %sign3A_111 = arith.subi %sign3A_107, %sign3A_110 : i32
    %sign3A_112 = arith.constant 0 : i32
    %sign3A_113 = arith.cmpi sgt, %jit3A_103, %sign3A_112 : i32
    %sign3A_114 = arith.extui %sign3A_113 : i1 to i32
    %sign3A_115 = arith.constant 0 : i32
    %sign3A_116 = arith.cmpi slt, %jit3A_103, %sign3A_115 : i32
    %sign3A_117 = arith.extui %sign3A_116 : i1 to i32
    %sign3A_118 = arith.subi %sign3A_114, %sign3A_117 : i32
    %ne3A_119 = arith.cmpi ne, %sign3A_111, %sign3A_118 : i32
    %rem3A_120 = arith.remsi %add3A_102, %jit3A_103 : i32
    %ne3A_121 = arith.constant 0 : i32
    %ne3A_122 = arith.cmpi ne, %rem3A_120, %ne3A_121 : i32
    %and3A_123 = arith.andi %ne3A_119, %ne3A_122 : i1
    %sub3A_124 = arith.constant 1 : i32
    %sub3A_125 = arith.subi %div3A_104, %sub3A_124 : i32
    %select_n3A_126 = arith.select %and3A_123, %sub3A_125, %div3A_104 : i32
    %jit3A_127 = arith.constant 128 : i32
    %eq3A_128 = arith.constant 0 : i32
    %eq3A_129 = arith.cmpi eq, %jit3A_127, %eq3A_128 : i32
    %jit3A_130 = arith.constant 1 : i32
    %select_n3A_131 = arith.select %eq3A_129, %jit3A_130, %jit3A_127 : i32
    %rem3A_132 = arith.remsi %add3A_102, %select_n3A_131 : i32
    %ne3A_133 = arith.constant 0 : i32
    %ne3A_134 = arith.cmpi ne, %rem3A_132, %ne3A_133 : i32
    %lt3A_135 = arith.constant 0 : i32
    %lt3A_136 = arith.cmpi slt, %rem3A_132, %lt3A_135 : i32
    %lt3A_137 = arith.constant 0 : i32
    %lt3A_138 = arith.cmpi slt, %select_n3A_131, %lt3A_137 : i32
    %ne3A_139 = arith.xori %lt3A_136, %lt3A_138 : i1
    %and3A_140 = arith.andi %ne3A_139, %ne3A_134 : i1
    %add3A_141 = arith.addi %rem3A_132, %select_n3A_131 : i32
    %select_n3A_142 = arith.select %and3A_140, %add3A_141, %rem3A_132 : i32
    %mul3A_143 = arith.constant 8 : i32
    %mul3A_144 = arith.muli %select_n3A_126, %mul3A_143 : i32
    %dma_wait3A = arith.constant 0 : i32
    %dma_wait3A_145 = arith.constant 0 : i32
    %dma_wait3A_146 = arith.constant 0 : i32
    %dma_wait3A_147 = arith.constant 0 : i32
    %dma_wait3A_148 = arith.constant 0 : i32
    %dma_wait3A_149 = tpu.memref_slice %arg7[%dma_wait3A, %dma_wait3A_145, %dma_wait3A_146, %dma_wait3A_147, %dma_wait3A_148] : memref<4x8x1x8x129xf32, #tpu.memory_space<vmem>> -> memref<1x8x1x8x128xf32, #tpu.memory_space<vmem>>
    %dma_wait3A_150 = tpu.memref_squeeze %dma_wait3A_149 : memref<1x8x1x8x128xf32, #tpu.memory_space<vmem>> -> memref<8x1x8x128xf32, #tpu.memory_space<vmem>>
    %dma_wait3A_151 = arith.constant 0 : i32
    %dma_wait3A_152 = arith.constant 0 : i32
    %dma_wait3A_153 = tpu.memref_slice %arg4[%mul3A_144, %select_n3A_142, %dma_wait3A_151, %dma_wait3A_152] : memref<400x128x8x128xf32, #tpu.memory_space<hbm>> -> memref<8x1x8x128xf32, #tpu.memory_space<hbm>>
    %dma_wait3A_154 = arith.constant 0 : i32
    %dma_wait3A_155 = arith.constant 0 : i32
    %dma_wait3A_156 = tpu.memref_slice %arg4[%mul3A_144, %select_n3A_142, %dma_wait3A_154, %dma_wait3A_155] : memref<400x128x8x128xf32, #tpu.memory_space<hbm>> -> memref<8x1x8x128xf32, #tpu.memory_space<hbm>>
    %dma_wait3A_157 = arith.constant 0 : i32
    %dma_wait3A_158 = arith.constant 0 : i32
    %dma_wait3A_159 = arith.constant 0 : i32
    %dma_wait3A_160 = arith.constant 0 : i32
    %dma_wait3A_161 = tpu.memref_slice %arg7[%dma_wait3A, %dma_wait3A_157, %dma_wait3A_158, %dma_wait3A_159, %dma_wait3A_160] : memref<4x8x1x8x129xf32, #tpu.memory_space<vmem>> -> memref<1x8x1x8x128xf32, #tpu.memory_space<vmem>>
    %dma_wait3A_162 = tpu.memref_squeeze %dma_wait3A_161 : memref<1x8x1x8x128xf32, #tpu.memory_space<vmem>> -> memref<8x1x8x128xf32, #tpu.memory_space<vmem>>
    tpu.wait_dma2 semaphore(%arg12 : memref<!tpu.dma_semaphore, #tpu.memory_space<semaphore_mem>>) src(%dma_wait3A_162 : memref<8x1x8x128xf32, #tpu.memory_space<vmem>>) dst(%dma_wait3A_156 : memref<8x1x8x128xf32, #tpu.memory_space<hbm>>)
    %add3A_163 = arith.constant 197 : i32
    %add3A_164 = arith.addi %mul3A_4, %add3A_163 : i32
    %jit3A_165 = arith.constant 128 : i32
    %div3A_166 = arith.divsi %add3A_164, %jit3A_165 : i32
    %sign3A_167 = arith.constant 0 : i32
    %sign3A_168 = arith.cmpi sgt, %add3A_164, %sign3A_167 : i32
    %sign3A_169 = arith.extui %sign3A_168 : i1 to i32
    %sign3A_170 = arith.constant 0 : i32
    %sign3A_171 = arith.cmpi slt, %add3A_164, %sign3A_170 : i32
    %sign3A_172 = arith.extui %sign3A_171 : i1 to i32
    %sign3A_173 = arith.subi %sign3A_169, %sign3A_172 : i32
    %sign3A_174 = arith.constant 0 : i32
    %sign3A_175 = arith.cmpi sgt, %jit3A_165, %sign3A_174 : i32
    %sign3A_176 = arith.extui %sign3A_175 : i1 to i32
    %sign3A_177 = arith.constant 0 : i32
    %sign3A_178 = arith.cmpi slt, %jit3A_165, %sign3A_177 : i32
    %sign3A_179 = arith.extui %sign3A_178 : i1 to i32
    %sign3A_180 = arith.subi %sign3A_176, %sign3A_179 : i32
    %ne3A_181 = arith.cmpi ne, %sign3A_173, %sign3A_180 : i32
    %rem3A_182 = arith.remsi %add3A_164, %jit3A_165 : i32
    %ne3A_183 = arith.constant 0 : i32
    %ne3A_184 = arith.cmpi ne, %rem3A_182, %ne3A_183 : i32
    %and3A_185 = arith.andi %ne3A_181, %ne3A_184 : i1
    %sub3A_186 = arith.constant 1 : i32
    %sub3A_187 = arith.subi %div3A_166, %sub3A_186 : i32
    %select_n3A_188 = arith.select %and3A_185, %sub3A_187, %div3A_166 : i32
    %jit3A_189 = arith.constant 128 : i32
    %eq3A_190 = arith.constant 0 : i32
    %eq3A_191 = arith.cmpi eq, %jit3A_189, %eq3A_190 : i32
    %jit3A_192 = arith.constant 1 : i32
    %select_n3A_193 = arith.select %eq3A_191, %jit3A_192, %jit3A_189 : i32
    %rem3A_194 = arith.remsi %add3A_164, %select_n3A_193 : i32
    %ne3A_195 = arith.constant 0 : i32
    %ne3A_196 = arith.cmpi ne, %rem3A_194, %ne3A_195 : i32
    %lt3A_197 = arith.constant 0 : i32
    %lt3A_198 = arith.cmpi slt, %rem3A_194, %lt3A_197 : i32
    %lt3A_199 = arith.constant 0 : i32
    %lt3A_200 = arith.cmpi slt, %select_n3A_193, %lt3A_199 : i32
    %ne3A_201 = arith.xori %lt3A_198, %lt3A_200 : i1
    %and3A_202 = arith.andi %ne3A_201, %ne3A_196 : i1
    %add3A_203 = arith.addi %rem3A_194, %select_n3A_193 : i32
    %select_n3A_204 = arith.select %and3A_202, %add3A_203, %rem3A_194 : i32
    %mul3A_205 = arith.constant 8 : i32
    %mul3A_206 = arith.muli %select_n3A_188, %mul3A_205 : i32
    %dma_wait3A_207 = arith.constant 1 : i32
    %dma_wait3A_208 = arith.constant 0 : i32
    %dma_wait3A_209 = arith.constant 0 : i32
    %dma_wait3A_210 = arith.constant 0 : i32
    %dma_wait3A_211 = arith.constant 0 : i32
    %dma_wait3A_212 = tpu.memref_slice %arg7[%dma_wait3A_207, %dma_wait3A_208, %dma_wait3A_209, %dma_wait3A_210, %dma_wait3A_211] : memref<4x8x1x8x129xf32, #tpu.memory_space<vmem>> -> memref<1x8x1x8x128xf32, #tpu.memory_space<vmem>>
    %dma_wait3A_213 = tpu.memref_squeeze %dma_wait3A_212 : memref<1x8x1x8x128xf32, #tpu.memory_space<vmem>> -> memref<8x1x8x128xf32, #tpu.memory_space<vmem>>
    %dma_wait3A_214 = arith.constant 0 : i32
    %dma_wait3A_215 = arith.constant 0 : i32
    %dma_wait3A_216 = tpu.memref_slice %arg4[%mul3A_206, %select_n3A_204, %dma_wait3A_214, %dma_wait3A_215] : memref<400x128x8x128xf32, #tpu.memory_space<hbm>> -> memref<8x1x8x128xf32, #tpu.memory_space<hbm>>
    %dma_wait3A_217 = arith.constant 0 : i32
    %dma_wait3A_218 = arith.constant 0 : i32
    %dma_wait3A_219 = tpu.memref_slice %arg4[%mul3A_206, %select_n3A_204, %dma_wait3A_217, %dma_wait3A_218] : memref<400x128x8x128xf32, #tpu.memory_space<hbm>> -> memref<8x1x8x128xf32, #tpu.memory_space<hbm>>
    %dma_wait3A_220 = arith.constant 0 : i32
    %dma_wait3A_221 = arith.constant 0 : i32
    %dma_wait3A_222 = arith.constant 0 : i32
    %dma_wait3A_223 = arith.constant 0 : i32
    %dma_wait3A_224 = tpu.memref_slice %arg7[%dma_wait3A_207, %dma_wait3A_220, %dma_wait3A_221, %dma_wait3A_222, %dma_wait3A_223] : memref<4x8x1x8x129xf32, #tpu.memory_space<vmem>> -> memref<1x8x1x8x128xf32, #tpu.memory_space<vmem>>
    %dma_wait3A_225 = tpu.memref_squeeze %dma_wait3A_224 : memref<1x8x1x8x128xf32, #tpu.memory_space<vmem>> -> memref<8x1x8x128xf32, #tpu.memory_space<vmem>>
    tpu.wait_dma2 semaphore(%arg13 : memref<!tpu.dma_semaphore, #tpu.memory_space<semaphore_mem>>) src(%dma_wait3A_225 : memref<8x1x8x128xf32, #tpu.memory_space<vmem>>) dst(%dma_wait3A_219 : memref<8x1x8x128xf32, #tpu.memory_space<hbm>>)
    %add3A_226 = arith.constant 198 : i32
    %add3A_227 = arith.addi %mul3A_4, %add3A_226 : i32
    %jit3A_228 = arith.constant 128 : i32
    %div3A_229 = arith.divsi %add3A_227, %jit3A_228 : i32
    %sign3A_230 = arith.constant 0 : i32
    %sign3A_231 = arith.cmpi sgt, %add3A_227, %sign3A_230 : i32
    %sign3A_232 = arith.extui %sign3A_231 : i1 to i32
    %sign3A_233 = arith.constant 0 : i32
    %sign3A_234 = arith.cmpi slt, %add3A_227, %sign3A_233 : i32
    %sign3A_235 = arith.extui %sign3A_234 : i1 to i32
    %sign3A_236 = arith.subi %sign3A_232, %sign3A_235 : i32
    %sign3A_237 = arith.constant 0 : i32
    %sign3A_238 = arith.cmpi sgt, %jit3A_228, %sign3A_237 : i32
    %sign3A_239 = arith.extui %sign3A_238 : i1 to i32
    %sign3A_240 = arith.constant 0 : i32
    %sign3A_241 = arith.cmpi slt, %jit3A_228, %sign3A_240 : i32
    %sign3A_242 = arith.extui %sign3A_241 : i1 to i32
    %sign3A_243 = arith.subi %sign3A_239, %sign3A_242 : i32
    %ne3A_244 = arith.cmpi ne, %sign3A_236, %sign3A_243 : i32
    %rem3A_245 = arith.remsi %add3A_227, %jit3A_228 : i32
    %ne3A_246 = arith.constant 0 : i32
    %ne3A_247 = arith.cmpi ne, %rem3A_245, %ne3A_246 : i32
    %and3A_248 = arith.andi %ne3A_244, %ne3A_247 : i1
    %sub3A_249 = arith.constant 1 : i32
    %sub3A_250 = arith.subi %div3A_229, %sub3A_249 : i32
    %select_n3A_251 = arith.select %and3A_248, %sub3A_250, %div3A_229 : i32
    %jit3A_252 = arith.constant 128 : i32
    %eq3A_253 = arith.constant 0 : i32
    %eq3A_254 = arith.cmpi eq, %jit3A_252, %eq3A_253 : i32
    %jit3A_255 = arith.constant 1 : i32
    %select_n3A_256 = arith.select %eq3A_254, %jit3A_255, %jit3A_252 : i32
    %rem3A_257 = arith.remsi %add3A_227, %select_n3A_256 : i32
    %ne3A_258 = arith.constant 0 : i32
    %ne3A_259 = arith.cmpi ne, %rem3A_257, %ne3A_258 : i32
    %lt3A_260 = arith.constant 0 : i32
    %lt3A_261 = arith.cmpi slt, %rem3A_257, %lt3A_260 : i32
    %lt3A_262 = arith.constant 0 : i32
    %lt3A_263 = arith.cmpi slt, %select_n3A_256, %lt3A_262 : i32
    %ne3A_264 = arith.xori %lt3A_261, %lt3A_263 : i1
    %and3A_265 = arith.andi %ne3A_264, %ne3A_259 : i1
    %add3A_266 = arith.addi %rem3A_257, %select_n3A_256 : i32
    %select_n3A_267 = arith.select %and3A_265, %add3A_266, %rem3A_257 : i32
    %mul3A_268 = arith.constant 8 : i32
    %mul3A_269 = arith.muli %select_n3A_251, %mul3A_268 : i32
    %dma_wait3A_270 = arith.constant 2 : i32
    %dma_wait3A_271 = arith.constant 0 : i32
    %dma_wait3A_272 = arith.constant 0 : i32
    %dma_wait3A_273 = arith.constant 0 : i32
    %dma_wait3A_274 = arith.constant 0 : i32
    %dma_wait3A_275 = tpu.memref_slice %arg7[%dma_wait3A_270, %dma_wait3A_271, %dma_wait3A_272, %dma_wait3A_273, %dma_wait3A_274] : memref<4x8x1x8x129xf32, #tpu.memory_space<vmem>> -> memref<1x8x1x8x128xf32, #tpu.memory_space<vmem>>
    %dma_wait3A_276 = tpu.memref_squeeze %dma_wait3A_275 : memref<1x8x1x8x128xf32, #tpu.memory_space<vmem>> -> memref<8x1x8x128xf32, #tpu.memory_space<vmem>>
    %dma_wait3A_277 = arith.constant 0 : i32
    %dma_wait3A_278 = arith.constant 0 : i32
    %dma_wait3A_279 = tpu.memref_slice %arg4[%mul3A_269, %select_n3A_267, %dma_wait3A_277, %dma_wait3A_278] : memref<400x128x8x128xf32, #tpu.memory_space<hbm>> -> memref<8x1x8x128xf32, #tpu.memory_space<hbm>>
    %dma_wait3A_280 = arith.constant 0 : i32
    %dma_wait3A_281 = arith.constant 0 : i32
    %dma_wait3A_282 = tpu.memref_slice %arg4[%mul3A_269, %select_n3A_267, %dma_wait3A_280, %dma_wait3A_281] : memref<400x128x8x128xf32, #tpu.memory_space<hbm>> -> memref<8x1x8x128xf32, #tpu.memory_space<hbm>>
    %dma_wait3A_283 = arith.constant 0 : i32
    %dma_wait3A_284 = arith.constant 0 : i32
    %dma_wait3A_285 = arith.constant 0 : i32
    %dma_wait3A_286 = arith.constant 0 : i32
    %dma_wait3A_287 = tpu.memref_slice %arg7[%dma_wait3A_270, %dma_wait3A_283, %dma_wait3A_284, %dma_wait3A_285, %dma_wait3A_286] : memref<4x8x1x8x129xf32, #tpu.memory_space<vmem>> -> memref<1x8x1x8x128xf32, #tpu.memory_space<vmem>>
    %dma_wait3A_288 = tpu.memref_squeeze %dma_wait3A_287 : memref<1x8x1x8x128xf32, #tpu.memory_space<vmem>> -> memref<8x1x8x128xf32, #tpu.memory_space<vmem>>
    tpu.wait_dma2 semaphore(%arg14 : memref<!tpu.dma_semaphore, #tpu.memory_space<semaphore_mem>>) src(%dma_wait3A_288 : memref<8x1x8x128xf32, #tpu.memory_space<vmem>>) dst(%dma_wait3A_282 : memref<8x1x8x128xf32, #tpu.memory_space<hbm>>)
    %add3A_289 = arith.constant 199 : i32
    %add3A_290 = arith.addi %mul3A_4, %add3A_289 : i32
    %jit3A_291 = arith.constant 128 : i32
    %div3A_292 = arith.divsi %add3A_290, %jit3A_291 : i32
    %sign3A_293 = arith.constant 0 : i32
    %sign3A_294 = arith.cmpi sgt, %add3A_290, %sign3A_293 : i32
    %sign3A_295 = arith.extui %sign3A_294 : i1 to i32
    %sign3A_296 = arith.constant 0 : i32
    %sign3A_297 = arith.cmpi slt, %add3A_290, %sign3A_296 : i32
    %sign3A_298 = arith.extui %sign3A_297 : i1 to i32
    %sign3A_299 = arith.subi %sign3A_295, %sign3A_298 : i32
    %sign3A_300 = arith.constant 0 : i32
    %sign3A_301 = arith.cmpi sgt, %jit3A_291, %sign3A_300 : i32
    %sign3A_302 = arith.extui %sign3A_301 : i1 to i32
    %sign3A_303 = arith.constant 0 : i32
    %sign3A_304 = arith.cmpi slt, %jit3A_291, %sign3A_303 : i32
    %sign3A_305 = arith.extui %sign3A_304 : i1 to i32
    %sign3A_306 = arith.subi %sign3A_302, %sign3A_305 : i32
    %ne3A_307 = arith.cmpi ne, %sign3A_299, %sign3A_306 : i32
    %rem3A_308 = arith.remsi %add3A_290, %jit3A_291 : i32
    %ne3A_309 = arith.constant 0 : i32
    %ne3A_310 = arith.cmpi ne, %rem3A_308, %ne3A_309 : i32
    %and3A_311 = arith.andi %ne3A_307, %ne3A_310 : i1
    %sub3A_312 = arith.constant 1 : i32
    %sub3A_313 = arith.subi %div3A_292, %sub3A_312 : i32
    %select_n3A_314 = arith.select %and3A_311, %sub3A_313, %div3A_292 : i32
    %jit3A_315 = arith.constant 128 : i32
    %eq3A_316 = arith.constant 0 : i32
    %eq3A_317 = arith.cmpi eq, %jit3A_315, %eq3A_316 : i32
    %jit3A_318 = arith.constant 1 : i32
    %select_n3A_319 = arith.select %eq3A_317, %jit3A_318, %jit3A_315 : i32
    %rem3A_320 = arith.remsi %add3A_290, %select_n3A_319 : i32
    %ne3A_321 = arith.constant 0 : i32
    %ne3A_322 = arith.cmpi ne, %rem3A_320, %ne3A_321 : i32
    %lt3A_323 = arith.constant 0 : i32
    %lt3A_324 = arith.cmpi slt, %rem3A_320, %lt3A_323 : i32
    %lt3A_325 = arith.constant 0 : i32
    %lt3A_326 = arith.cmpi slt, %select_n3A_319, %lt3A_325 : i32
    %ne3A_327 = arith.xori %lt3A_324, %lt3A_326 : i1
    %and3A_328 = arith.andi %ne3A_327, %ne3A_322 : i1
    %add3A_329 = arith.addi %rem3A_320, %select_n3A_319 : i32
    %select_n3A_330 = arith.select %and3A_328, %add3A_329, %rem3A_320 : i32
    %mul3A_331 = arith.constant 8 : i32
    %mul3A_332 = arith.muli %select_n3A_314, %mul3A_331 : i32
    %dma_wait3A_333 = arith.constant 3 : i32
    %dma_wait3A_334 = arith.constant 0 : i32
    %dma_wait3A_335 = arith.constant 0 : i32
    %dma_wait3A_336 = arith.constant 0 : i32
    %dma_wait3A_337 = arith.constant 0 : i32
    %dma_wait3A_338 = tpu.memref_slice %arg7[%dma_wait3A_333, %dma_wait3A_334, %dma_wait3A_335, %dma_wait3A_336, %dma_wait3A_337] : memref<4x8x1x8x129xf32, #tpu.memory_space<vmem>> -> memref<1x8x1x8x128xf32, #tpu.memory_space<vmem>>
    %dma_wait3A_339 = tpu.memref_squeeze %dma_wait3A_338 : memref<1x8x1x8x128xf32, #tpu.memory_space<vmem>> -> memref<8x1x8x128xf32, #tpu.memory_space<vmem>>
    %dma_wait3A_340 = arith.constant 0 : i32
    %dma_wait3A_341 = arith.constant 0 : i32
    %dma_wait3A_342 = tpu.memref_slice %arg4[%mul3A_332, %select_n3A_330, %dma_wait3A_340, %dma_wait3A_341] : memref<400x128x8x128xf32, #tpu.memory_space<hbm>> -> memref<8x1x8x128xf32, #tpu.memory_space<hbm>>
    %dma_wait3A_343 = arith.constant 0 : i32
    %dma_wait3A_344 = arith.constant 0 : i32
    %dma_wait3A_345 = tpu.memref_slice %arg4[%mul3A_332, %select_n3A_330, %dma_wait3A_343, %dma_wait3A_344] : memref<400x128x8x128xf32, #tpu.memory_space<hbm>> -> memref<8x1x8x128xf32, #tpu.memory_space<hbm>>
    %dma_wait3A_346 = arith.constant 0 : i32
    %dma_wait3A_347 = arith.constant 0 : i32
    %dma_wait3A_348 = arith.constant 0 : i32
    %dma_wait3A_349 = arith.constant 0 : i32
    %dma_wait3A_350 = tpu.memref_slice %arg7[%dma_wait3A_333, %dma_wait3A_346, %dma_wait3A_347, %dma_wait3A_348, %dma_wait3A_349] : memref<4x8x1x8x129xf32, #tpu.memory_space<vmem>> -> memref<1x8x1x8x128xf32, #tpu.memory_space<vmem>>
    %dma_wait3A_351 = tpu.memref_squeeze %dma_wait3A_350 : memref<1x8x1x8x128xf32, #tpu.memory_space<vmem>> -> memref<8x1x8x128xf32, #tpu.memory_space<vmem>>
    tpu.wait_dma2 semaphore(%arg15 : memref<!tpu.dma_semaphore, #tpu.memory_space<semaphore_mem>>) src(%dma_wait3A_351 : memref<8x1x8x128xf32, #tpu.memory_space<vmem>>) dst(%dma_wait3A_345 : memref<8x1x8x128xf32, #tpu.memory_space<hbm>>)
    return
  }
}

</mosaic_0001>

<sc_bundles>
// kernel: kernel.3.cloned.1.call-start
scs
__scs_entry_jumppad:
0x0: {  	(pc) =	sbr.rel $0x88, $3  }
0x1: {  	(tag) =	ssettag $0x0;
	lr =	simm.s32 $0x1  }
0x2: {  	[smem:$0x3F9F] =	sst lr;
	_ =	strace $0xD0000000  }
0x3: {  	_ = 	snop  }
0x4: {  	_ = 	snop  }
0x5: {  	_ = 	snop  }
0x6: {  	_ = 	snop  }
0x7: {  	_ = 	snop  }
__scs_overlays_trampoline_lowered:
0x8: {  	[smem:$0x3FAE] =	sst s0  }
0x9: {  	[smem:$0x3FAF] =	sst s1  }
0xa: {  	[smem:$0x3FB0] =	sst s2  }
0xb: {  	[smem:$0x3FB1] =	sst s3  }
0xc: {  	[smem:$0x3FB2] =	sst s4  }
0xd: {  	[smem:$0x3FB3] =	sst s5  }
0xe: {  	[smem:$0x3FB4] =	sst s6  }
0xf: {  	[smem:$0x3FB5] =	sst s7  }
0x10: {  	[smem:$0x3FB6] =	sst s8  }
0x11: {  	[smem:$0x3FB7] =	sst s9;
	s0 =	simm.s32 @!p0 $0x0  }
0x12: {  	s1 =	sld [smem:$0x3F9D];
	s0 =	simm.s32 @p0 $0x1  }
0x13: {  	[smem:$0x3FB8] =	sst s0;
	s0 =	simm.s32 @!p1 $0x0  }
0x14: {  	s2 =	sld [smem:$0x3F9C];
	s0 =	simm.s32 @p1 $0x1  }
0x15: {  	[smem:$0x3FB9] =	sst s0;
	s0 =	simm.s32 @!p2 $0x0  }
0x16: {  	s3 =	sld [smem:$0x3FDB];
	s0 =	simm.s32 @p2 $0x1  }
0x17: {  	s4 =	simm.s32 $0x1BF5;
	[smem:$0x3FBB] =	sst s0  }
0x18: {  	s0 =	sld [smem:$0x3F9E];
	_ =	swait.ge [sflag:s4], $0x0  }
0x19: {  	s7 =	sld [smem:$0x3F9F]  }
0x1a: {  	s8 =	sadd.s32 $0xFFFFE003, lr  }
0x1b: {  	s9 =	sadd.s32 $0xFFFFFEF7, lr;
	s5 =	simm.s32 $0xFFFFFFFF;
	p2 =	slt.u32 s8, $0xFFFFF086  }
0x1c: {  	p1 =	slt.u32 s9, $0xF7A;
	s5 =	simm.s32 @!p2 $0x0  }
0x1d: {  	s5 =	simm.s32 @p1 $0x1;
	p0 =	seq.s32 s7, s2  }
0x1e: {  	s7 =	smul.u32 @!p0 $0xF7A, s2;
	p2 =	seq.s32 @!p0 s5, $0x0  }
0x1f: {  	s9 =	smul.u32 $0xF7A, s1;
	s8 =	simm.s32 @!p0 $0x1BF5;
	p2 =	por !p2, p0  }
0x20: {  	[sflag:s8] =	ssyncset.s32 @!p0 $0xFFFFF086;
	s6 =	sadd.s32 @!p0 s3, s7;
	s7 =	simm.s32 @!p0 $0x108  }
0x21: {  	s3 =	sadd.s32 s3, s9;
	s6 =	sadd.s32 @!p0 $0x88, s6;
	s7 =	simm.s32 @p2 $0x1082  }
0x22: {  	[simem:s7], [sflag:s8] =	dma.local @!p0 [hbm:s6], $0xF7A  }
0x23: {  	s9 =	sor.u32 $0xD0000000, s2;
	s6 =	simm.s32 $0x108;
	_ =	swait.ge @!p0 [sflag:s8], $0x0  }
0x24: {  	s3 =	sadd.s32 $0x88, s3;
	s6 =	simm.s32 @!p1 $0x1082;
	[sflag:s4] =	ssyncset.s32 $0xFFFFF086  }
0x25: {  	[simem:s6], [sflag:s4] =	dma.local [hbm:s3], $0xF7A  }
0x26: {  	[smem:$0x3F9F] =	sst s1;
	(tag) =	ssettag s2;
	_ =	strace s9  }
0x27: {  	s1 =	sld [smem:$0x3FAF]  }
0x28: {  	s2 =	sld [smem:$0x3FB0]  }
0x29: {  	s4 =	sld [smem:$0x3FB2]  }
0x2a: {  	p0 =	seq.s32 s5, $0x0;
	s5 =	sld [smem:$0x3FB3]  }
0x2b: {  	s6 =	sld [smem:$0x3FB4]  }
0x2c: {  	s7 =	sld [smem:$0x3FB5]  }
0x2d: {  	s3 =	simm.s32 $0x108;
	s8 =	sld [smem:$0x3FB6]  }
0x2e: {  	s3 =	simm.s32 @!p0 $0x1082;
	s9 =	sld [smem:$0x3FB7]  }
0x2f: {  	lr =	sadd.s32 s0, s3;
	s0 =	sld [smem:$0x3FAE]  }
0x30: {  	s3 =	sld [smem:$0x3FB1]  }
0x31: {  	[smem:$0x3FBA] =	sst s10  }
0x32: {  	s10 =	sld [smem:$0x3FB8];
	_ =	sdelay $0x3  }
0x33: {  	p0 =	seq.s32 s10, $0x1;
	s10 =	sld [smem:$0x3FBA];
	_ =	sdelay $0x3  }
0x34: {  	[smem:$0x3FBA] =	sst s10  }
0x35: {  	s10 =	sld [smem:$0x3FB9];
	_ =	sdelay $0x3  }
0x36: {  	p1 =	seq.s32 s10, $0x1;
	s10 =	sld [smem:$0x3FBA];
	_ =	sdelay $0x3  }
0x37: {  	[smem:$0x3FBA] =	sst s10  }
0x38: {  	s10 =	sld [smem:$0x3FBB]  }
0x39: {  	_ = 	snop;
	(pc) =	sbr.ind lr, $3  }
0x3a: {  	_ = 	snop  }
0x3b: {  	_ = 	snop  }
0x3c: {  	p2 =	seq.s32 s10, $0x1;
	s10 =	sld [smem:$0x3FBA]  }
0x3d: {  	_ =	shalt  }
0x3e: {  	_ =	shalt  }
0x3f: {  	_ =	shalt  }
0x40: {  	_ =	shalt  }
0x41: {  	_ =	shalt  }
0x42: {  	_ =	shalt  }
0x43: {  	_ =	shalt  }
0x44: {  	_ =	shalt  }
0x45: {  	_ =	shalt  }
0x46: {  	_ =	shalt  }
0x47: {  	_ =	shalt  }
0x48: {  	_ =	shalt  }
0x49: {  	_ =	shalt  }
0x4a: {  	_ =	shalt  }
0x4b: {  	_ =	shalt  }
0x4c: {  	_ =	shalt  }
0x4d: {  	_ =	shalt  }
0x4e: {  	_ =	shalt  }
0x4f: {  	_ =	shalt  }
0x50: {  	_ =	shalt  }
0x51: {  	_ =	shalt  }
0x52: {  	_ =	shalt  }
0x53: {  	_ =	shalt  }
0x54: {  	_ =	shalt  }
0x55: {  	_ =	shalt  }
0x56: {  	_ =	shalt  }
0x57: {  	_ =	shalt  }
0x58: {  	_ =	shalt  }
0x59: {  	_ =	shalt  }
0x5a: {  	_ =	shalt  }
0x5b: {  	_ =	shalt  }
0x5c: {  	_ =	shalt  }
0x5d: {  	_ =	shalt  }
0x5e: {  	_ =	shalt  }
0x5f: {  	_ =	shalt  }
0x60: {  	_ =	shalt  }
0x61: {  	_ =	shalt  }
0x62: {  	_ =	shalt  }
0x63: {  	_ =	shalt  }
0x64: {  	_ =	shalt  }
0x65: {  	_ =	shalt  }
0x66: {  	_ =	shalt  }
0x67: {  	_ =	shalt  }
0x68: {  	_ =	shalt  }
0x69: {  	_ =	shalt  }
0x6a: {  	_ =	shalt  }
0x6b: {  	_ =	shalt  }
0x6c: {  	_ =	shalt  }
0x6d: {  	_ =	shalt  }
0x6e: {  	_ =	shalt  }
0x6f: {  	_ =	shalt  }
0x70: {  	_ =	shalt  }
0x71: {  	_ =	shalt  }
0x72: {  	_ =	shalt  }
0x73: {  	_ =	shalt  }
0x74: {  	_ =	shalt  }
0x75: {  	_ =	shalt  }
0x76: {  	_ =	shalt  }
0x77: {  	_ =	shalt  }
0x78: {  	_ =	shalt  }
0x79: {  	_ =	shalt  }
0x7a: {  	_ =	shalt  }
0x7b: {  	_ =	shalt  }
0x7c: {  	_ =	shalt  }
0x7d: {  	_ =	shalt  }
0x7e: {  	_ =	shalt  }
0x7f: {  	_ =	shalt  }
0x80: {  	_ =	shalt  }
0x81: {  	_ =	shalt  }
0x82: {  	_ =	shalt  }
0x83: {  	_ =	shalt  }
0x84: {  	_ =	shalt  }
0x85: {  	_ =	shalt  }
0x86: {  	_ =	shalt  }
0x87: {  	_ =	shalt  }
.Lfunc_end0:
.L_simem_size_0:
called_computation_lowered:
.L_overlay_start_0:
0x88: {  	s2 =	sld [smem:$0x3FD9]  }
0x89: {  	s3 =	sld [smem:$0x3FFE];
	_ =	sdelay $0x1  }
0x8a: {  	s1 =	srdreg.scid  }
0x8b: {  	s0 =	sand.u32 $0x1, s1  }
0x8c: {  	s17 =	sshll.u32 s0, $0xA;
	s2 =	sadd.s32 s3, s2  }
0x8d: {  	s2 =	sadd.s32 s2, s17  }
0x8e: {  	[smem:$0x3FC6] =	sst s2  }
0x8f: {  	_ = 	snop  }
0x90: {  	s2 =	sld [smem:$0x3FD0];
	(tm) =	ssettm $0x1  }
0x91: {  	s18 =	sld [smem:$0x3FFB];
	_ =	sdelay $0x3  }
0x92: {  	_ =	strace s18  }
0x93: {  	s3 =	sld [smem:$0x3FFC];
	_ =	sdelay $0x3  }
0x94: {  	_ =	strace s3  }
0x95: {  	s3 =	sld [smem:$0x3FFD];
	_ =	sdelay $0x3  }
0x96: {  	_ =	strace s3  }
0x97: {  	_ =	strace $0x8FFFFFFF  }
0x98: {  	s19 =	sld [smem:$0x3FDB];
	_ =	sdelay $0x1  }
0x99: {  	s4 =	simm.s32 $_scs_section_size  }
0x9a: {  	s5 =	simm.s32 $_size__tile_overlayer_lowered;
	s6 =	simm.s32 $_tile_overlayer_lowered  }
0x9b: {  	s22 =	simm.s32 $0x1BFF;
	s21 =	sshll.u32 s6, $0x1;
	s3 =	sadd.s32 s4, s19  }
0x9c: {  	s7 =	simm.s32 $0x0;
	s20 =	sshll.u32 s5, $0x1;
	s5 =	sadd.s32 s21, s3  }
0x9d: {  	[timem:s7], [sflag:s22] =	dma.local [hbm:s5], s20  }
0x9e: {  	_ =	swait.ge [sflag:s22], s20  }
0x9f: {  	s4 =	ssub.s32 $0x0, s20;
	[sflag:s22] =	ssyncset.done $0x0  }
0xa0: {  	[sflag:s22] =	ssyncadd.s32 s4;
	_ =	sdelay $0x1  }
0xa1: {  	s23 =	simm.s32 $0x1B8B  }
0xa2: {  	_ =	swait.ge [sflag:s23], $0x1  }
0xa3: {  	[sflag:s23] =	ssyncset.done $0x0  }
0xa4: {  	s25 =	simm.s32 $0x1B8E;
	s24 =	sld [smem:$0x3FFE];
	[sflag:s23] =	ssyncadd.s32 $0xFFFFFFFF  }
0xa5: {  	s26 =	simm.s32 $execute0_lowered;
	[smem:$0x3FD2] =	sst s25  }
0xa6: {  	s5 =	sshll.u32 s26, $0x1;
	_ =	strace $0x80000046;
	[dreg:$0x1] =	wrdreg $0xFFFFFFFF  }
0xa7: {  	s28 =	simm.s32 $_size_execute0_lowered;
	s3 =	sadd.s32 s3, s5;
	[dreg:$0x0] =	wrdreg $0x0  }
0xa8: {  	s5 =	sshll.u32 s28, $0x1;
	[dreg:$0x2] =	wrdreg s3  }
0xa9: {  	[dreg:$0x3] =	wrdreg s5  }
0xaa: {  	[dreg:$0x4] =	wrdreg $0xC0  }
0xab: {  	_ =	task [dreg:s7], $0x5FFFF  }
0xac: {  	[dreg:$0x1] =	wrdreg $0xFFFFFFFF  }
0xad: {  	[dreg:$0x0] =	wrdreg $0x60  }
0xae: {  	[dreg:$0x2] =	wrdreg s24  }
0xaf: {  	[dreg:$0x3] =	wrdreg s2  }
0xb0: {  	[dreg:$0x4] =	wrdreg $0x9  }
0xb1: {  	_ =	task.clear_ibuf [dreg:s7], $0x5FFFF;
	_ =	strace $0x90000046  }
0xb2: {  	s29 =	simm.s32 $0x9;
	_ =	strace $0x80000048  }
0xb3: {  	_ =	swait.ge [sflag:s29], $0x1  }
0xb4: {  	[sflag:s29] =	ssyncadd.s32 $0xFFFFFFFF  }
0xb5: {  	_ =	strace $0x90000048  }
0xb6: {  	_ =	sfence  }
0xb7: {  	s30 =	sld [smem:$0x0];
	_ =	sdelay $0x2  }
0xb8: {  	s31 =	sshll.u32 s1, $0xD;
	s1 =	sshrl.u32 s1, $0x2  }
0xb9: {  	s3 =	sand.u32 $0x4000, s31;
	s1 =	sadd.s32 s1, s30  }
0xba: {  	s0 =	sor.u32 s3, s0;
	s1 =	sshll.u32 s1, $0x11  }
0xbb: {  	s0 =	sor.u32 s1, s0  }
0xbc: {  	s0 =	sadd.s32 $0x8F2B, s0  }
0xbd: {  	[sflag:s0] =	ssyncadd.remote.s32 $0x1  }
0xbe: {  	_ =	sfence.sel $0xFFFF  }
0xbf: {  	[dreg:$0x0] =	wrdreg $0xFFFFFFFF;
	(pc) =	sbr.abs _section_cstart, $3  }
0xc0: {  	[dreg:$0x1] =	wrdreg $0xFFFFFFFF  }
0xc1: {  	_ =	task.clear_ibuf [dreg:s7], $0x2FFFF;
	_ =	strace $0x9FFFFFFF  }
0xc2: {  	(tm) =	ssettm $0x7FFFFFFF  }
0xc3: {  	_ =	shalt  }
tec
execute0_lowered:
.L_overlay_start_1:
0x0: {  	(tag) =	ssettag $0x1  }
0x1: {  	v0 =	vlaneseq.u32  }
0x2: {  	s0 =	rddreg [dreg:$0x0];
	v0 =	vmul.u32 $0x88, v0  }
0x3: {  	s1 =	srdreg.scid;
	s3 =	stileid.u32;
	v1 =	vimm.s32 $0x0;
	vm0 =	vcmask $0x300  }
0x4: {  	s2 =	rddreg [dreg:$0x1];
	s8 =	simm.s32 $0x9;
	s9 =	simm.s32 $0x80;
	v1 =	vsel vm0, $0x3, v1;
	v2 =	vadd.s32 $0x880, v0  }
0x5: {  	s15 =	simm.s32 $0xC400;
	s16 =	simm.s32 $0x1;
	s17 =	simm.s32 $0xE400;
	v3 =	vadd.s32 $0x1100, v0;
	v4 =	vadd.s32 $0x1980, v0;
	v5 =	vor.u32 $0x1, v0  }
0x6: {  	s18 =	simm.s32 $0x2;
	s19 =	simm.s32 $0x10600;
	s20 =	simm.s32 $0x3;
	v6 =	vadd.s32 $0x881, v0;
	v7 =	vadd.s32 $0x1101, v0;
	v8 =	vadd.s32 $0x1981, v0  }
0x7: {  	s21 =	simm.s32 $0x12800;
	s22 =	simm.s32 $0x4;
	s23 =	simm.s32 $0x14A00;
	v9 =	vor.u32 $0x2, v0;
	v10 =	vadd.s32 $0x882, v0;
	v11 =	vadd.s32 $0x1102, v0  }
0x8: {  	s24 =	simm.s32 $0x5;
	s25 =	simm.s32 $0x6;
	s26 =	simm.s32 $0x7;
	v12 =	vadd.s32 $0x1982, v0;
	v13 =	vor.u32 $0x3, v0;
	v14 =	vadd.s32 $0x883, v0  }
0x9: {  	s28 =	simm.s32 $0x8;
	s1 =	sand.u32 $0x1, s1;
	s4 =	sshll.u32 s3, $0x1;
	v15 =	vadd.s32 $0x1103, v0;
	v16 =	vadd.s32 $0x1983, v0;
	v17 =	vor.u32 $0x4, v0  }
.Ltmp0:
0xa: {  	s3 =	simm.s32 $0x0;
	s5 =	sor.u32 s1, s4;
	v18 =	vadd.s32 $0x884, v0;
	v19 =	vadd.s32 $0x1104, v0;
	v20 =	vadd.s32 $0x1984, v0;
	(pc) =	sbr.rel .LBB2_1-.Ltmp0, $4  }
0xb: {  	[smem:$0x7FF] =	sst s3;
	s1 =	ssub.s32 $0x2, s1;
	s4 =	smul.u32 $0xC80, s5;
	v21 =	vor.u32 $0x5, v0;
	v22 =	vadd.s32 $0x885, v0;
	v23 =	vadd.s32 $0x1105, v0  }
0xc: {  	s29 =	simm.s32 $0x0;
	_ =	strace $0x80000047;
	s6 =	sshrl.u32 s1, $0x1;
	v24 =	vadd.s32 $0x1985, v0;
	v25 =	vor.u32 $0x6, v0;
	v26 =	vadd.s32 $0x886, v0  }
0xd: {  	s5 =	smul.u32 $0xC8, s5;
	v27 =	vadd.s32 $0x1106, v0;
	v28 =	vadd.s32 $0x1986, v0;
	v29 =	vor.u32 $0x7, v0;
	s31 =	ssub.s32 s1, s6;
	s7 =	sadd.s32 s4, s0  }
0xe: {  	v30 =	vadd.s32 $0x887, v0;
	v31 =	vadd.s32 $0x1107, v0;
	v32 =	vadd.s32 $0x1987, v0;
	s4 =	sadd.s32 $0xF42A00, s0;
	s6 =	sadd.s32 $0x600, s7;
	s7 =	smax.u32 s31, $0x1  }
.LBB2_20:
0xf: {  	_ =	swait.ge [sflag:s24], $0x2000  }
0x10: {  	[sflag:s24] =	ssyncset.done $0x0  }
0x11: {  	[sflag:s24] =	ssyncadd.s32 $0xFFFFE000  }
0x12: {  	_ =	swait.ge [sflag:s25], $0x2000  }
0x13: {  	[sflag:s25] =	ssyncset.done $0x0  }
0x14: {  	s29 =	sadd.s32 $0x1, s29;
	[sflag:s25] =	ssyncadd.s32 $0xFFFFE000  }
0x15: {  	p0 =	sne.s32 s29, s7;
	_ =	swait.ge [sflag:s26], $0x2000  }
.Ltmp1:
0x16: {  	[sflag:s26] =	ssyncset.done $0x0;
	(pc) =	sbr.rel @!p0 .LBB2_21-.Ltmp1, $4  }
0x17: {  	[sflag:s26] =	ssyncadd.s32 $0xFFFFE000  }
0x18: {  	_ =	swait.ge [sflag:s28], $0x2000  }
0x19: {  	[sflag:s28] =	ssyncset.done $0x0  }
0x1a: {  	[sflag:s28] =	ssyncadd.s32 $0xFFFFE000  }
.LBB2_1:
0x1b: {  	[tilespmem:s3], [sflag:$0x9] =	stream.linear.gather [hbm4b:s6+s3], $0x6400, $0x38;
	[tilespmem:$0x16C00] =	vst v63  }
0x1c: {  	_ =	swait.ge [sflag:s8], $0x6400  }
0x1d: {  	[sflag:s8] =	ssyncset.done $0x0  }
0x1e: {  	s0 =	simm.s32 $0x6400;
	[sflag:s8] =	ssyncadd.s32 $0xFFFF9C00  }
0x1f: {  	[tilespmem:s0], [sflag:$0x1] =	stream.indirect.gather [hbm4b:s4+s9], $0x40, s3, s9, $0xb8;
	[tilespmem:$0x16C00] =	vst v63  }
0x20: {  	s13 =	simm.s32 $0x8400  }
0x21: {  	[tilespmem:s13], [sflag:$0x2] =	stream.indirect.gather [hbm4b:s4+s9], $0x40, s9, s9, $0xb8;
	[tilespmem:$0x16C00] =	vst v63  }
0x22: {  	s14 =	simm.s32 $0x100;
	s1 =	simm.s32 $0xA400  }
0x23: {  	[tilespmem:s1], [sflag:$0x3] =	stream.indirect.gather [hbm4b:s4+s9], $0x40, s14, s9, $0xb8;
	[tilespmem:$0x16C00] =	vst v63  }
0x24: {  	s31 =	simm.s32 $0x180;
	s30 =	simm.s32 $0x0  }
0x25: {  	[tilespmem:s15], [sflag:$0x4] =	stream.indirect.gather [hbm4b:s4+s9], $0x40, s31, s9, $0xb8;
	[tilespmem:$0x16C00] =	vst v63  }
.LBB2_2:
0x26: {  	_ =	swait.ge [sflag:s16], $0x2000  }
0x27: {  	s0 =	simm.s32 $0x7;
	p0 =	seq.s32 s30, $0x0;
	[sflag:s16] =	ssyncset.done $0x0  }
0x28: {  	v33 =	vmov s0;
	s0 =	simm.s32 @!p0 $0x5;
	[sflag:s16] =	ssyncadd.s32 $0xFFFFE000  }
0x29: {  	_ =	swait.ge @!p0 [sflag:s0], $0x2000  }
0x2a: {  	[sflag:s0] =	ssyncset.done @!p0 $0x0  }
0x2b: {  	s1 =	simm.s32 $0x0;
	[sflag:s0] =	ssyncadd.s32 @!p0 $0xFFFFE000;
	s0 =	simm.s32 $0x6500  }
0x2c: {  	s13 =	simm.s32 $0x1;
	v34 =	vmov s1;
	v33 =	vshrl.u32 v33, $0x3;
	v35 =	vld [tilespmem:s0+$0xC0]  }
0x2d: {  	v41 =	vmov s13;
	v34 =	vshrl.u32 v34, $0x3;
	v33 =	vshll.u32 v33, v1;
	v37 =	vld [tilespmem:s0+$0xD0]  }
0x2e: {  	v41 =	vshrl.u32 v41, $0x3;
	v34 =	vshll.u32 v34, v1;
	v33 =	vbroadcast v33, $0x0;
	v39 =	vld [tilespmem:s0+$0xE0]  }
0x2f: {  	v41 =	vshll.u32 v41, v1;
	v34 =	vbroadcast v34, $0x0;
	v42 =	vld [tilespmem:s0+$0xF0]  }
0x30: {  	v41 =	vbroadcast v41, $0x0;
	v36 =	vadd.s32 v29, v33;
	v43 =	vld [tilespmem:s0+$0xFFFFFF00]  }
0x31: {  	v44 =	vadd.s32 v0, v34;
	v45 =	vld [tilespmem:s0+$0xFFFFFF10]  }
0x32: {  	v57 =	vld [tilespmem:s0+$0xFFFFFF40];
	v58 =	vadd.s32 v5, v41  }
0x33: {  	v38 =	vadd.s32 v30, v33;
	v53 =	vld [tilespmem:s0+$0xFFFFFF20]  }
0x34: {  	v46 =	vadd.s32 v2, v34;
	v55 =	vld [tilespmem:s0+$0xFFFFFF30]  }
0x35: {  	v59 =	vld [tilespmem:s0+$0xFFFFFF50];
	v60 =	vadd.s32 v6, v41;
	[tilespmem:v36+s17+$0x0] =	vst.idx.msk $0xffff, v35  }
0x36: {  	s10 =	simm.s32 $0x3;
	v40 =	vadd.s32 v31, v33;
	v61 =	vld [tilespmem:s0+$0xFFFFFF60];
	[tilespmem:v44+s17+$0x0] =	vst.idx.msk $0xffff, v43  }
0x37: {  	v49 =	vmov s10;
	v54 =	vadd.s32 v3, v34;
	v63 =	vld [tilespmem:s0+$0xFFFFFF70];
	[tilespmem:v58+s17+$0x0] =	vst.idx.msk $0xffff, v57  }
0x38: {  	s14 =	simm.s32 $0x2;
	v62 =	vadd.s32 v7, v41;
	v48 =	vadd.s32 v8, v41;
	v41 =	vshrl.u32 v49, $0x3;
	[tilespmem:v38+s17+$0x0] =	vst.idx.msk $0xffff, v37  }
0x39: {  	v56 =	vmov s14;
	v33 =	vadd.s32 v32, v33;
	v41 =	vshll.u32 v41, v1;
	[tilespmem:v46+s17+$0x0] =	vst.idx.msk $0xffff, v45  }
0x3a: {  	v34 =	vadd.s32 v4, v34;
	v50 =	vld [tilespmem:s0+$0xFFFFFF80];
	v41 =	vbroadcast v41, $0x0;
	v38 =	vshrl.u32 v56, $0x3;
	[tilespmem:v60+s17+$0x0] =	vst.idx.msk $0xffff, v59  }
0x3b: {  	v52 =	vld [tilespmem:s0+$0xFFFFFF90];
	[tilespmem:v40+s17+$0x0] =	vst.idx.msk $0xffff, v39;
	v38 =	vshll.u32 v38, v1  }
0x3c: {  	v58 =	vld [tilespmem:s0+$0xFFFFFFC0];
	v59 =	vadd.s32 v13, v41;
	[tilespmem:v54+s17+$0x0] =	vst.idx.msk $0xffff, v53;
	v38 =	vbroadcast v38, $0x0  }
0x3d: {  	v60 =	vld [tilespmem:s0+$0xFFFFFFD0];
	[tilespmem:v62+s17+$0x0] =	vst.idx.msk $0xffff, v61;
	v61 =	vadd.s32 v14, v41  }
0x3e: {  	s11 =	simm.s32 $0x4;
	v56 =	vld [tilespmem:s0+$0xFFFFFFB0];
	[tilespmem:v33+s17+$0x0] =	vst.idx.msk $0xffff, v42;
	v51 =	vadd.s32 v9, v38  }
0x3f: {  	v57 =	vmov s11;
	v54 =	vld [tilespmem:s0+$0xFFFFFFA0];
	[tilespmem:v34+s17+$0x0] =	vst.idx.msk $0xffff, v55;
	v53 =	vadd.s32 v10, v38  }
0x40: {  	v44 =	vshrl.u32 v57, $0x3;
	v62 =	vld [tilespmem:s0+$0xFFFFFFE0];
	[tilespmem:v48+s17+$0x0] =	vst.idx.msk $0xffff, v63;
	v55 =	vadd.s32 v11, v38  }
0x41: {  	v44 =	vshll.u32 v44, v1;
	v48 =	vld [tilespmem:s0+$0xFFFFFFF0];
	v38 =	vadd.s32 v12, v38;
	[tilespmem:v59+s17+$0x0] =	vst.idx.msk $0xffff, v58  }
0x42: {  	s12 =	simm.s32 $0x5;
	v63 =	vadd.s32 v15, v41;
	v44 =	vbroadcast v44, $0x0;
	[tilespmem:v61+s17+$0x0] =	vst.idx.msk $0xffff, v60  }
0x43: {  	v49 =	vmov s12;
	v41 =	vadd.s32 v16, v41;
	[tilespmem:v51+s17+$0x0] =	vst.idx.msk $0xffff, v50  }
0x44: {  	v42 =	vshrl.u32 v49, $0x3;
	v50 =	vld [tilespmem:s0+$0x0];
	v51 =	vadd.s32 v17, v44;
	[tilespmem:v53+s17+$0x0] =	vst.idx.msk $0xffff, v52  }
0x45: {  	v52 =	vld [tilespmem:s0+$0x10];
	v53 =	vadd.s32 v18, v44;
	[tilespmem:v55+s17+$0x0] =	vst.idx.msk $0xffff, v54;
	v54 =	vshll.u32 v42, v1  }
0x46: {  	s13 =	simm.s32 $0x6;
	v55 =	vld [tilespmem:s0+$0x20];
	[tilespmem:v38+s17+$0x0] =	vst.idx.msk $0xffff, v56;
	v56 =	vadd.s32 v19, v44;
	v57 =	vbroadcast v54, $0x0  }
0x47: {  	v58 =	vld [tilespmem:s0+$0x30];
	v59 =	vmov s13;
	[tilespmem:v63+s17+$0x0] =	vst.idx.msk $0xffff, v62;
	v44 =	vadd.s32 v20, v44  }
0x48: {  	v60 =	vld [tilespmem:s0+$0x40];
	v61 =	vshrl.u32 v59, $0x3;
	[tilespmem:v41+s17+$0x0] =	vst.idx.msk $0xffff, v48;
	v47 =	vadd.s32 v21, v57  }
0x49: {  	v35 =	vld [tilespmem:s0+$0x50];
	v33 =	vshll.u32 v61, v1;
	[tilespmem:v51+s17+$0x0] =	vst.idx.msk $0xffff, v50;
	v43 =	vadd.s32 v22, v57  }
0x4a: {  	s14 =	simm.s32 $0xF;
	v40 =	vld [tilespmem:s0+$0x60];
	v36 =	vbroadcast v33, $0x0;
	v42 =	vadd.s32 v23, v57;
	[tilespmem:v53+s17+$0x0] =	vst.idx.msk $0xffff, v52  }
0x4b: {  	v62 =	vmov s14;
	v33 =	vld [tilespmem:s0+$0x70];
	v37 =	vadd.s32 v24, v57;
	[tilespmem:v56+s17+$0x0] =	vst.idx.msk $0xffff, v55  }
0x4c: {  	v34 =	vld [tilespmem:s0+$0x80];
	v63 =	vshrl.u32 v62, $0x3;
	v38 =	vadd.s32 v25, v36;
	[tilespmem:v44+s17+$0x0] =	vst.idx.msk $0xffff, v58  }
0x4d: {  	s31 =	sshll.u32 s30, $0x2;
	s1 =	simm.s32 $0x8;
	s10 =	simm.s32 $0x10;
	v39 =	vld [tilespmem:s0+$0x90];
	v41 =	vadd.s32 v26, v36;
	v44 =	vshll.u32 v63, v1;
	[tilespmem:v47+s17+$0x0] =	vst.idx.msk $0xffff, v60  }
.LBB2_3:
0x4e: {  	p1 =	slt.u32 s10, $0x78;
	v44 =	vbroadcast v44, $0x0;
	[tilespmem:v43+s17+$0x0] =	vst.idx.msk $0xffff, v35;
	v35 =	vld [tilespmem:s0+$0xA0];
	v43 =	vadd.s32 v27, v36  }
0x4f: {  	v45 =	vmov s1;
	v36 =	vadd.s32 v28, v36;
	[tilespmem:v42+s17+$0x0] =	vst.idx.msk $0xffff, v40;
	v40 =	vld [tilespmem:s0+$0xB0];
	s0 =	sadd.s32 $0x200, s0  }
0x50: {  	v42 =	vshrl.u32 v45, $0x3;
	v45 =	vld [tilespmem:s0+$0xC0];
	v46 =	vadd.s32 v29, v44;
	[tilespmem:v37+s17+$0x0] =	vst.idx.msk $0xffff, v33  }
0x51: {  	v33 =	vshll.u32 v42, v1;
	v42 =	vadd.s32 v30, v44;
	v37 =	vld [tilespmem:s0+$0xD0];
	[tilespmem:v38+s17+$0x0] =	vst.idx.msk $0xffff, v34  }
0x52: {  	s11 =	sadd.s32 $0x1, s1;
	v33 =	vbroadcast v33, $0x0;
	v38 =	vadd.s32 v31, v44;
	v34 =	vld [tilespmem:s0+$0xE0];
	[tilespmem:v41+s17+$0x0] =	vst.idx.msk $0xffff, v39  }
0x53: {  	v44 =	vadd.s32 v32, v44;
	v39 =	vmov s11;
	v41 =	vld [tilespmem:s0+$0xF0];
	[tilespmem:v43+s17+$0x0] =	vst.idx.msk $0xffff, v35  }
0x54: {  	v43 =	vadd.s32 v0, v33;
	v39 =	vshrl.u32 v39, $0x3;
	v35 =	vld [tilespmem:s0+$0xFFFFFF00];
	[tilespmem:v36+s17+$0x0] =	vst.idx.msk $0xffff, v40  }
0x55: {  	v40 =	vadd.s32 v2, v33;
	v39 =	vshll.u32 v39, v1;
	v36 =	vld [tilespmem:s0+$0xFFFFFF10];
	[tilespmem:v46+s17+$0x0] =	vst.idx.msk $0xffff, v45  }
0x56: {  	s11 =	sadd.s32 $0x2, s1;
	v46 =	vadd.s32 v3, v33;
	v39 =	vbroadcast v39, $0x0;
	v45 =	vld [tilespmem:s0+$0xFFFFFF20];
	[tilespmem:v42+s17+$0x0] =	vst.idx.msk $0xffff, v37  }
0x57: {  	v33 =	vadd.s32 v4, v33;
	v42 =	vmov s11;
	v37 =	vld [tilespmem:s0+$0xFFFFFF30];
	[tilespmem:v38+s17+$0x0] =	vst.idx.msk $0xffff, v34  }
0x58: {  	v38 =	vadd.s32 v5, v39;
	v42 =	vshrl.u32 v42, $0x3;
	v34 =	vld [tilespmem:s0+$0xFFFFFF40];
	[tilespmem:v44+s17+$0x0] =	vst.idx.msk $0xffff, v41  }
0x59: {  	v41 =	vadd.s32 v6, v39;
	v42 =	vshll.u32 v42, v1;
	[tilespmem:v43+s17+$0x0] =	vst.idx.msk $0xffff, v35;
	v35 =	vld [tilespmem:s0+$0xFFFFFF50]  }
0x5a: {  	s11 =	sadd.s32 $0x3, s1;
	v42 =	vbroadcast v42, $0x0;
	[tilespmem:v40+s17+$0x0] =	vst.idx.msk $0xffff, v36;
	v36 =	vld [tilespmem:s0+$0xFFFFFF60];
	v40 =	vadd.s32 v7, v39  }
0x5b: {  	v44 =	vmov s11;
	v39 =	vadd.s32 v8, v39;
	[tilespmem:v46+s17+$0x0] =	vst.idx.msk $0xffff, v45;
	v43 =	vld [tilespmem:s0+$0xFFFFFF70]  }
0x5c: {  	v44 =	vshrl.u32 v44, $0x3;
	[tilespmem:v33+s17+$0x0] =	vst.idx.msk $0xffff, v37;
	v33 =	vld [tilespmem:s0+$0xFFFFFF80];
	v37 =	vadd.s32 v9, v42  }
0x5d: {  	v44 =	vshll.u32 v44, v1;
	[tilespmem:v38+s17+$0x0] =	vst.idx.msk $0xffff, v34;
	v34 =	vld [tilespmem:s0+$0xFFFFFF90];
	v38 =	vadd.s32 v10, v42  }
0x5e: {  	s11 =	sadd.s32 $0x4, s1;
	v44 =	vbroadcast v44, $0x0;
	[tilespmem:v41+s17+$0x0] =	vst.idx.msk $0xffff, v35;
	v35 =	vld [tilespmem:s0+$0xFFFFFFA0];
	v41 =	vadd.s32 v11, v42  }
0x5f: {  	[tilespmem:v40+s17+$0x0] =	vst.idx.msk $0xffff, v36;
	v36 =	vld [tilespmem:s0+$0xFFFFFFB0];
	v40 =	vadd.s32 v12, v42;
	v42 =	vmov s11  }
0x60: {  	[tilespmem:v39+s17+$0x0] =	vst.idx.msk $0xffff, v43;
	v39 =	vld [tilespmem:s0+$0xFFFFFFC0];
	v43 =	vadd.s32 v13, v44;
	v42 =	vshrl.u32 v42, $0x3  }
0x61: {  	[tilespmem:v37+s17+$0x0] =	vst.idx.msk $0xffff, v33;
	v33 =	vld [tilespmem:s0+$0xFFFFFFD0];
	v37 =	vadd.s32 v14, v44;
	v42 =	vshll.u32 v42, v1  }
0x62: {  	s11 =	sadd.s32 $0x5, s1;
	[tilespmem:v38+s17+$0x0] =	vst.idx.msk $0xffff, v34;
	v34 =	vld [tilespmem:s0+$0xFFFFFFE0];
	v38 =	vadd.s32 v15, v44;
	v42 =	vbroadcast v42, $0x0  }
0x63: {  	[tilespmem:v41+s17+$0x0] =	vst.idx.msk $0xffff, v35;
	v35 =	vld [tilespmem:s0+$0xFFFFFFF0];
	v41 =	vadd.s32 v16, v44;
	v44 =	vmov s11  }
0x64: {  	[tilespmem:v40+s17+$0x0] =	vst.idx.msk $0xffff, v36;
	v36 =	vld [tilespmem:s0+$0x0];
	v40 =	vadd.s32 v17, v42;
	v44 =	vshrl.u32 v44, $0x3  }
0x65: {  	v45 =	vadd.s32 v18, v42;
	[tilespmem:v43+s17+$0x0] =	vst.idx.msk $0xffff, v39;
	v39 =	vld [tilespmem:s0+$0x10];
	v43 =	vshll.u32 v44, v1  }
0x66: {  	s11 =	sadd.s32 $0x6, s1;
	s1 =	smov.u32 s10;
	[tilespmem:v37+s17+$0x0] =	vst.idx.msk $0xffff, v33;
	v33 =	vld [tilespmem:s0+$0x20];
	v37 =	vadd.s32 v19, v42;
	v44 =	vbroadcast v43, $0x0  }
0x67: {  	[tilespmem:v38+s17+$0x0] =	vst.idx.msk $0xffff, v34;
	v34 =	vld [tilespmem:s0+$0x30];
	v38 =	vadd.s32 v20, v42;
	v42 =	vmov s11  }
0x68: {  	[tilespmem:v41+s17+$0x0] =	vst.idx.msk $0xffff, v35;
	v41 =	vld [tilespmem:s0+$0x40];
	v46 =	vadd.s32 v21, v44;
	v42 =	vshrl.u32 v42, $0x3  }
.Ltmp2:
0x69: {  	v43 =	vadd.s32 v22, v44;
	[tilespmem:v40+s17+$0x0] =	vst.idx.msk $0xffff, v36;
	v35 =	vld [tilespmem:s0+$0x50];
	v36 =	vshll.u32 v42, v1;
	(pc) =	sbr.rel @p1 .LBB2_3-.Ltmp2, $4  }
0x6a: {  	s11 =	sadd.s32 $0x7, s10;
	v42 =	vadd.s32 v23, v44;
	[tilespmem:v45+s17+$0x0] =	vst.idx.msk $0xffff, v39;
	v40 =	vld [tilespmem:s0+$0x60];
	v36 =	vbroadcast v36, $0x0  }
0x6b: {  	v39 =	vmov s11;
	[tilespmem:v37+s17+$0x0] =	vst.idx.msk $0xffff, v33;
	v33 =	vld [tilespmem:s0+$0x70];
	v37 =	vadd.s32 v24, v44  }
0x6c: {  	v39 =	vshrl.u32 v39, $0x3;
	[tilespmem:v38+s17+$0x0] =	vst.idx.msk $0xffff, v34;
	v34 =	vld [tilespmem:s0+$0x80];
	v38 =	vadd.s32 v25, v36  }
0x6d: {  	s10 =	sadd.s32 $0x8, s10;
	v44 =	vshll.u32 v39, v1;
	[tilespmem:v46+s17+$0x0] =	vst.idx.msk $0xffff, v41;
	v39 =	vld [tilespmem:s0+$0x90];
	v41 =	vadd.s32 v26, v36  }
0x6e: {  	_ =	sdelay $0x3  }
0x6f: {  	v44 =	vbroadcast v44, $0x0;
	[tilespmem:v43+s17+$0x0] =	vst.idx.msk $0xffff, v35;
	v60 =	vld [tilespmem:s0+$0xA0];
	v61 =	vadd.s32 v27, v36  }
0x70: {  	v45 =	vmov s1;
	v62 =	vld [tilespmem:s0+$0xB0];
	v63 =	vadd.s32 v28, v36;
	s0 =	sadd.s32 $0x200, s0;
	[tilespmem:v42+s17+$0x0] =	vst.idx.msk $0xffff, v40  }
0x71: {  	v48 =	vshrl.u32 v45, $0x3;
	v49 =	vld [tilespmem:s0+$0xC0];
	v46 =	vadd.s32 v29, v44;
	[tilespmem:v37+s17+$0x0] =	vst.idx.msk $0xffff, v33  }
0x72: {  	v51 =	vld [tilespmem:s0+$0xD0];
	v50 =	vshll.u32 v48, v1;
	v52 =	vadd.s32 v30, v44;
	[tilespmem:v38+s17+$0x0] =	vst.idx.msk $0xffff, v34  }
0x73: {  	s10 =	sadd.s32 $0x1, s1;
	v53 =	vld [tilespmem:s0+$0xE0];
	v54 =	vadd.s32 v31, v44;
	v33 =	vbroadcast v50, $0x0;
	[tilespmem:v41+s17+$0x0] =	vst.idx.msk $0xffff, v39  }
0x74: {  	v55 =	vmov s10;
	v56 =	vld [tilespmem:s0+$0xF0];
	v44 =	vadd.s32 v32, v44;
	[tilespmem:v61+s17+$0x0] =	vst.idx.msk $0xffff, v60  }
0x75: {  	v57 =	vld [tilespmem:s0+$0xFFFFFF00];
	v39 =	vshrl.u32 v55, $0x3;
	v58 =	vadd.s32 v0, v33;
	[tilespmem:v63+s17+$0x0] =	vst.idx.msk $0xffff, v62  }
0x76: {  	s12 =	sadd.s32 $0x2, s1;
	v59 =	vld [tilespmem:s0+$0xFFFFFF10];
	v60 =	vadd.s32 v2, v33;
	v39 =	vshll.u32 v39, v1;
	[tilespmem:v46+s17+$0x0] =	vst.idx.msk $0xffff, v49  }
0x77: {  	v47 =	vmov s12;
	v61 =	vld [tilespmem:s0+$0xFFFFFF20];
	v62 =	vadd.s32 v3, v33;
	v39 =	vbroadcast v39, $0x0;
	[tilespmem:v52+s17+$0x0] =	vst.idx.msk $0xffff, v51  }
0x78: {  	v42 =	vshrl.u32 v47, $0x3;
	v63 =	vld [tilespmem:s0+$0xFFFFFF30];
	v33 =	vadd.s32 v4, v33;
	[tilespmem:v54+s17+$0x0] =	vst.idx.msk $0xffff, v53  }
0x79: {  	v48 =	vld [tilespmem:s0+$0xFFFFFF40];
	v42 =	vshll.u32 v42, v1;
	v49 =	vadd.s32 v5, v39;
	[tilespmem:v44+s17+$0x0] =	vst.idx.msk $0xffff, v56  }
0x7a: {  	v50 =	vld [tilespmem:s0+$0xFFFFFF50];
	v42 =	vbroadcast v42, $0x0;
	v51 =	vadd.s32 v6, v39;
	[tilespmem:v58+s17+$0x0] =	vst.idx.msk $0xffff, v57  }
0x7b: {  	s13 =	sadd.s32 $0x3, s1;
	v52 =	vld [tilespmem:s0+$0xFFFFFF60];
	v53 =	vadd.s32 v7, v39;
	[tilespmem:v60+s17+$0x0] =	vst.idx.msk $0xffff, v59  }
0x7c: {  	v55 =	vmov s13;
	v56 =	vld [tilespmem:s0+$0xFFFFFF80];
	v57 =	vadd.s32 v9, v42;
	[tilespmem:v62+s17+$0x0] =	vst.idx.msk $0xffff, v61  }
0x7d: {  	v54 =	vld [tilespmem:s0+$0xFFFFFF70];
	v39 =	vadd.s32 v8, v39;
	v44 =	vshrl.u32 v55, $0x3;
	[tilespmem:v33+s17+$0x0] =	vst.idx.msk $0xffff, v63  }
0x7e: {  	v58 =	vld [tilespmem:s0+$0xFFFFFF90];
	v59 =	vadd.s32 v10, v42;
	v44 =	vshll.u32 v44, v1;
	[tilespmem:v49+s17+$0x0] =	vst.idx.msk $0xffff, v48  }
0x7f: {  	s14 =	sadd.s32 $0x4, s1;
	v60 =	vld [tilespmem:s0+$0xFFFFFFA0];
	v61 =	vadd.s32 v11, v42;
	v44 =	vbroadcast v44, $0x0;
	[tilespmem:v51+s17+$0x0] =	vst.idx.msk $0xffff, v50  }
0x80: {  	v62 =	vld [tilespmem:s0+$0xFFFFFFB0];
	v63 =	vadd.s32 v12, v42;
	v48 =	vmov s14;
	[tilespmem:v53+s17+$0x0] =	vst.idx.msk $0xffff, v52  }
0x81: {  	v49 =	vld [tilespmem:s0+$0xFFFFFFC0];
	v50 =	vadd.s32 v13, v44;
	v42 =	vshrl.u32 v48, $0x3;
	[tilespmem:v57+s17+$0x0] =	vst.idx.msk $0xffff, v56  }
0x82: {  	s11 =	sadd.s32 $0x5, s1;
	v51 =	vld [tilespmem:s0+$0xFFFFFFD0];
	v52 =	vadd.s32 v14, v44;
	v42 =	vshll.u32 v42, v1;
	[tilespmem:v39+s17+$0x0] =	vst.idx.msk $0xffff, v54  }
0x83: {  	v53 =	vld [tilespmem:s0+$0xFFFFFFE0];
	v57 =	vmov s11;
	[tilespmem:v59+s17+$0x0] =	vst.idx.msk $0xffff, v58;
	v54 =	vadd.s32 v15, v44;
	v42 =	vbroadcast v42, $0x0  }
0x84: {  	v55 =	vld [tilespmem:s0+$0xFFFFFFF0];
	v56 =	vadd.s32 v16, v44;
	v44 =	vshrl.u32 v57, $0x3;
	[tilespmem:v61+s17+$0x0] =	vst.idx.msk $0xffff, v60  }
0x85: {  	v58 =	vld [tilespmem:s0+$0x0];
	v44 =	vshll.u32 v44, v1;
	[tilespmem:v63+s17+$0x0] =	vst.idx.msk $0xffff, v62;
	v59 =	vadd.s32 v17, v42  }
0x86: {  	v60 =	vld [tilespmem:s0+$0x10];
	v61 =	vadd.s32 v18, v42;
	v44 =	vbroadcast v44, $0x0;
	[tilespmem:v50+s17+$0x0] =	vst.idx.msk $0xffff, v49  }
0x87: {  	s12 =	sadd.s32 $0x6, s1;
	v62 =	vld [tilespmem:s0+$0x20];
	v63 =	vadd.s32 v19, v42;
	[tilespmem:v52+s17+$0x0] =	vst.idx.msk $0xffff, v51  }
0x88: {  	v48 =	vmov s12;
	v49 =	vld [tilespmem:s0+$0x40];
	v50 =	vadd.s32 v21, v44;
	[tilespmem:v54+s17+$0x0] =	vst.idx.msk $0xffff, v53  }
0x89: {  	v46 =	vld [tilespmem:s0+$0x30];
	v47 =	vadd.s32 v20, v42;
	v42 =	vshrl.u32 v48, $0x3;
	[tilespmem:v56+s17+$0x0] =	vst.idx.msk $0xffff, v55  }
0x8a: {  	v42 =	vshll.u32 v42, v1;
	v51 =	vld [tilespmem:s0+$0x50];
	v52 =	vadd.s32 v22, v44;
	[tilespmem:v59+s17+$0x0] =	vst.idx.msk $0xffff, v58  }
0x8b: {  	v42 =	vbroadcast v42, $0x0;
	v53 =	vld [tilespmem:s0+$0x60];
	v54 =	vadd.s32 v23, v44;
	[tilespmem:v61+s17+$0x0] =	vst.idx.msk $0xffff, v60  }
0x8c: {  	v55 =	vld [tilespmem:s0+$0x70];
	v56 =	vadd.s32 v24, v44;
	[tilespmem:v63+s17+$0x0] =	vst.idx.msk $0xffff, v62  }
0x8d: {  	v57 =	vld [tilespmem:s0+$0x80];
	v58 =	vadd.s32 v25, v42;
	[tilespmem:v50+s17+$0x0] =	vst.idx.msk $0xffff, v49  }
0x8e: {  	v59 =	vld [tilespmem:s0+$0x90];
	v60 =	vadd.s32 v26, v42;
	[tilespmem:v47+s17+$0x0] =	vst.idx.msk $0xffff, v46  }
0x8f: {  	v61 =	vld [tilespmem:s0+$0xA0];
	v62 =	vadd.s32 v27, v42;
	[tilespmem:v52+s17+$0x0] =	vst.idx.msk $0xffff, v51  }
0x90: {  	v63 =	vld [tilespmem:s0+$0xB0];
	v42 =	vadd.s32 v28, v42;
	[tilespmem:v54+s17+$0x0] =	vst.idx.msk $0xffff, v53  }
0x91: {  	s13 =	sadd.s32 s5, s31;
	[tilespmem:v56+s17+$0x0] =	vst.idx.msk $0xffff, v55  }
0x92: {  	s14 =	sshll.u32 s13, $0x7;
	[tilespmem:v58+s17+$0x0] =	vst.idx.msk $0xffff, v57  }
0x93: {  	s1 =	sand.u32 $0x3E00, s14;
	s0 =	sshll.u32 s13, $0xA;
	[tilespmem:v60+s17+$0x0] =	vst.idx.msk $0xffff, v59  }
0x94: {  	s1 =	sadd.s32 s2, s1;
	s0 =	sand.u32 $0xFFE0000, s0;
	[tilespmem:v62+s17+$0x0] =	vst.idx.msk $0xffff, v61  }
0x95: {  	s10 =	simm.s32 $0xE400;
	s1 =	sadd.s32 s0, s1;
	[tilespmem:v42+s17+$0x0] =	vst.idx.msk $0xffff, v63  }
0x96: {  	[hbm4b:s1+s3] =	stream.linear.scatter [tilespmem:s10], [sflag:$0x5], $0x80, $0x38;
	[tilespmem:$0x16C00] =	vst v63  }
0x97: {  	s11 =	simm.s32 $0xE488;
	s12 =	sadd.s32 $0x10, s1  }
0x98: {  	[hbm4b:s12+s3] =	stream.linear.scatter [tilespmem:s11], [sflag:$0x5], $0x80, $0x38;
	[tilespmem:$0x16C00] =	vst v63  }
0x99: {  	s13 =	simm.s32 $0xE510;
	s0 =	simm.s32 $0x440;
	s14 =	sadd.s32 $0x20, s1  }
0x9a: {  	[hbm4b:s14+s3] =	stream.linear.scatter [tilespmem:s13], [sflag:$0x5], $0x80, $0x38;
	[tilespmem:$0x16C00] =	vst v63  }
0x9b: {  	s10 =	simm.s32 $0x2200;
	s11 =	simm.s32 $0xE598;
	s12 =	sadd.s32 $0x30, s1  }
0x9c: {  	[hbm4b:s12+s3] =	stream.linear.scatter [tilespmem:s11], [sflag:$0x5], $0x80, $0x38;
	[tilespmem:$0x16C00] =	vst v63  }
0x9d: {  	s13 =	simm.s32 $0xE620;
	s14 =	sadd.s32 $0x40, s1;
	s11 =	simm.s32 $0xE6A8  }
0x9e: {  	[hbm4b:s14+s3] =	stream.linear.scatter [tilespmem:s13], [sflag:$0x5], $0x80, $0x38;
	[tilespmem:$0x16C00] =	vst v63  }
0x9f: {  	s12 =	sadd.s32 $0x50, s1;
	s13 =	simm.s32 $0xE730;
	s14 =	sadd.s32 $0x60, s1  }
0xa0: {  	[hbm4b:s12+s3] =	stream.linear.scatter [tilespmem:s11], [sflag:$0x5], $0x80, $0x38;
	[tilespmem:$0x16C00] =	vst v63  }
0xa1: {  	s11 =	simm.s32 $0xE7B8;
	s12 =	sadd.s32 $0x70, s1;
	s1 =	sadd.s32 $0x4000, s1  }
0xa2: {  	[hbm4b:s14+s3] =	stream.linear.scatter [tilespmem:s13], [sflag:$0x5], $0x80, $0x38;
	[tilespmem:$0x16C00] =	vst v63  }
.LBB2_5:
0xa3: {  	[hbm4b:s12+s3] =	stream.linear.scatter [tilespmem:s11], [sflag:$0x5], $0x80, $0x38;
	[tilespmem:$0x16C00] =	vst v63  }
0xa4: {  	s11 =	smov.u32 s0;
	s0 =	smov.u32 s10  }
0xa5: {  	s13 =	sadd.s32 $0x1100, s10;
	s0 =	sshra.s32 s0, $0x2;
	s12 =	sadd.s32 $0xE400, s11  }
0xa6: {  	[hbm4b:s1+s3] =	stream.linear.scatter [tilespmem:s12], [sflag:$0x5], $0x80, $0x38;
	[tilespmem:$0x16C00] =	vst v63  }
0xa7: {  	p1 =	sne.s32 s10, $0x7700;
	s10 =	sadd.s32 $0xE488, s11;
	s12 =	sadd.s32 $0x10, s1  }
0xa8: {  	[hbm4b:s12+s3] =	stream.linear.scatter [tilespmem:s10], [sflag:$0x5], $0x80, $0x38;
	[tilespmem:$0x16C00] =	vst v63  }
0xa9: {  	s10 =	sadd.s32 $0xE510, s11;
	s12 =	sadd.s32 $0x20, s1  }
0xaa: {  	[hbm4b:s12+s3] =	stream.linear.scatter [tilespmem:s10], [sflag:$0x5], $0x80, $0x38;
	[tilespmem:$0x16C00] =	vst v63  }
0xab: {  	s10 =	sadd.s32 $0xE598, s11;
	s12 =	sadd.s32 $0x30, s1  }
0xac: {  	[hbm4b:s12+s3] =	stream.linear.scatter [tilespmem:s10], [sflag:$0x5], $0x80, $0x38;
	[tilespmem:$0x16C00] =	vst v63  }
0xad: {  	s10 =	sadd.s32 $0xE620, s11;
	s12 =	sadd.s32 $0x40, s1  }
0xae: {  	[hbm4b:s12+s3] =	stream.linear.scatter [tilespmem:s10], [sflag:$0x5], $0x80, $0x38;
	[tilespmem:$0x16C00] =	vst v63  }
.Ltmp3:
0xaf: {  	s10 =	sadd.s32 $0xE6A8, s11;
	s12 =	sadd.s32 $0x50, s1;
	(pc) =	sbr.rel @p1 .LBB2_5-.Ltmp3, $4  }
0xb0: {  	[hbm4b:s12+s3] =	stream.linear.scatter [tilespmem:s10], [sflag:$0x5], $0x80, $0x38;
	[tilespmem:$0x16C00] =	vst v63  }
0xb1: {  	s10 =	sadd.s32 $0xE730, s11;
	s12 =	sadd.s32 $0x60, s1;
	s11 =	sadd.s32 $0xE7B8, s11  }
0xb2: {  	[hbm4b:s12+s3] =	stream.linear.scatter [tilespmem:s10], [sflag:$0x5], $0x80, $0x38;
	[tilespmem:$0x16C00] =	vst v63  }
0xb3: {  	s12 =	sadd.s32 $0x70, s1;
	s1 =	sadd.s32 $0x4000, s1;
	s10 =	smov.u32 s13  }
0xb4: {  	[hbm4b:s12+s3] =	stream.linear.scatter [tilespmem:s11], [sflag:$0x5], $0x80, $0x38;
	[tilespmem:$0x16C00] =	vst v63  }
0xb5: {  	s10 =	sadd.s32 $0xE400, s0  }
0xb6: {  	[hbm4b:s1+s3] =	stream.linear.scatter [tilespmem:s10], [sflag:$0x5], $0x80, $0x38;
	[tilespmem:$0x16C00] =	vst v63  }
0xb7: {  	s11 =	sadd.s32 $0xE488, s0;
	s12 =	sadd.s32 $0x10, s1  }
0xb8: {  	[hbm4b:s12+s3] =	stream.linear.scatter [tilespmem:s11], [sflag:$0x5], $0x80, $0x38;
	[tilespmem:$0x16C00] =	vst v63  }
0xb9: {  	s13 =	sadd.s32 $0xE510, s0;
	s14 =	sadd.s32 $0x20, s1  }
0xba: {  	[hbm4b:s14+s3] =	stream.linear.scatter [tilespmem:s13], [sflag:$0x5], $0x80, $0x38;
	[tilespmem:$0x16C00] =	vst v63  }
0xbb: {  	s11 =	sadd.s32 $0xE598, s0;
	s12 =	sadd.s32 $0x30, s1  }
0xbc: {  	[hbm4b:s12+s3] =	stream.linear.scatter [tilespmem:s11], [sflag:$0x5], $0x80, $0x38;
	[tilespmem:$0x16C00] =	vst v63  }
0xbd: {  	p1 =	seq.s32 s30, $0x31;
	s13 =	sadd.s32 $0xE620, s0;
	s14 =	sadd.s32 $0x40, s1  }
0xbe: {  	[hbm4b:s14+s3] =	stream.linear.scatter [tilespmem:s13], [sflag:$0x5], $0x80, $0x38;
	[tilespmem:$0x16C00] =	vst v63  }
0xbf: {  	s11 =	sadd.s32 $0xE6A8, s0;
	s12 =	sadd.s32 $0x50, s1;
	s13 =	sadd.s32 $0xE730, s0  }
0xc0: {  	[hbm4b:s12+s3] =	stream.linear.scatter [tilespmem:s11], [sflag:$0x5], $0x80, $0x38;
	[tilespmem:$0x16C00] =	vst v63  }
0xc1: {  	s14 =	sadd.s32 $0x60, s1;
	s11 =	sadd.s32 $0xE7B8, s0;
	s0 =	sshll.u32 @!p1 s30, $0x9  }
0xc2: {  	[hbm4b:s14+s3] =	stream.linear.scatter [tilespmem:s13], [sflag:$0x5], $0x80, $0x38;
	[tilespmem:$0x16C00] =	vst v63  }
0xc3: {  	s12 =	sadd.s32 $0x70, s1;
	s1 =	sand.u32 @!p1 $0x3FFFFE00, s0  }
0xc4: {  	[hbm4b:s12+s3] =	stream.linear.scatter [tilespmem:s11], [sflag:$0x5], $0x80, $0x38;
	[tilespmem:$0x16C00] =	vst v63  }
0xc5: {  	s10 =	simm.s32 @!p1 $0x80;
	s0 =	sadd.s32 @!p1 $0x200, s1;
	s11 =	simm.s32 @!p1 $0x6400  }
0xc6: {  	[tilespmem:s11], [sflag:$0x1] =	stream.indirect.gather @!p1 [hbm4b:s4+s10], $0x40, s0, s10, $0xb8;
	[tilespmem:$0x16C00] =	vst v63  }
0xc7: {  	_ =	swait.ge [sflag:s18], $0x2000  }
0xc8: {  	[sflag:s18] =	ssyncset.done $0x0  }
0xc9: {  	s0 =	simm.s32 @!p0 $0x6;
	[sflag:s18] =	ssyncadd.s32 $0xFFFFE000  }
0xca: {  	_ =	swait.ge @!p0 [sflag:s0], $0x2000  }
0xcb: {  	s13 =	simm.s32 $0x7;
	[sflag:s0] =	ssyncset.done @!p0 $0x0  }
0xcc: {  	s14 =	simm.s32 $0x0;
	v33 =	vmov s13;
	s10 =	simm.s32 $0x85F0;
	[sflag:s0] =	ssyncadd.s32 @!p0 $0xFFFFE000  }
0xcd: {  	v34 =	vmov s14;
	v33 =	vshrl.u32 v33, $0x3;
	s12 =	simm.s32 $0x1;
	v35 =	vld [tilespmem:s10+$0xFFFFFFD0]  }
0xce: {  	v34 =	vshrl.u32 v34, $0x3;
	v33 =	vshll.u32 v33, v1;
	v41 =	vmov s12;
	v37 =	vld [tilespmem:s10+$0xFFFFFFE0]  }
0xcf: {  	v34 =	vshll.u32 v34, v1;
	v33 =	vbroadcast v33, $0x0;
	v41 =	vshrl.u32 v41, $0x3;
	v39 =	vld [tilespmem:s10+$0xFFFFFFF0]  }
0xd0: {  	v34 =	vbroadcast v34, $0x0;
	v41 =	vshll.u32 v41, v1;
	v42 =	vld [tilespmem:s10+$0x0]  }
0xd1: {  	v36 =	vadd.s32 v29, v33;
	v41 =	vbroadcast v41, $0x0;
	v43 =	vld [tilespmem:s10+$0xFFFFFE10]  }
0xd2: {  	v44 =	vadd.s32 v0, v34;
	v45 =	vld [tilespmem:s10+$0xFFFFFE20]  }
0xd3: {  	v58 =	vadd.s32 v5, v41;
	v57 =	vld [tilespmem:s10+$0xFFFFFE50]  }
0xd4: {  	v38 =	vadd.s32 v30, v33;
	v53 =	vld [tilespmem:s10+$0xFFFFFE30]  }
0xd5: {  	v46 =	vadd.s32 v2, v34;
	v55 =	vld [tilespmem:s10+$0xFFFFFE40]  }
0xd6: {  	v60 =	vadd.s32 v6, v41;
	v59 =	vld [tilespmem:s10+$0xFFFFFE60];
	[tilespmem:v36+s19+$0x0] =	vst.idx.msk $0xffff, v35  }
0xd7: {  	s14 =	simm.s32 $0x3;
	v40 =	vadd.s32 v31, v33;
	v61 =	vld [tilespmem:s10+$0xFFFFFE70];
	[tilespmem:v44+s19+$0x0] =	vst.idx.msk $0xffff, v43  }
0xd8: {  	v49 =	vmov s14;
	v54 =	vadd.s32 v3, v34;
	v63 =	vld [tilespmem:s10+$0xFFFFFE80];
	[tilespmem:v58+s19+$0x0] =	vst.idx.msk $0xffff, v57  }
0xd9: {  	s13 =	simm.s32 $0x2;
	v62 =	vadd.s32 v7, v41;
	v48 =	vadd.s32 v8, v41;
	v41 =	vshrl.u32 v49, $0x3;
	[tilespmem:v38+s19+$0x0] =	vst.idx.msk $0xffff, v37  }
0xda: {  	v56 =	vmov s13;
	v33 =	vadd.s32 v32, v33;
	v41 =	vshll.u32 v41, v1;
	[tilespmem:v46+s19+$0x0] =	vst.idx.msk $0xffff, v45  }
0xdb: {  	v34 =	vadd.s32 v4, v34;
	v41 =	vbroadcast v41, $0x0;
	v50 =	vld [tilespmem:s10+$0xFFFFFE90];
	v38 =	vshrl.u32 v56, $0x3;
	[tilespmem:v60+s19+$0x0] =	vst.idx.msk $0xffff, v59  }
0xdc: {  	v52 =	vld [tilespmem:s10+$0xFFFFFEA0];
	[tilespmem:v40+s19+$0x0] =	vst.idx.msk $0xffff, v39;
	v38 =	vshll.u32 v38, v1  }
0xdd: {  	v58 =	vld [tilespmem:s10+$0xFFFFFED0];
	v59 =	vadd.s32 v13, v41;
	[tilespmem:v54+s19+$0x0] =	vst.idx.msk $0xffff, v53;
	v38 =	vbroadcast v38, $0x0  }
0xde: {  	v60 =	vld [tilespmem:s10+$0xFFFFFEE0];
	[tilespmem:v62+s19+$0x0] =	vst.idx.msk $0xffff, v61;
	v61 =	vadd.s32 v14, v41  }
0xdf: {  	s11 =	simm.s32 $0x4;
	v56 =	vld [tilespmem:s10+$0xFFFFFEC0];
	[tilespmem:v33+s19+$0x0] =	vst.idx.msk $0xffff, v42;
	v51 =	vadd.s32 v9, v38  }
0xe0: {  	v57 =	vmov s11;
	v54 =	vld [tilespmem:s10+$0xFFFFFEB0];
	[tilespmem:v34+s19+$0x0] =	vst.idx.msk $0xffff, v55;
	v53 =	vadd.s32 v10, v38  }
0xe1: {  	v44 =	vshrl.u32 v57, $0x3;
	v62 =	vld [tilespmem:s10+$0xFFFFFEF0];
	[tilespmem:v48+s19+$0x0] =	vst.idx.msk $0xffff, v63;
	v55 =	vadd.s32 v11, v38  }
0xe2: {  	v44 =	vshll.u32 v44, v1;
	v48 =	vld [tilespmem:s10+$0xFFFFFF00];
	v38 =	vadd.s32 v12, v38;
	[tilespmem:v59+s19+$0x0] =	vst.idx.msk $0xffff, v58  }
0xe3: {  	s12 =	simm.s32 $0x5;
	v63 =	vadd.s32 v15, v41;
	v44 =	vbroadcast v44, $0x0;
	[tilespmem:v61+s19+$0x0] =	vst.idx.msk $0xffff, v60  }
0xe4: {  	v49 =	vmov s12;
	v41 =	vadd.s32 v16, v41;
	[tilespmem:v51+s19+$0x0] =	vst.idx.msk $0xffff, v50  }
0xe5: {  	v42 =	vshrl.u32 v49, $0x3;
	v50 =	vld [tilespmem:s10+$0xFFFFFF10];
	v51 =	vadd.s32 v17, v44;
	[tilespmem:v53+s19+$0x0] =	vst.idx.msk $0xffff, v52  }
0xe6: {  	v52 =	vld [tilespmem:s10+$0xFFFFFF20];
	v53 =	vadd.s32 v18, v44;
	[tilespmem:v55+s19+$0x0] =	vst.idx.msk $0xffff, v54;
	v54 =	vshll.u32 v42, v1  }
0xe7: {  	s13 =	simm.s32 $0x6;
	v55 =	vld [tilespmem:s10+$0xFFFFFF30];
	[tilespmem:v38+s19+$0x0] =	vst.idx.msk $0xffff, v56;
	v56 =	vadd.s32 v19, v44;
	v57 =	vbroadcast v54, $0x0  }
0xe8: {  	v58 =	vld [tilespmem:s10+$0xFFFFFF40];
	v59 =	vmov s13;
	[tilespmem:v63+s19+$0x0] =	vst.idx.msk $0xffff, v62;
	v44 =	vadd.s32 v20, v44  }
0xe9: {  	v60 =	vld [tilespmem:s10+$0xFFFFFF50];
	v61 =	vshrl.u32 v59, $0x3;
	[tilespmem:v41+s19+$0x0] =	vst.idx.msk $0xffff, v48;
	v47 =	vadd.s32 v21, v57  }
0xea: {  	v35 =	vld [tilespmem:s10+$0xFFFFFF60];
	v33 =	vshll.u32 v61, v1;
	[tilespmem:v51+s19+$0x0] =	vst.idx.msk $0xffff, v50;
	v43 =	vadd.s32 v22, v57  }
0xeb: {  	s14 =	simm.s32 $0xF;
	v40 =	vld [tilespmem:s10+$0xFFFFFF70];
	v36 =	vbroadcast v33, $0x0;
	v42 =	vadd.s32 v23, v57;
	[tilespmem:v53+s19+$0x0] =	vst.idx.msk $0xffff, v52  }
0xec: {  	v62 =	vmov s14;
	v33 =	vld [tilespmem:s10+$0xFFFFFF80];
	v37 =	vadd.s32 v24, v57;
	[tilespmem:v56+s19+$0x0] =	vst.idx.msk $0xffff, v55  }
0xed: {  	v34 =	vld [tilespmem:s10+$0xFFFFFF90];
	v63 =	vshrl.u32 v62, $0x3;
	v38 =	vadd.s32 v25, v36;
	[tilespmem:v44+s19+$0x0] =	vst.idx.msk $0xffff, v58  }
0xee: {  	s12 =	simm.s32 $0x10;
	s0 =	sor.u32 $0x1, s31;
	s11 =	simm.s32 $0x8;
	v39 =	vld [tilespmem:s10+$0xFFFFFFA0];
	v41 =	vadd.s32 v26, v36;
	v44 =	vshll.u32 v63, v1;
	[tilespmem:v47+s19+$0x0] =	vst.idx.msk $0xffff, v60  }
.LBB2_7:
0xef: {  	p2 =	slt.u32 s12, $0x78;
	v44 =	vbroadcast v44, $0x0;
	[tilespmem:v43+s19+$0x0] =	vst.idx.msk $0xffff, v35;
	v35 =	vld [tilespmem:s10+$0xFFFFFFB0];
	v43 =	vadd.s32 v27, v36  }
0xf0: {  	v45 =	vmov s11;
	v36 =	vadd.s32 v28, v36;
	[tilespmem:v42+s19+$0x0] =	vst.idx.msk $0xffff, v40;
	v40 =	vld [tilespmem:s10+$0xFFFFFFC0];
	s10 =	sadd.s32 $0x200, s10  }
0xf1: {  	v42 =	vshrl.u32 v45, $0x3;
	v45 =	vld [tilespmem:s10+$0xFFFFFFD0];
	v46 =	vadd.s32 v29, v44;
	[tilespmem:v37+s19+$0x0] =	vst.idx.msk $0xffff, v33  }
0xf2: {  	v33 =	vshll.u32 v42, v1;
	v42 =	vadd.s32 v30, v44;
	v37 =	vld [tilespmem:s10+$0xFFFFFFE0];
	[tilespmem:v38+s19+$0x0] =	vst.idx.msk $0xffff, v34  }
0xf3: {  	s13 =	sadd.s32 $0x1, s11;
	v33 =	vbroadcast v33, $0x0;
	v38 =	vadd.s32 v31, v44;
	v34 =	vld [tilespmem:s10+$0xFFFFFFF0];
	[tilespmem:v41+s19+$0x0] =	vst.idx.msk $0xffff, v39  }
0xf4: {  	v44 =	vadd.s32 v32, v44;
	v39 =	vmov s13;
	v41 =	vld [tilespmem:s10+$0x0];
	[tilespmem:v43+s19+$0x0] =	vst.idx.msk $0xffff, v35  }
0xf5: {  	v43 =	vadd.s32 v0, v33;
	v39 =	vshrl.u32 v39, $0x3;
	v35 =	vld [tilespmem:s10+$0xFFFFFE10];
	[tilespmem:v36+s19+$0x0] =	vst.idx.msk $0xffff, v40  }
0xf6: {  	v40 =	vadd.s32 v2, v33;
	v39 =	vshll.u32 v39, v1;
	v36 =	vld [tilespmem:s10+$0xFFFFFE20];
	[tilespmem:v46+s19+$0x0] =	vst.idx.msk $0xffff, v45  }
0xf7: {  	s13 =	sadd.s32 $0x2, s11;
	v46 =	vadd.s32 v3, v33;
	v39 =	vbroadcast v39, $0x0;
	v45 =	vld [tilespmem:s10+$0xFFFFFE30];
	[tilespmem:v42+s19+$0x0] =	vst.idx.msk $0xffff, v37  }
0xf8: {  	v33 =	vadd.s32 v4, v33;
	v42 =	vmov s13;
	v37 =	vld [tilespmem:s10+$0xFFFFFE40];
	[tilespmem:v38+s19+$0x0] =	vst.idx.msk $0xffff, v34  }
0xf9: {  	v38 =	vadd.s32 v5, v39;
	v42 =	vshrl.u32 v42, $0x3;
	v34 =	vld [tilespmem:s10+$0xFFFFFE50];
	[tilespmem:v44+s19+$0x0] =	vst.idx.msk $0xffff, v41  }
0xfa: {  	v41 =	vadd.s32 v6, v39;
	v42 =	vshll.u32 v42, v1;
	[tilespmem:v43+s19+$0x0] =	vst.idx.msk $0xffff, v35;
	v35 =	vld [tilespmem:s10+$0xFFFFFE60]  }
0xfb: {  	s13 =	sadd.s32 $0x3, s11;
	v42 =	vbroadcast v42, $0x0;
	[tilespmem:v40+s19+$0x0] =	vst.idx.msk $0xffff, v36;
	v36 =	vld [tilespmem:s10+$0xFFFFFE70];
	v40 =	vadd.s32 v7, v39  }
0xfc: {  	v44 =	vmov s13;
	v39 =	vadd.s32 v8, v39;
	[tilespmem:v46+s19+$0x0] =	vst.idx.msk $0xffff, v45;
	v43 =	vld [tilespmem:s10+$0xFFFFFE80]  }
0xfd: {  	v44 =	vshrl.u32 v44, $0x3;
	[tilespmem:v33+s19+$0x0] =	vst.idx.msk $0xffff, v37;
	v33 =	vld [tilespmem:s10+$0xFFFFFE90];
	v37 =	vadd.s32 v9, v42  }
0xfe: {  	v44 =	vshll.u32 v44, v1;
	[tilespmem:v38+s19+$0x0] =	vst.idx.msk $0xffff, v34;
	v34 =	vld [tilespmem:s10+$0xFFFFFEA0];
	v38 =	vadd.s32 v10, v42  }
0xff: {  	s13 =	sadd.s32 $0x4, s11;
	v44 =	vbroadcast v44, $0x0;
	[tilespmem:v41+s19+$0x0] =	vst.idx.msk $0xffff, v35;
	v35 =	vld [tilespmem:s10+$0xFFFFFEB0];
	v41 =	vadd.s32 v11, v42  }
0x100: {  	[tilespmem:v40+s19+$0x0] =	vst.idx.msk $0xffff, v36;
	v36 =	vld [tilespmem:s10+$0xFFFFFEC0];
	v40 =	vadd.s32 v12, v42;
	v42 =	vmov s13  }
0x101: {  	[tilespmem:v39+s19+$0x0] =	vst.idx.msk $0xffff, v43;
	v39 =	vld [tilespmem:s10+$0xFFFFFED0];
	v43 =	vadd.s32 v13, v44;
	v42 =	vshrl.u32 v42, $0x3  }
0x102: {  	[tilespmem:v37+s19+$0x0] =	vst.idx.msk $0xffff, v33;
	v33 =	vld [tilespmem:s10+$0xFFFFFEE0];
	v37 =	vadd.s32 v14, v44;
	v42 =	vshll.u32 v42, v1  }
0x103: {  	s13 =	sadd.s32 $0x5, s11;
	[tilespmem:v38+s19+$0x0] =	vst.idx.msk $0xffff, v34;
	v34 =	vld [tilespmem:s10+$0xFFFFFEF0];
	v38 =	vadd.s32 v15, v44;
	v42 =	vbroadcast v42, $0x0  }
0x104: {  	[tilespmem:v41+s19+$0x0] =	vst.idx.msk $0xffff, v35;
	v35 =	vld [tilespmem:s10+$0xFFFFFF00];
	v41 =	vadd.s32 v16, v44;
	v44 =	vmov s13  }
0x105: {  	[tilespmem:v40+s19+$0x0] =	vst.idx.msk $0xffff, v36;
	v36 =	vld [tilespmem:s10+$0xFFFFFF10];
	v40 =	vadd.s32 v17, v42;
	v44 =	vshrl.u32 v44, $0x3  }
0x106: {  	v45 =	vadd.s32 v18, v42;
	[tilespmem:v43+s19+$0x0] =	vst.idx.msk $0xffff, v39;
	v39 =	vld [tilespmem:s10+$0xFFFFFF20];
	v43 =	vshll.u32 v44, v1  }
0x107: {  	s13 =	sadd.s32 $0x6, s11;
	s11 =	smov.u32 s12;
	[tilespmem:v37+s19+$0x0] =	vst.idx.msk $0xffff, v33;
	v33 =	vld [tilespmem:s10+$0xFFFFFF30];
	v37 =	vadd.s32 v19, v42;
	v44 =	vbroadcast v43, $0x0  }
0x108: {  	[tilespmem:v38+s19+$0x0] =	vst.idx.msk $0xffff, v34;
	v34 =	vld [tilespmem:s10+$0xFFFFFF40];
	v38 =	vadd.s32 v20, v42;
	v42 =	vmov s13  }
0x109: {  	[tilespmem:v41+s19+$0x0] =	vst.idx.msk $0xffff, v35;
	v41 =	vld [tilespmem:s10+$0xFFFFFF50];
	v46 =	vadd.s32 v21, v44;
	v42 =	vshrl.u32 v42, $0x3  }
.Ltmp4:
0x10a: {  	v43 =	vadd.s32 v22, v44;
	[tilespmem:v40+s19+$0x0] =	vst.idx.msk $0xffff, v36;
	v35 =	vld [tilespmem:s10+$0xFFFFFF60];
	v36 =	vshll.u32 v42, v1;
	(pc) =	sbr.rel @p2 .LBB2_7-.Ltmp4, $4  }
0x10b: {  	s13 =	sadd.s32 $0x7, s12;
	v42 =	vadd.s32 v23, v44;
	[tilespmem:v45+s19+$0x0] =	vst.idx.msk $0xffff, v39;
	v40 =	vld [tilespmem:s10+$0xFFFFFF70];
	v36 =	vbroadcast v36, $0x0  }
0x10c: {  	v39 =	vmov s13;
	[tilespmem:v37+s19+$0x0] =	vst.idx.msk $0xffff, v33;
	v33 =	vld [tilespmem:s10+$0xFFFFFF80];
	v37 =	vadd.s32 v24, v44  }
0x10d: {  	v39 =	vshrl.u32 v39, $0x3;
	[tilespmem:v38+s19+$0x0] =	vst.idx.msk $0xffff, v34;
	v34 =	vld [tilespmem:s10+$0xFFFFFF90];
	v38 =	vadd.s32 v25, v36  }
0x10e: {  	s12 =	sadd.s32 $0x8, s12;
	v44 =	vshll.u32 v39, v1;
	[tilespmem:v46+s19+$0x0] =	vst.idx.msk $0xffff, v41;
	v39 =	vld [tilespmem:s10+$0xFFFFFFA0];
	v41 =	vadd.s32 v26, v36  }
0x10f: {  	_ =	sdelay $0x3  }
0x110: {  	v44 =	vbroadcast v44, $0x0;
	[tilespmem:v43+s19+$0x0] =	vst.idx.msk $0xffff, v35;
	v60 =	vld [tilespmem:s10+$0xFFFFFFB0];
	v61 =	vadd.s32 v27, v36  }
0x111: {  	v45 =	vmov s11;
	v62 =	vld [tilespmem:s10+$0xFFFFFFC0];
	v63 =	vadd.s32 v28, v36;
	s10 =	sadd.s32 $0x200, s10;
	[tilespmem:v42+s19+$0x0] =	vst.idx.msk $0xffff, v40  }
0x112: {  	v48 =	vshrl.u32 v45, $0x3;
	v49 =	vld [tilespmem:s10+$0xFFFFFFD0];
	v46 =	vadd.s32 v29, v44;
	[tilespmem:v37+s19+$0x0] =	vst.idx.msk $0xffff, v33  }
0x113: {  	v51 =	vld [tilespmem:s10+$0xFFFFFFE0];
	v50 =	vshll.u32 v48, v1;
	v52 =	vadd.s32 v30, v44;
	[tilespmem:v38+s19+$0x0] =	vst.idx.msk $0xffff, v34  }
0x114: {  	s12 =	sadd.s32 $0x1, s11;
	v53 =	vld [tilespmem:s10+$0xFFFFFFF0];
	v54 =	vadd.s32 v31, v44;
	v33 =	vbroadcast v50, $0x0;
	[tilespmem:v41+s19+$0x0] =	vst.idx.msk $0xffff, v39  }
0x115: {  	v55 =	vmov s12;
	v56 =	vld [tilespmem:s10+$0x0];
	v44 =	vadd.s32 v32, v44;
	[tilespmem:v61+s19+$0x0] =	vst.idx.msk $0xffff, v60  }
0x116: {  	v57 =	vld [tilespmem:s10+$0xFFFFFE10];
	v39 =	vshrl.u32 v55, $0x3;
	v58 =	vadd.s32 v0, v33;
	[tilespmem:v63+s19+$0x0] =	vst.idx.msk $0xffff, v62  }
0x117: {  	s13 =	sadd.s32 $0x2, s11;
	v59 =	vld [tilespmem:s10+$0xFFFFFE20];
	v60 =	vadd.s32 v2, v33;
	v39 =	vshll.u32 v39, v1;
	[tilespmem:v46+s19+$0x0] =	vst.idx.msk $0xffff, v49  }
0x118: {  	v47 =	vmov s13;
	v61 =	vld [tilespmem:s10+$0xFFFFFE30];
	v62 =	vadd.s32 v3, v33;
	v39 =	vbroadcast v39, $0x0;
	[tilespmem:v52+s19+$0x0] =	vst.idx.msk $0xffff, v51  }
0x119: {  	v42 =	vshrl.u32 v47, $0x3;
	v63 =	vld [tilespmem:s10+$0xFFFFFE40];
	v33 =	vadd.s32 v4, v33;
	[tilespmem:v54+s19+$0x0] =	vst.idx.msk $0xffff, v53  }
0x11a: {  	v48 =	vld [tilespmem:s10+$0xFFFFFE50];
	v42 =	vshll.u32 v42, v1;
	v49 =	vadd.s32 v5, v39;
	[tilespmem:v44+s19+$0x0] =	vst.idx.msk $0xffff, v56  }
0x11b: {  	v50 =	vld [tilespmem:s10+$0xFFFFFE60];
	v42 =	vbroadcast v42, $0x0;
	v51 =	vadd.s32 v6, v39;
	[tilespmem:v58+s19+$0x0] =	vst.idx.msk $0xffff, v57  }
0x11c: {  	s14 =	sadd.s32 $0x3, s11;
	v52 =	vld [tilespmem:s10+$0xFFFFFE70];
	v53 =	vadd.s32 v7, v39;
	[tilespmem:v60+s19+$0x0] =	vst.idx.msk $0xffff, v59  }
0x11d: {  	v55 =	vmov s14;
	v56 =	vld [tilespmem:s10+$0xFFFFFE90];
	v57 =	vadd.s32 v9, v42;
	[tilespmem:v62+s19+$0x0] =	vst.idx.msk $0xffff, v61  }
0x11e: {  	v54 =	vld [tilespmem:s10+$0xFFFFFE80];
	v39 =	vadd.s32 v8, v39;
	v44 =	vshrl.u32 v55, $0x3;
	[tilespmem:v33+s19+$0x0] =	vst.idx.msk $0xffff, v63  }
0x11f: {  	v58 =	vld [tilespmem:s10+$0xFFFFFEA0];
	v59 =	vadd.s32 v10, v42;
	v44 =	vshll.u32 v44, v1;
	[tilespmem:v49+s19+$0x0] =	vst.idx.msk $0xffff, v48  }
0x120: {  	s13 =	sadd.s32 $0x4, s11;
	v60 =	vld [tilespmem:s10+$0xFFFFFEB0];
	v61 =	vadd.s32 v11, v42;
	v44 =	vbroadcast v44, $0x0;
	[tilespmem:v51+s19+$0x0] =	vst.idx.msk $0xffff, v50  }
0x121: {  	v62 =	vld [tilespmem:s10+$0xFFFFFEC0];
	v63 =	vadd.s32 v12, v42;
	v48 =	vmov s13;
	[tilespmem:v53+s19+$0x0] =	vst.idx.msk $0xffff, v52  }
0x122: {  	v49 =	vld [tilespmem:s10+$0xFFFFFED0];
	v50 =	vadd.s32 v13, v44;
	v42 =	vshrl.u32 v48, $0x3;
	[tilespmem:v57+s19+$0x0] =	vst.idx.msk $0xffff, v56  }
0x123: {  	s14 =	sadd.s32 $0x5, s11;
	v51 =	vld [tilespmem:s10+$0xFFFFFEE0];
	v52 =	vadd.s32 v14, v44;
	v42 =	vshll.u32 v42, v1;
	[tilespmem:v39+s19+$0x0] =	vst.idx.msk $0xffff, v54  }
0x124: {  	v53 =	vld [tilespmem:s10+$0xFFFFFEF0];
	v57 =	vmov s14;
	[tilespmem:v59+s19+$0x0] =	vst.idx.msk $0xffff, v58;
	v54 =	vadd.s32 v15, v44;
	v42 =	vbroadcast v42, $0x0  }
0x125: {  	v55 =	vld [tilespmem:s10+$0xFFFFFF00];
	v56 =	vadd.s32 v16, v44;
	v44 =	vshrl.u32 v57, $0x3;
	[tilespmem:v61+s19+$0x0] =	vst.idx.msk $0xffff, v60  }
0x126: {  	v58 =	vld [tilespmem:s10+$0xFFFFFF10];
	v44 =	vshll.u32 v44, v1;
	[tilespmem:v63+s19+$0x0] =	vst.idx.msk $0xffff, v62;
	v59 =	vadd.s32 v17, v42  }
0x127: {  	v60 =	vld [tilespmem:s10+$0xFFFFFF20];
	v61 =	vadd.s32 v18, v42;
	v44 =	vbroadcast v44, $0x0;
	[tilespmem:v50+s19+$0x0] =	vst.idx.msk $0xffff, v49  }
0x128: {  	s12 =	sadd.s32 $0x6, s11;
	v62 =	vld [tilespmem:s10+$0xFFFFFF30];
	v63 =	vadd.s32 v19, v42;
	[tilespmem:v52+s19+$0x0] =	vst.idx.msk $0xffff, v51  }
0x129: {  	v48 =	vmov s12;
	v49 =	vld [tilespmem:s10+$0xFFFFFF50];
	v50 =	vadd.s32 v21, v44;
	[tilespmem:v54+s19+$0x0] =	vst.idx.msk $0xffff, v53  }
0x12a: {  	v46 =	vld [tilespmem:s10+$0xFFFFFF40];
	v47 =	vadd.s32 v20, v42;
	v42 =	vshrl.u32 v48, $0x3;
	[tilespmem:v56+s19+$0x0] =	vst.idx.msk $0xffff, v55  }
0x12b: {  	v42 =	vshll.u32 v42, v1;
	v51 =	vld [tilespmem:s10+$0xFFFFFF60];
	v52 =	vadd.s32 v22, v44;
	[tilespmem:v59+s19+$0x0] =	vst.idx.msk $0xffff, v58  }
0x12c: {  	v42 =	vbroadcast v42, $0x0;
	v53 =	vld [tilespmem:s10+$0xFFFFFF70];
	v54 =	vadd.s32 v23, v44;
	[tilespmem:v61+s19+$0x0] =	vst.idx.msk $0xffff, v60  }
0x12d: {  	v55 =	vld [tilespmem:s10+$0xFFFFFF80];
	v56 =	vadd.s32 v24, v44;
	[tilespmem:v63+s19+$0x0] =	vst.idx.msk $0xffff, v62  }
0x12e: {  	v57 =	vld [tilespmem:s10+$0xFFFFFF90];
	v58 =	vadd.s32 v25, v42;
	[tilespmem:v50+s19+$0x0] =	vst.idx.msk $0xffff, v49  }
0x12f: {  	v59 =	vld [tilespmem:s10+$0xFFFFFFA0];
	v60 =	vadd.s32 v26, v42;
	[tilespmem:v47+s19+$0x0] =	vst.idx.msk $0xffff, v46  }
0x130: {  	v61 =	vld [tilespmem:s10+$0xFFFFFFB0];
	v62 =	vadd.s32 v27, v42;
	[tilespmem:v52+s19+$0x0] =	vst.idx.msk $0xffff, v51  }
0x131: {  	v63 =	vld [tilespmem:s10+$0xFFFFFFC0];
	v42 =	vadd.s32 v28, v42;
	[tilespmem:v54+s19+$0x0] =	vst.idx.msk $0xffff, v53  }
0x132: {  	s0 =	sadd.s32 s5, s0;
	[tilespmem:v56+s19+$0x0] =	vst.idx.msk $0xffff, v55  }
0x133: {  	s13 =	sshll.u32 s0, $0x7;
	[tilespmem:v58+s19+$0x0] =	vst.idx.msk $0xffff, v57  }
0x134: {  	s0 =	sshll.u32 s0, $0xA;
	s10 =	sand.u32 $0x3E80, s13;
	[tilespmem:v60+s19+$0x0] =	vst.idx.msk $0xffff, v59  }
0x135: {  	s0 =	sand.u32 $0xFFE0000, s0;
	s10 =	sadd.s32 s2, s10;
	[tilespmem:v62+s19+$0x0] =	vst.idx.msk $0xffff, v61  }
0x136: {  	s14 =	simm.s32 $0x10600;
	s10 =	sadd.s32 s0, s10;
	[tilespmem:v42+s19+$0x0] =	vst.idx.msk $0xffff, v63  }
0x137: {  	[hbm4b:s10+s3] =	stream.linear.scatter [tilespmem:s14], [sflag:$0x6], $0x80, $0x38;
	[tilespmem:$0x16C00] =	vst v63  }
0x138: {  	s11 =	simm.s32 $0x10688;
	s12 =	sadd.s32 $0x10, s10  }
0x139: {  	[hbm4b:s12+s3] =	stream.linear.scatter [tilespmem:s11], [sflag:$0x6], $0x80, $0x38;
	[tilespmem:$0x16C00] =	vst v63  }
0x13a: {  	s13 =	simm.s32 $0x10710;
	s14 =	sadd.s32 $0x20, s10  }
0x13b: {  	[hbm4b:s14+s3] =	stream.linear.scatter [tilespmem:s13], [sflag:$0x6], $0x80, $0x38;
	[tilespmem:$0x16C00] =	vst v63  }
0x13c: {  	s11 =	simm.s32 $0x10798;
	s12 =	sadd.s32 $0x30, s10  }
0x13d: {  	[hbm4b:s12+s3] =	stream.linear.scatter [tilespmem:s11], [sflag:$0x6], $0x80, $0x38;
	[tilespmem:$0x16C00] =	vst v63  }
0x13e: {  	s13 =	simm.s32 $0x10820;
	s14 =	sadd.s32 $0x40, s10  }
0x13f: {  	[hbm4b:s14+s3] =	stream.linear.scatter [tilespmem:s13], [sflag:$0x6], $0x80, $0x38;
	[tilespmem:$0x16C00] =	vst v63  }
0x140: {  	s0 =	simm.s32 $0x440;
	s11 =	simm.s32 $0x108A8;
	s12 =	sadd.s32 $0x50, s10  }
0x141: {  	[hbm4b:s12+s3] =	stream.linear.scatter [tilespmem:s11], [sflag:$0x6], $0x80, $0x38;
	[tilespmem:$0x16C00] =	vst v63  }
0x142: {  	s13 =	simm.s32 $0x10930;
	s14 =	sadd.s32 $0x60, s10;
	s11 =	simm.s32 $0x2200  }
0x143: {  	[hbm4b:s14+s3] =	stream.linear.scatter [tilespmem:s13], [sflag:$0x6], $0x80, $0x38;
	[tilespmem:$0x16C00] =	vst v63  }
0x144: {  	s12 =	simm.s32 $0x109B8;
	s13 =	sadd.s32 $0x70, s10;
	s10 =	sadd.s32 $0x4000, s10  }
.LBB2_9:
0x145: {  	[hbm4b:s13+s3] =	stream.linear.scatter [tilespmem:s12], [sflag:$0x6], $0x80, $0x38;
	[tilespmem:$0x16C00] =	vst v63  }
0x146: {  	s12 =	smov.u32 s0;
	s0 =	smov.u32 s11  }
0x147: {  	s14 =	sadd.s32 $0x1100, s11;
	s0 =	sshra.s32 s0, $0x2;
	s13 =	sadd.s32 $0x10600, s12  }
0x148: {  	[hbm4b:s10+s3] =	stream.linear.scatter [tilespmem:s13], [sflag:$0x6], $0x80, $0x38;
	[tilespmem:$0x16C00] =	vst v63  }
0x149: {  	p2 =	sne.s32 s11, $0x7700;
	s11 =	sadd.s32 $0x10688, s12;
	s13 =	sadd.s32 $0x10, s10  }
0x14a: {  	[hbm4b:s13+s3] =	stream.linear.scatter [tilespmem:s11], [sflag:$0x6], $0x80, $0x38;
	[tilespmem:$0x16C00] =	vst v63  }
0x14b: {  	s11 =	sadd.s32 $0x10710, s12;
	s13 =	sadd.s32 $0x20, s10  }
0x14c: {  	[hbm4b:s13+s3] =	stream.linear.scatter [tilespmem:s11], [sflag:$0x6], $0x80, $0x38;
	[tilespmem:$0x16C00] =	vst v63  }
0x14d: {  	s11 =	sadd.s32 $0x10798, s12;
	s13 =	sadd.s32 $0x30, s10  }
0x14e: {  	[hbm4b:s13+s3] =	stream.linear.scatter [tilespmem:s11], [sflag:$0x6], $0x80, $0x38;
	[tilespmem:$0x16C00] =	vst v63  }
0x14f: {  	s11 =	sadd.s32 $0x10820, s12;
	s13 =	sadd.s32 $0x40, s10  }
0x150: {  	[hbm4b:s13+s3] =	stream.linear.scatter [tilespmem:s11], [sflag:$0x6], $0x80, $0x38;
	[tilespmem:$0x16C00] =	vst v63  }
.Ltmp5:
0x151: {  	s11 =	sadd.s32 $0x108A8, s12;
	s13 =	sadd.s32 $0x50, s10;
	(pc) =	sbr.rel @p2 .LBB2_9-.Ltmp5, $4  }
0x152: {  	[hbm4b:s13+s3] =	stream.linear.scatter [tilespmem:s11], [sflag:$0x6], $0x80, $0x38;
	[tilespmem:$0x16C00] =	vst v63  }
0x153: {  	s11 =	sadd.s32 $0x10930, s12;
	s13 =	sadd.s32 $0x60, s10;
	s12 =	sadd.s32 $0x109B8, s12  }
0x154: {  	[hbm4b:s13+s3] =	stream.linear.scatter [tilespmem:s11], [sflag:$0x6], $0x80, $0x38;
	[tilespmem:$0x16C00] =	vst v63  }
0x155: {  	s13 =	sadd.s32 $0x70, s10;
	s10 =	sadd.s32 $0x4000, s10;
	s11 =	smov.u32 s14  }
0x156: {  	[hbm4b:s13+s3] =	stream.linear.scatter [tilespmem:s12], [sflag:$0x6], $0x80, $0x38;
	[tilespmem:$0x16C00] =	vst v63  }
0x157: {  	s11 =	sadd.s32 $0x10600, s0  }
0x158: {  	[hbm4b:s10+s3] =	stream.linear.scatter [tilespmem:s11], [sflag:$0x6], $0x80, $0x38;
	[tilespmem:$0x16C00] =	vst v63  }
0x159: {  	s13 =	sadd.s32 $0x10688, s0;
	s14 =	sadd.s32 $0x10, s10  }
0x15a: {  	[hbm4b:s14+s3] =	stream.linear.scatter [tilespmem:s13], [sflag:$0x6], $0x80, $0x38;
	[tilespmem:$0x16C00] =	vst v63  }
0x15b: {  	s13 =	sadd.s32 $0x10710, s0;
	s14 =	sadd.s32 $0x20, s10  }
0x15c: {  	[hbm4b:s14+s3] =	stream.linear.scatter [tilespmem:s13], [sflag:$0x6], $0x80, $0x38;
	[tilespmem:$0x16C00] =	vst v63  }
0x15d: {  	s13 =	sadd.s32 $0x10798, s0;
	s14 =	sadd.s32 $0x30, s10  }
0x15e: {  	[hbm4b:s14+s3] =	stream.linear.scatter [tilespmem:s13], [sflag:$0x6], $0x80, $0x38;
	[tilespmem:$0x16C00] =	vst v63  }
0x15f: {  	s13 =	sadd.s32 $0x10820, s0;
	s14 =	sadd.s32 $0x40, s10  }
0x160: {  	[hbm4b:s14+s3] =	stream.linear.scatter [tilespmem:s13], [sflag:$0x6], $0x80, $0x38;
	[tilespmem:$0x16C00] =	vst v63  }
0x161: {  	s13 =	sadd.s32 $0x108A8, s0;
	s14 =	sadd.s32 $0x50, s10  }
0x162: {  	[hbm4b:s14+s3] =	stream.linear.scatter [tilespmem:s13], [sflag:$0x6], $0x80, $0x38;
	[tilespmem:$0x16C00] =	vst v63  }
0x163: {  	s13 =	sadd.s32 $0x10930, s0;
	s14 =	sadd.s32 $0x60, s10  }
0x164: {  	[hbm4b:s14+s3] =	stream.linear.scatter [tilespmem:s13], [sflag:$0x6], $0x80, $0x38;
	[tilespmem:$0x16C00] =	vst v63  }
0x165: {  	s12 =	sadd.s32 $0x70, s10;
	s11 =	sadd.s32 $0x109B8, s0  }
0x166: {  	[hbm4b:s12+s3] =	stream.linear.scatter [tilespmem:s11], [sflag:$0x6], $0x80, $0x38;
	[tilespmem:$0x16C00] =	vst v63  }
0x167: {  	s0 =	sadd.s32 @!p1 $0x280, s1;
	s10 =	simm.s32 @!p1 $0x80;
	s11 =	simm.s32 @!p1 $0x8400  }
0x168: {  	[tilespmem:s11], [sflag:$0x2] =	stream.indirect.gather @!p1 [hbm4b:s4+s10], $0x40, s0, s10, $0xb8;
	[tilespmem:$0x16C00] =	vst v63  }
0x169: {  	_ =	swait.ge [sflag:s20], $0x2000  }
0x16a: {  	[sflag:s20] =	ssyncset.done $0x0  }
0x16b: {  	s0 =	simm.s32 @!p0 $0x7;
	[sflag:s20] =	ssyncadd.s32 $0xFFFFE000  }
0x16c: {  	_ =	swait.ge @!p0 [sflag:s0], $0x2000  }
0x16d: {  	s13 =	simm.s32 $0x7;
	[sflag:s0] =	ssyncset.done @!p0 $0x0  }
0x16e: {  	s14 =	simm.s32 $0x0;
	v33 =	vmov s13;
	s10 =	simm.s32 $0xA5F0;
	[sflag:s0] =	ssyncadd.s32 @!p0 $0xFFFFE000  }
0x16f: {  	v34 =	vmov s14;
	v33 =	vshrl.u32 v33, $0x3;
	s12 =	simm.s32 $0x1;
	v35 =	vld [tilespmem:s10+$0xFFFFFFD0]  }
0x170: {  	v34 =	vshrl.u32 v34, $0x3;
	v33 =	vshll.u32 v33, v1;
	v41 =	vmov s12;
	v37 =	vld [tilespmem:s10+$0xFFFFFFE0]  }
0x171: {  	v34 =	vshll.u32 v34, v1;
	v33 =	vbroadcast v33, $0x0;
	v41 =	vshrl.u32 v41, $0x3;
	v39 =	vld [tilespmem:s10+$0xFFFFFFF0]  }
0x172: {  	v34 =	vbroadcast v34, $0x0;
	v41 =	vshll.u32 v41, v1;
	v42 =	vld [tilespmem:s10+$0x0]  }
0x173: {  	v36 =	vadd.s32 v29, v33;
	v41 =	vbroadcast v41, $0x0;
	v43 =	vld [tilespmem:s10+$0xFFFFFE10]  }
0x174: {  	v44 =	vadd.s32 v0, v34;
	v45 =	vld [tilespmem:s10+$0xFFFFFE20]  }
0x175: {  	v58 =	vadd.s32 v5, v41;
	v57 =	vld [tilespmem:s10+$0xFFFFFE50]  }
0x176: {  	v38 =	vadd.s32 v30, v33;
	v53 =	vld [tilespmem:s10+$0xFFFFFE30]  }
0x177: {  	v46 =	vadd.s32 v2, v34;
	v55 =	vld [tilespmem:s10+$0xFFFFFE40]  }
0x178: {  	v60 =	vadd.s32 v6, v41;
	v59 =	vld [tilespmem:s10+$0xFFFFFE60];
	[tilespmem:v36+s21+$0x0] =	vst.idx.msk $0xffff, v35  }
0x179: {  	s14 =	simm.s32 $0x3;
	v40 =	vadd.s32 v31, v33;
	v61 =	vld [tilespmem:s10+$0xFFFFFE70];
	[tilespmem:v44+s21+$0x0] =	vst.idx.msk $0xffff, v43  }
0x17a: {  	v49 =	vmov s14;
	v54 =	vadd.s32 v3, v34;
	v63 =	vld [tilespmem:s10+$0xFFFFFE80];
	[tilespmem:v58+s21+$0x0] =	vst.idx.msk $0xffff, v57  }
0x17b: {  	s13 =	simm.s32 $0x2;
	v62 =	vadd.s32 v7, v41;
	v48 =	vadd.s32 v8, v41;
	v41 =	vshrl.u32 v49, $0x3;
	[tilespmem:v38+s21+$0x0] =	vst.idx.msk $0xffff, v37  }
0x17c: {  	v56 =	vmov s13;
	v33 =	vadd.s32 v32, v33;
	v41 =	vshll.u32 v41, v1;
	[tilespmem:v46+s21+$0x0] =	vst.idx.msk $0xffff, v45  }
0x17d: {  	v34 =	vadd.s32 v4, v34;
	v41 =	vbroadcast v41, $0x0;
	v50 =	vld [tilespmem:s10+$0xFFFFFE90];
	v38 =	vshrl.u32 v56, $0x3;
	[tilespmem:v60+s21+$0x0] =	vst.idx.msk $0xffff, v59  }
0x17e: {  	v52 =	vld [tilespmem:s10+$0xFFFFFEA0];
	[tilespmem:v40+s21+$0x0] =	vst.idx.msk $0xffff, v39;
	v38 =	vshll.u32 v38, v1  }
0x17f: {  	v58 =	vld [tilespmem:s10+$0xFFFFFED0];
	v59 =	vadd.s32 v13, v41;
	[tilespmem:v54+s21+$0x0] =	vst.idx.msk $0xffff, v53;
	v38 =	vbroadcast v38, $0x0  }
0x180: {  	v60 =	vld [tilespmem:s10+$0xFFFFFEE0];
	[tilespmem:v62+s21+$0x0] =	vst.idx.msk $0xffff, v61;
	v61 =	vadd.s32 v14, v41  }
0x181: {  	s11 =	simm.s32 $0x4;
	v56 =	vld [tilespmem:s10+$0xFFFFFEC0];
	[tilespmem:v33+s21+$0x0] =	vst.idx.msk $0xffff, v42;
	v51 =	vadd.s32 v9, v38  }
0x182: {  	v57 =	vmov s11;
	v54 =	vld [tilespmem:s10+$0xFFFFFEB0];
	[tilespmem:v34+s21+$0x0] =	vst.idx.msk $0xffff, v55;
	v53 =	vadd.s32 v10, v38  }
0x183: {  	v44 =	vshrl.u32 v57, $0x3;
	v62 =	vld [tilespmem:s10+$0xFFFFFEF0];
	[tilespmem:v48+s21+$0x0] =	vst.idx.msk $0xffff, v63;
	v55 =	vadd.s32 v11, v38  }
0x184: {  	v44 =	vshll.u32 v44, v1;
	v48 =	vld [tilespmem:s10+$0xFFFFFF00];
	v38 =	vadd.s32 v12, v38;
	[tilespmem:v59+s21+$0x0] =	vst.idx.msk $0xffff, v58  }
0x185: {  	s12 =	simm.s32 $0x5;
	v63 =	vadd.s32 v15, v41;
	v44 =	vbroadcast v44, $0x0;
	[tilespmem:v61+s21+$0x0] =	vst.idx.msk $0xffff, v60  }
0x186: {  	v49 =	vmov s12;
	v41 =	vadd.s32 v16, v41;
	[tilespmem:v51+s21+$0x0] =	vst.idx.msk $0xffff, v50  }
0x187: {  	v42 =	vshrl.u32 v49, $0x3;
	v50 =	vld [tilespmem:s10+$0xFFFFFF10];
	v51 =	vadd.s32 v17, v44;
	[tilespmem:v53+s21+$0x0] =	vst.idx.msk $0xffff, v52  }
0x188: {  	v52 =	vld [tilespmem:s10+$0xFFFFFF20];
	v53 =	vadd.s32 v18, v44;
	[tilespmem:v55+s21+$0x0] =	vst.idx.msk $0xffff, v54;
	v54 =	vshll.u32 v42, v1  }
0x189: {  	s13 =	simm.s32 $0x6;
	v55 =	vld [tilespmem:s10+$0xFFFFFF30];
	[tilespmem:v38+s21+$0x0] =	vst.idx.msk $0xffff, v56;
	v56 =	vadd.s32 v19, v44;
	v57 =	vbroadcast v54, $0x0  }
0x18a: {  	v58 =	vld [tilespmem:s10+$0xFFFFFF40];
	v59 =	vmov s13;
	[tilespmem:v63+s21+$0x0] =	vst.idx.msk $0xffff, v62;
	v44 =	vadd.s32 v20, v44  }
0x18b: {  	v60 =	vld [tilespmem:s10+$0xFFFFFF50];
	v61 =	vshrl.u32 v59, $0x3;
	[tilespmem:v41+s21+$0x0] =	vst.idx.msk $0xffff, v48;
	v47 =	vadd.s32 v21, v57  }
0x18c: {  	v35 =	vld [tilespmem:s10+$0xFFFFFF60];
	v33 =	vshll.u32 v61, v1;
	[tilespmem:v51+s21+$0x0] =	vst.idx.msk $0xffff, v50;
	v43 =	vadd.s32 v22, v57  }
0x18d: {  	s14 =	simm.s32 $0xF;
	v40 =	vld [tilespmem:s10+$0xFFFFFF70];
	v36 =	vbroadcast v33, $0x0;
	v42 =	vadd.s32 v23, v57;
	[tilespmem:v53+s21+$0x0] =	vst.idx.msk $0xffff, v52  }
0x18e: {  	v62 =	vmov s14;
	v33 =	vld [tilespmem:s10+$0xFFFFFF80];
	v37 =	vadd.s32 v24, v57;
	[tilespmem:v56+s21+$0x0] =	vst.idx.msk $0xffff, v55  }
0x18f: {  	v34 =	vld [tilespmem:s10+$0xFFFFFF90];
	v63 =	vshrl.u32 v62, $0x3;
	v38 =	vadd.s32 v25, v36;
	[tilespmem:v44+s21+$0x0] =	vst.idx.msk $0xffff, v58  }
0x190: {  	s12 =	simm.s32 $0x10;
	s0 =	sor.u32 $0x2, s31;
	s11 =	simm.s32 $0x8;
	v39 =	vld [tilespmem:s10+$0xFFFFFFA0];
	v41 =	vadd.s32 v26, v36;
	v44 =	vshll.u32 v63, v1;
	[tilespmem:v47+s21+$0x0] =	vst.idx.msk $0xffff, v60  }
.LBB2_11:
0x191: {  	p2 =	slt.u32 s12, $0x78;
	v44 =	vbroadcast v44, $0x0;
	[tilespmem:v43+s21+$0x0] =	vst.idx.msk $0xffff, v35;
	v35 =	vld [tilespmem:s10+$0xFFFFFFB0];
	v43 =	vadd.s32 v27, v36  }
0x192: {  	v45 =	vmov s11;
	v36 =	vadd.s32 v28, v36;
	[tilespmem:v42+s21+$0x0] =	vst.idx.msk $0xffff, v40;
	v40 =	vld [tilespmem:s10+$0xFFFFFFC0];
	s10 =	sadd.s32 $0x200, s10  }
0x193: {  	v42 =	vshrl.u32 v45, $0x3;
	v45 =	vld [tilespmem:s10+$0xFFFFFFD0];
	v46 =	vadd.s32 v29, v44;
	[tilespmem:v37+s21+$0x0] =	vst.idx.msk $0xffff, v33  }
0x194: {  	v33 =	vshll.u32 v42, v1;
	v42 =	vadd.s32 v30, v44;
	v37 =	vld [tilespmem:s10+$0xFFFFFFE0];
	[tilespmem:v38+s21+$0x0] =	vst.idx.msk $0xffff, v34  }
0x195: {  	s13 =	sadd.s32 $0x1, s11;
	v33 =	vbroadcast v33, $0x0;
	v38 =	vadd.s32 v31, v44;
	v34 =	vld [tilespmem:s10+$0xFFFFFFF0];
	[tilespmem:v41+s21+$0x0] =	vst.idx.msk $0xffff, v39  }
0x196: {  	v44 =	vadd.s32 v32, v44;
	v39 =	vmov s13;
	v41 =	vld [tilespmem:s10+$0x0];
	[tilespmem:v43+s21+$0x0] =	vst.idx.msk $0xffff, v35  }
0x197: {  	v43 =	vadd.s32 v0, v33;
	v39 =	vshrl.u32 v39, $0x3;
	v35 =	vld [tilespmem:s10+$0xFFFFFE10];
	[tilespmem:v36+s21+$0x0] =	vst.idx.msk $0xffff, v40  }
0x198: {  	v40 =	vadd.s32 v2, v33;
	v39 =	vshll.u32 v39, v1;
	v36 =	vld [tilespmem:s10+$0xFFFFFE20];
	[tilespmem:v46+s21+$0x0] =	vst.idx.msk $0xffff, v45  }
0x199: {  	s13 =	sadd.s32 $0x2, s11;
	v46 =	vadd.s32 v3, v33;
	v39 =	vbroadcast v39, $0x0;
	v45 =	vld [tilespmem:s10+$0xFFFFFE30];
	[tilespmem:v42+s21+$0x0] =	vst.idx.msk $0xffff, v37  }
0x19a: {  	v33 =	vadd.s32 v4, v33;
	v42 =	vmov s13;
	v37 =	vld [tilespmem:s10+$0xFFFFFE40];
	[tilespmem:v38+s21+$0x0] =	vst.idx.msk $0xffff, v34  }
0x19b: {  	v38 =	vadd.s32 v5, v39;
	v42 =	vshrl.u32 v42, $0x3;
	v34 =	vld [tilespmem:s10+$0xFFFFFE50];
	[tilespmem:v44+s21+$0x0] =	vst.idx.msk $0xffff, v41  }
0x19c: {  	v41 =	vadd.s32 v6, v39;
	v42 =	vshll.u32 v42, v1;
	[tilespmem:v43+s21+$0x0] =	vst.idx.msk $0xffff, v35;
	v35 =	vld [tilespmem:s10+$0xFFFFFE60]  }
0x19d: {  	s13 =	sadd.s32 $0x3, s11;
	v42 =	vbroadcast v42, $0x0;
	[tilespmem:v40+s21+$0x0] =	vst.idx.msk $0xffff, v36;
	v36 =	vld [tilespmem:s10+$0xFFFFFE70];
	v40 =	vadd.s32 v7, v39  }
0x19e: {  	v44 =	vmov s13;
	v39 =	vadd.s32 v8, v39;
	[tilespmem:v46+s21+$0x0] =	vst.idx.msk $0xffff, v45;
	v43 =	vld [tilespmem:s10+$0xFFFFFE80]  }
0x19f: {  	v44 =	vshrl.u32 v44, $0x3;
	[tilespmem:v33+s21+$0x0] =	vst.idx.msk $0xffff, v37;
	v33 =	vld [tilespmem:s10+$0xFFFFFE90];
	v37 =	vadd.s32 v9, v42  }
0x1a0: {  	v44 =	vshll.u32 v44, v1;
	[tilespmem:v38+s21+$0x0] =	vst.idx.msk $0xffff, v34;
	v34 =	vld [tilespmem:s10+$0xFFFFFEA0];
	v38 =	vadd.s32 v10, v42  }
0x1a1: {  	s13 =	sadd.s32 $0x4, s11;
	v44 =	vbroadcast v44, $0x0;
	[tilespmem:v41+s21+$0x0] =	vst.idx.msk $0xffff, v35;
	v35 =	vld [tilespmem:s10+$0xFFFFFEB0];
	v41 =	vadd.s32 v11, v42  }
0x1a2: {  	[tilespmem:v40+s21+$0x0] =	vst.idx.msk $0xffff, v36;
	v36 =	vld [tilespmem:s10+$0xFFFFFEC0];
	v40 =	vadd.s32 v12, v42;
	v42 =	vmov s13  }
0x1a3: {  	[tilespmem:v39+s21+$0x0] =	vst.idx.msk $0xffff, v43;
	v39 =	vld [tilespmem:s10+$0xFFFFFED0];
	v43 =	vadd.s32 v13, v44;
	v42 =	vshrl.u32 v42, $0x3  }
0x1a4: {  	[tilespmem:v37+s21+$0x0] =	vst.idx.msk $0xffff, v33;
	v33 =	vld [tilespmem:s10+$0xFFFFFEE0];
	v37 =	vadd.s32 v14, v44;
	v42 =	vshll.u32 v42, v1  }
0x1a5: {  	s13 =	sadd.s32 $0x5, s11;
	[tilespmem:v38+s21+$0x0] =	vst.idx.msk $0xffff, v34;
	v34 =	vld [tilespmem:s10+$0xFFFFFEF0];
	v38 =	vadd.s32 v15, v44;
	v42 =	vbroadcast v42, $0x0  }
0x1a6: {  	[tilespmem:v41+s21+$0x0] =	vst.idx.msk $0xffff, v35;
	v35 =	vld [tilespmem:s10+$0xFFFFFF00];
	v41 =	vadd.s32 v16, v44;
	v44 =	vmov s13  }
0x1a7: {  	[tilespmem:v40+s21+$0x0] =	vst.idx.msk $0xffff, v36;
	v36 =	vld [tilespmem:s10+$0xFFFFFF10];
	v40 =	vadd.s32 v17, v42;
	v44 =	vshrl.u32 v44, $0x3  }
0x1a8: {  	v45 =	vadd.s32 v18, v42;
	[tilespmem:v43+s21+$0x0] =	vst.idx.msk $0xffff, v39;
	v39 =	vld [tilespmem:s10+$0xFFFFFF20];
	v43 =	vshll.u32 v44, v1  }
0x1a9: {  	s13 =	sadd.s32 $0x6, s11;
	s11 =	smov.u32 s12;
	[tilespmem:v37+s21+$0x0] =	vst.idx.msk $0xffff, v33;
	v33 =	vld [tilespmem:s10+$0xFFFFFF30];
	v37 =	vadd.s32 v19, v42;
	v44 =	vbroadcast v43, $0x0  }
0x1aa: {  	[tilespmem:v38+s21+$0x0] =	vst.idx.msk $0xffff, v34;
	v34 =	vld [tilespmem:s10+$0xFFFFFF40];
	v38 =	vadd.s32 v20, v42;
	v42 =	vmov s13  }
0x1ab: {  	[tilespmem:v41+s21+$0x0] =	vst.idx.msk $0xffff, v35;
	v41 =	vld [tilespmem:s10+$0xFFFFFF50];
	v46 =	vadd.s32 v21, v44;
	v42 =	vshrl.u32 v42, $0x3  }
.Ltmp6:
0x1ac: {  	v43 =	vadd.s32 v22, v44;
	[tilespmem:v40+s21+$0x0] =	vst.idx.msk $0xffff, v36;
	v35 =	vld [tilespmem:s10+$0xFFFFFF60];
	v36 =	vshll.u32 v42, v1;
	(pc) =	sbr.rel @p2 .LBB2_11-.Ltmp6, $4  }
0x1ad: {  	s13 =	sadd.s32 $0x7, s12;
	v42 =	vadd.s32 v23, v44;
	[tilespmem:v45+s21+$0x0] =	vst.idx.msk $0xffff, v39;
	v40 =	vld [tilespmem:s10+$0xFFFFFF70];
	v36 =	vbroadcast v36, $0x0  }
0x1ae: {  	v39 =	vmov s13;
	[tilespmem:v37+s21+$0x0] =	vst.idx.msk $0xffff, v33;
	v33 =	vld [tilespmem:s10+$0xFFFFFF80];
	v37 =	vadd.s32 v24, v44  }
0x1af: {  	v39 =	vshrl.u32 v39, $0x3;
	[tilespmem:v38+s21+$0x0] =	vst.idx.msk $0xffff, v34;
	v34 =	vld [tilespmem:s10+$0xFFFFFF90];
	v38 =	vadd.s32 v25, v36  }
0x1b0: {  	s12 =	sadd.s32 $0x8, s12;
	v44 =	vshll.u32 v39, v1;
	[tilespmem:v46+s21+$0x0] =	vst.idx.msk $0xffff, v41;
	v39 =	vld [tilespmem:s10+$0xFFFFFFA0];
	v41 =	vadd.s32 v26, v36  }
0x1b1: {  	_ =	sdelay $0x3  }
0x1b2: {  	v44 =	vbroadcast v44, $0x0;
	[tilespmem:v43+s21+$0x0] =	vst.idx.msk $0xffff, v35;
	v60 =	vld [tilespmem:s10+$0xFFFFFFB0];
	v61 =	vadd.s32 v27, v36  }
0x1b3: {  	v45 =	vmov s11;
	v62 =	vld [tilespmem:s10+$0xFFFFFFC0];
	v63 =	vadd.s32 v28, v36;
	s10 =	sadd.s32 $0x200, s10;
	[tilespmem:v42+s21+$0x0] =	vst.idx.msk $0xffff, v40  }
0x1b4: {  	v48 =	vshrl.u32 v45, $0x3;
	v49 =	vld [tilespmem:s10+$0xFFFFFFD0];
	v46 =	vadd.s32 v29, v44;
	[tilespmem:v37+s21+$0x0] =	vst.idx.msk $0xffff, v33  }
0x1b5: {  	v51 =	vld [tilespmem:s10+$0xFFFFFFE0];
	v50 =	vshll.u32 v48, v1;
	v52 =	vadd.s32 v30, v44;
	[tilespmem:v38+s21+$0x0] =	vst.idx.msk $0xffff, v34  }
0x1b6: {  	s12 =	sadd.s32 $0x1, s11;
	v53 =	vld [tilespmem:s10+$0xFFFFFFF0];
	v54 =	vadd.s32 v31, v44;
	v33 =	vbroadcast v50, $0x0;
	[tilespmem:v41+s21+$0x0] =	vst.idx.msk $0xffff, v39  }
0x1b7: {  	v55 =	vmov s12;
	v56 =	vld [tilespmem:s10+$0x0];
	v44 =	vadd.s32 v32, v44;
	[tilespmem:v61+s21+$0x0] =	vst.idx.msk $0xffff, v60  }
0x1b8: {  	v57 =	vld [tilespmem:s10+$0xFFFFFE10];
	v39 =	vshrl.u32 v55, $0x3;
	v58 =	vadd.s32 v0, v33;
	[tilespmem:v63+s21+$0x0] =	vst.idx.msk $0xffff, v62  }
0x1b9: {  	s13 =	sadd.s32 $0x2, s11;
	v59 =	vld [tilespmem:s10+$0xFFFFFE20];
	v60 =	vadd.s32 v2, v33;
	v39 =	vshll.u32 v39, v1;
	[tilespmem:v46+s21+$0x0] =	vst.idx.msk $0xffff, v49  }
0x1ba: {  	v47 =	vmov s13;
	v61 =	vld [tilespmem:s10+$0xFFFFFE30];
	v62 =	vadd.s32 v3, v33;
	v39 =	vbroadcast v39, $0x0;
	[tilespmem:v52+s21+$0x0] =	vst.idx.msk $0xffff, v51  }
0x1bb: {  	v42 =	vshrl.u32 v47, $0x3;
	v63 =	vld [tilespmem:s10+$0xFFFFFE40];
	v33 =	vadd.s32 v4, v33;
	[tilespmem:v54+s21+$0x0] =	vst.idx.msk $0xffff, v53  }
0x1bc: {  	v48 =	vld [tilespmem:s10+$0xFFFFFE50];
	v42 =	vshll.u32 v42, v1;
	v49 =	vadd.s32 v5, v39;
	[tilespmem:v44+s21+$0x0] =	vst.idx.msk $0xffff, v56  }
0x1bd: {  	v50 =	vld [tilespmem:s10+$0xFFFFFE60];
	v42 =	vbroadcast v42, $0x0;
	v51 =	vadd.s32 v6, v39;
	[tilespmem:v58+s21+$0x0] =	vst.idx.msk $0xffff, v57  }
0x1be: {  	s14 =	sadd.s32 $0x3, s11;
	v52 =	vld [tilespmem:s10+$0xFFFFFE70];
	v53 =	vadd.s32 v7, v39;
	[tilespmem:v60+s21+$0x0] =	vst.idx.msk $0xffff, v59  }
0x1bf: {  	v55 =	vmov s14;
	v56 =	vld [tilespmem:s10+$0xFFFFFE90];
	v57 =	vadd.s32 v9, v42;
	[tilespmem:v62+s21+$0x0] =	vst.idx.msk $0xffff, v61  }
0x1c0: {  	v54 =	vld [tilespmem:s10+$0xFFFFFE80];
	v39 =	vadd.s32 v8, v39;
	v44 =	vshrl.u32 v55, $0x3;
	[tilespmem:v33+s21+$0x0] =	vst.idx.msk $0xffff, v63  }
0x1c1: {  	v58 =	vld [tilespmem:s10+$0xFFFFFEA0];
	v59 =	vadd.s32 v10, v42;
	v44 =	vshll.u32 v44, v1;
	[tilespmem:v49+s21+$0x0] =	vst.idx.msk $0xffff, v48  }
0x1c2: {  	s13 =	sadd.s32 $0x4, s11;
	v60 =	vld [tilespmem:s10+$0xFFFFFEB0];
	v61 =	vadd.s32 v11, v42;
	v44 =	vbroadcast v44, $0x0;
	[tilespmem:v51+s21+$0x0] =	vst.idx.msk $0xffff, v50  }
0x1c3: {  	v62 =	vld [tilespmem:s10+$0xFFFFFEC0];
	v63 =	vadd.s32 v12, v42;
	v48 =	vmov s13;
	[tilespmem:v53+s21+$0x0] =	vst.idx.msk $0xffff, v52  }
0x1c4: {  	v49 =	vld [tilespmem:s10+$0xFFFFFED0];
	v50 =	vadd.s32 v13, v44;
	v42 =	vshrl.u32 v48, $0x3;
	[tilespmem:v57+s21+$0x0] =	vst.idx.msk $0xffff, v56  }
0x1c5: {  	s14 =	sadd.s32 $0x5, s11;
	v51 =	vld [tilespmem:s10+$0xFFFFFEE0];
	v52 =	vadd.s32 v14, v44;
	v42 =	vshll.u32 v42, v1;
	[tilespmem:v39+s21+$0x0] =	vst.idx.msk $0xffff, v54  }
0x1c6: {  	v53 =	vld [tilespmem:s10+$0xFFFFFEF0];
	v57 =	vmov s14;
	[tilespmem:v59+s21+$0x0] =	vst.idx.msk $0xffff, v58;
	v54 =	vadd.s32 v15, v44;
	v42 =	vbroadcast v42, $0x0  }
0x1c7: {  	v55 =	vld [tilespmem:s10+$0xFFFFFF00];
	v56 =	vadd.s32 v16, v44;
	v44 =	vshrl.u32 v57, $0x3;
	[tilespmem:v61+s21+$0x0] =	vst.idx.msk $0xffff, v60  }
0x1c8: {  	v58 =	vld [tilespmem:s10+$0xFFFFFF10];
	v44 =	vshll.u32 v44, v1;
	[tilespmem:v63+s21+$0x0] =	vst.idx.msk $0xffff, v62;
	v59 =	vadd.s32 v17, v42  }
0x1c9: {  	v60 =	vld [tilespmem:s10+$0xFFFFFF20];
	v61 =	vadd.s32 v18, v42;
	v44 =	vbroadcast v44, $0x0;
	[tilespmem:v50+s21+$0x0] =	vst.idx.msk $0xffff, v49  }
0x1ca: {  	s12 =	sadd.s32 $0x6, s11;
	v62 =	vld [tilespmem:s10+$0xFFFFFF30];
	v63 =	vadd.s32 v19, v42;
	[tilespmem:v52+s21+$0x0] =	vst.idx.msk $0xffff, v51  }
0x1cb: {  	v48 =	vmov s12;
	v49 =	vld [tilespmem:s10+$0xFFFFFF50];
	v50 =	vadd.s32 v21, v44;
	[tilespmem:v54+s21+$0x0] =	vst.idx.msk $0xffff, v53  }
0x1cc: {  	v46 =	vld [tilespmem:s10+$0xFFFFFF40];
	v47 =	vadd.s32 v20, v42;
	v42 =	vshrl.u32 v48, $0x3;
	[tilespmem:v56+s21+$0x0] =	vst.idx.msk $0xffff, v55  }
0x1cd: {  	v42 =	vshll.u32 v42, v1;
	v51 =	vld [tilespmem:s10+$0xFFFFFF60];
	v52 =	vadd.s32 v22, v44;
	[tilespmem:v59+s21+$0x0] =	vst.idx.msk $0xffff, v58  }
0x1ce: {  	v42 =	vbroadcast v42, $0x0;
	v53 =	vld [tilespmem:s10+$0xFFFFFF70];
	v54 =	vadd.s32 v23, v44;
	[tilespmem:v61+s21+$0x0] =	vst.idx.msk $0xffff, v60  }
0x1cf: {  	v55 =	vld [tilespmem:s10+$0xFFFFFF80];
	v56 =	vadd.s32 v24, v44;
	[tilespmem:v63+s21+$0x0] =	vst.idx.msk $0xffff, v62  }
0x1d0: {  	v57 =	vld [tilespmem:s10+$0xFFFFFF90];
	v58 =	vadd.s32 v25, v42;
	[tilespmem:v50+s21+$0x0] =	vst.idx.msk $0xffff, v49  }
0x1d1: {  	v59 =	vld [tilespmem:s10+$0xFFFFFFA0];
	v60 =	vadd.s32 v26, v42;
	[tilespmem:v47+s21+$0x0] =	vst.idx.msk $0xffff, v46  }
0x1d2: {  	v61 =	vld [tilespmem:s10+$0xFFFFFFB0];
	v62 =	vadd.s32 v27, v42;
	[tilespmem:v52+s21+$0x0] =	vst.idx.msk $0xffff, v51  }
0x1d3: {  	v63 =	vld [tilespmem:s10+$0xFFFFFFC0];
	v42 =	vadd.s32 v28, v42;
	[tilespmem:v54+s21+$0x0] =	vst.idx.msk $0xffff, v53  }
0x1d4: {  	s0 =	sadd.s32 s5, s0;
	[tilespmem:v56+s21+$0x0] =	vst.idx.msk $0xffff, v55  }
0x1d5: {  	s13 =	sshll.u32 s0, $0x7;
	[tilespmem:v58+s21+$0x0] =	vst.idx.msk $0xffff, v57  }
0x1d6: {  	s0 =	sshll.u32 s0, $0xA;
	s10 =	sand.u32 $0x3F00, s13;
	[tilespmem:v60+s21+$0x0] =	vst.idx.msk $0xffff, v59  }
0x1d7: {  	s0 =	sand.u32 $0xFFE0000, s0;
	s10 =	sadd.s32 s2, s10;
	[tilespmem:v62+s21+$0x0] =	vst.idx.msk $0xffff, v61  }
0x1d8: {  	s14 =	simm.s32 $0x12800;
	s10 =	sadd.s32 s0, s10;
	[tilespmem:v42+s21+$0x0] =	vst.idx.msk $0xffff, v63  }
0x1d9: {  	[hbm4b:s10+s3] =	stream.linear.scatter [tilespmem:s14], [sflag:$0x7], $0x80, $0x38;
	[tilespmem:$0x16C00] =	vst v63  }
0x1da: {  	s11 =	simm.s32 $0x12888;
	s12 =	sadd.s32 $0x10, s10  }
0x1db: {  	[hbm4b:s12+s3] =	stream.linear.scatter [tilespmem:s11], [sflag:$0x7], $0x80, $0x38;
	[tilespmem:$0x16C00] =	vst v63  }
0x1dc: {  	s13 =	simm.s32 $0x12910;
	s14 =	sadd.s32 $0x20, s10  }
0x1dd: {  	[hbm4b:s14+s3] =	stream.linear.scatter [tilespmem:s13], [sflag:$0x7], $0x80, $0x38;
	[tilespmem:$0x16C00] =	vst v63  }
0x1de: {  	s11 =	simm.s32 $0x12998;
	s12 =	sadd.s32 $0x30, s10  }
0x1df: {  	[hbm4b:s12+s3] =	stream.linear.scatter [tilespmem:s11], [sflag:$0x7], $0x80, $0x38;
	[tilespmem:$0x16C00] =	vst v63  }
0x1e0: {  	s13 =	simm.s32 $0x12A20;
	s14 =	sadd.s32 $0x40, s10  }
0x1e1: {  	[hbm4b:s14+s3] =	stream.linear.scatter [tilespmem:s13], [sflag:$0x7], $0x80, $0x38;
	[tilespmem:$0x16C00] =	vst v63  }
0x1e2: {  	s0 =	simm.s32 $0x440;
	s11 =	simm.s32 $0x12AA8;
	s12 =	sadd.s32 $0x50, s10  }
0x1e3: {  	[hbm4b:s12+s3] =	stream.linear.scatter [tilespmem:s11], [sflag:$0x7], $0x80, $0x38;
	[tilespmem:$0x16C00] =	vst v63  }
0x1e4: {  	s13 =	simm.s32 $0x12B30;
	s14 =	sadd.s32 $0x60, s10;
	s11 =	simm.s32 $0x2200  }
0x1e5: {  	[hbm4b:s14+s3] =	stream.linear.scatter [tilespmem:s13], [sflag:$0x7], $0x80, $0x38;
	[tilespmem:$0x16C00] =	vst v63  }
0x1e6: {  	s12 =	simm.s32 $0x12BB8;
	s13 =	sadd.s32 $0x70, s10;
	s10 =	sadd.s32 $0x4000, s10  }
.LBB2_13:
0x1e7: {  	[hbm4b:s13+s3] =	stream.linear.scatter [tilespmem:s12], [sflag:$0x7], $0x80, $0x38;
	[tilespmem:$0x16C00] =	vst v63  }
0x1e8: {  	s12 =	smov.u32 s0;
	s0 =	smov.u32 s11  }
0x1e9: {  	s14 =	sadd.s32 $0x1100, s11;
	s0 =	sshra.s32 s0, $0x2;
	s13 =	sadd.s32 $0x12800, s12  }
0x1ea: {  	[hbm4b:s10+s3] =	stream.linear.scatter [tilespmem:s13], [sflag:$0x7], $0x80, $0x38;
	[tilespmem:$0x16C00] =	vst v63  }
0x1eb: {  	p2 =	sne.s32 s11, $0x7700;
	s11 =	sadd.s32 $0x12888, s12;
	s13 =	sadd.s32 $0x10, s10  }
0x1ec: {  	[hbm4b:s13+s3] =	stream.linear.scatter [tilespmem:s11], [sflag:$0x7], $0x80, $0x38;
	[tilespmem:$0x16C00] =	vst v63  }
0x1ed: {  	s11 =	sadd.s32 $0x12910, s12;
	s13 =	sadd.s32 $0x20, s10  }
0x1ee: {  	[hbm4b:s13+s3] =	stream.linear.scatter [tilespmem:s11], [sflag:$0x7], $0x80, $0x38;
	[tilespmem:$0x16C00] =	vst v63  }
0x1ef: {  	s11 =	sadd.s32 $0x12998, s12;
	s13 =	sadd.s32 $0x30, s10  }
0x1f0: {  	[hbm4b:s13+s3] =	stream.linear.scatter [tilespmem:s11], [sflag:$0x7], $0x80, $0x38;
	[tilespmem:$0x16C00] =	vst v63  }
0x1f1: {  	s11 =	sadd.s32 $0x12A20, s12;
	s13 =	sadd.s32 $0x40, s10  }
0x1f2: {  	[hbm4b:s13+s3] =	stream.linear.scatter [tilespmem:s11], [sflag:$0x7], $0x80, $0x38;
	[tilespmem:$0x16C00] =	vst v63  }
.Ltmp7:
0x1f3: {  	s11 =	sadd.s32 $0x12AA8, s12;
	s13 =	sadd.s32 $0x50, s10;
	(pc) =	sbr.rel @p2 .LBB2_13-.Ltmp7, $4  }
0x1f4: {  	[hbm4b:s13+s3] =	stream.linear.scatter [tilespmem:s11], [sflag:$0x7], $0x80, $0x38;
	[tilespmem:$0x16C00] =	vst v63  }
0x1f5: {  	s11 =	sadd.s32 $0x12B30, s12;
	s13 =	sadd.s32 $0x60, s10;
	s12 =	sadd.s32 $0x12BB8, s12  }
0x1f6: {  	[hbm4b:s13+s3] =	stream.linear.scatter [tilespmem:s11], [sflag:$0x7], $0x80, $0x38;
	[tilespmem:$0x16C00] =	vst v63  }
0x1f7: {  	s13 =	sadd.s32 $0x70, s10;
	s10 =	sadd.s32 $0x4000, s10;
	s11 =	smov.u32 s14  }
0x1f8: {  	[hbm4b:s13+s3] =	stream.linear.scatter [tilespmem:s12], [sflag:$0x7], $0x80, $0x38;
	[tilespmem:$0x16C00] =	vst v63  }
0x1f9: {  	s11 =	sadd.s32 $0x12800, s0  }
0x1fa: {  	[hbm4b:s10+s3] =	stream.linear.scatter [tilespmem:s11], [sflag:$0x7], $0x80, $0x38;
	[tilespmem:$0x16C00] =	vst v63  }
0x1fb: {  	s13 =	sadd.s32 $0x12888, s0;
	s14 =	sadd.s32 $0x10, s10  }
0x1fc: {  	[hbm4b:s14+s3] =	stream.linear.scatter [tilespmem:s13], [sflag:$0x7], $0x80, $0x38;
	[tilespmem:$0x16C00] =	vst v63  }
0x1fd: {  	s13 =	sadd.s32 $0x12910, s0;
	s14 =	sadd.s32 $0x20, s10  }
0x1fe: {  	[hbm4b:s14+s3] =	stream.linear.scatter [tilespmem:s13], [sflag:$0x7], $0x80, $0x38;
	[tilespmem:$0x16C00] =	vst v63  }
0x1ff: {  	s13 =	sadd.s32 $0x12998, s0;
	s14 =	sadd.s32 $0x30, s10  }
0x200: {  	[hbm4b:s14+s3] =	stream.linear.scatter [tilespmem:s13], [sflag:$0x7], $0x80, $0x38;
	[tilespmem:$0x16C00] =	vst v63  }
0x201: {  	s13 =	sadd.s32 $0x12A20, s0;
	s14 =	sadd.s32 $0x40, s10  }
0x202: {  	[hbm4b:s14+s3] =	stream.linear.scatter [tilespmem:s13], [sflag:$0x7], $0x80, $0x38;
	[tilespmem:$0x16C00] =	vst v63  }
0x203: {  	s13 =	sadd.s32 $0x12AA8, s0;
	s14 =	sadd.s32 $0x50, s10  }
0x204: {  	[hbm4b:s14+s3] =	stream.linear.scatter [tilespmem:s13], [sflag:$0x7], $0x80, $0x38;
	[tilespmem:$0x16C00] =	vst v63  }
0x205: {  	s13 =	sadd.s32 $0x12B30, s0;
	s14 =	sadd.s32 $0x60, s10  }
0x206: {  	[hbm4b:s14+s3] =	stream.linear.scatter [tilespmem:s13], [sflag:$0x7], $0x80, $0x38;
	[tilespmem:$0x16C00] =	vst v63  }
0x207: {  	s13 =	sadd.s32 $0x12BB8, s0;
	s14 =	sadd.s32 $0x70, s10  }
0x208: {  	[hbm4b:s14+s3] =	stream.linear.scatter [tilespmem:s13], [sflag:$0x7], $0x80, $0x38;
	[tilespmem:$0x16C00] =	vst v63  }
0x209: {  	s0 =	sadd.s32 @!p1 $0x300, s1;
	s1 =	simm.s32 @!p1 $0x80;
	s10 =	simm.s32 @!p1 $0xA400  }
0x20a: {  	[tilespmem:s10], [sflag:$0x3] =	stream.indirect.gather @!p1 [hbm4b:s4+s1], $0x40, s0, s1, $0xb8;
	[tilespmem:$0x16C00] =	vst v63  }
0x20b: {  	_ =	swait.ge [sflag:s22], $0x2000  }
0x20c: {  	[sflag:s22] =	ssyncset.done $0x0  }
0x20d: {  	s0 =	simm.s32 @!p0 $0x8;
	[sflag:s22] =	ssyncadd.s32 $0xFFFFE000  }
0x20e: {  	_ =	swait.ge @!p0 [sflag:s0], $0x2000  }
0x20f: {  	s11 =	simm.s32 $0x7;
	[sflag:s0] =	ssyncset.done @!p0 $0x0  }
0x210: {  	s12 =	simm.s32 $0x0;
	v33 =	vmov s11;
	s1 =	simm.s32 $0xC5F0;
	[sflag:s0] =	ssyncadd.s32 @!p0 $0xFFFFE000  }
0x211: {  	v34 =	vmov s12;
	v33 =	vshrl.u32 v33, $0x3;
	s13 =	simm.s32 $0x1;
	v35 =	vld [tilespmem:s1+$0xFFFFFFD0]  }
0x212: {  	v34 =	vshrl.u32 v34, $0x3;
	v33 =	vshll.u32 v33, v1;
	v41 =	vmov s13;
	v37 =	vld [tilespmem:s1+$0xFFFFFFE0]  }
0x213: {  	v34 =	vshll.u32 v34, v1;
	v33 =	vbroadcast v33, $0x0;
	v41 =	vshrl.u32 v41, $0x3;
	v39 =	vld [tilespmem:s1+$0xFFFFFFF0]  }
0x214: {  	v34 =	vbroadcast v34, $0x0;
	v41 =	vshll.u32 v41, v1;
	v42 =	vld [tilespmem:s1+$0x0]  }
0x215: {  	v36 =	vadd.s32 v29, v33;
	v41 =	vbroadcast v41, $0x0;
	v43 =	vld [tilespmem:s1+$0xFFFFFE10]  }
0x216: {  	v44 =	vadd.s32 v0, v34;
	v45 =	vld [tilespmem:s1+$0xFFFFFE20]  }
0x217: {  	v58 =	vadd.s32 v5, v41;
	v57 =	vld [tilespmem:s1+$0xFFFFFE50]  }
0x218: {  	v38 =	vadd.s32 v30, v33;
	v53 =	vld [tilespmem:s1+$0xFFFFFE30]  }
0x219: {  	v46 =	vadd.s32 v2, v34;
	v55 =	vld [tilespmem:s1+$0xFFFFFE40]  }
0x21a: {  	v60 =	vadd.s32 v6, v41;
	v59 =	vld [tilespmem:s1+$0xFFFFFE60];
	[tilespmem:v36+s23+$0x0] =	vst.idx.msk $0xffff, v35  }
0x21b: {  	v40 =	vadd.s32 v31, v33;
	s10 =	simm.s32 $0x3;
	v61 =	vld [tilespmem:s1+$0xFFFFFE70];
	[tilespmem:v44+s23+$0x0] =	vst.idx.msk $0xffff, v43  }
0x21c: {  	v54 =	vadd.s32 v3, v34;
	v49 =	vmov s10;
	v63 =	vld [tilespmem:s1+$0xFFFFFE80];
	[tilespmem:v58+s23+$0x0] =	vst.idx.msk $0xffff, v57  }
0x21d: {  	s14 =	simm.s32 $0x2;
	v62 =	vadd.s32 v7, v41;
	v48 =	vadd.s32 v8, v41;
	v41 =	vshrl.u32 v49, $0x3;
	[tilespmem:v38+s23+$0x0] =	vst.idx.msk $0xffff, v37  }
0x21e: {  	v33 =	vadd.s32 v32, v33;
	v56 =	vmov s14;
	v41 =	vshll.u32 v41, v1;
	[tilespmem:v46+s23+$0x0] =	vst.idx.msk $0xffff, v45  }
0x21f: {  	v34 =	vadd.s32 v4, v34;
	v41 =	vbroadcast v41, $0x0;
	v50 =	vld [tilespmem:s1+$0xFFFFFE90];
	v38 =	vshrl.u32 v56, $0x3;
	[tilespmem:v60+s23+$0x0] =	vst.idx.msk $0xffff, v59  }
0x220: {  	v52 =	vld [tilespmem:s1+$0xFFFFFEA0];
	[tilespmem:v40+s23+$0x0] =	vst.idx.msk $0xffff, v39;
	v38 =	vshll.u32 v38, v1  }
0x221: {  	v58 =	vld [tilespmem:s1+$0xFFFFFED0];
	v59 =	vadd.s32 v13, v41;
	[tilespmem:v54+s23+$0x0] =	vst.idx.msk $0xffff, v53;
	v38 =	vbroadcast v38, $0x0  }
0x222: {  	v60 =	vld [tilespmem:s1+$0xFFFFFEE0];
	[tilespmem:v62+s23+$0x0] =	vst.idx.msk $0xffff, v61;
	v61 =	vadd.s32 v14, v41  }
0x223: {  	s11 =	simm.s32 $0x4;
	v56 =	vld [tilespmem:s1+$0xFFFFFEC0];
	[tilespmem:v33+s23+$0x0] =	vst.idx.msk $0xffff, v42;
	v51 =	vadd.s32 v9, v38  }
0x224: {  	v57 =	vmov s11;
	v54 =	vld [tilespmem:s1+$0xFFFFFEB0];
	[tilespmem:v34+s23+$0x0] =	vst.idx.msk $0xffff, v55;
	v53 =	vadd.s32 v10, v38  }
0x225: {  	v44 =	vshrl.u32 v57, $0x3;
	v62 =	vld [tilespmem:s1+$0xFFFFFEF0];
	[tilespmem:v48+s23+$0x0] =	vst.idx.msk $0xffff, v63;
	v55 =	vadd.s32 v11, v38  }
0x226: {  	v44 =	vshll.u32 v44, v1;
	v48 =	vld [tilespmem:s1+$0xFFFFFF00];
	v38 =	vadd.s32 v12, v38;
	[tilespmem:v59+s23+$0x0] =	vst.idx.msk $0xffff, v58  }
0x227: {  	s12 =	simm.s32 $0x5;
	v63 =	vadd.s32 v15, v41;
	v44 =	vbroadcast v44, $0x0;
	[tilespmem:v61+s23+$0x0] =	vst.idx.msk $0xffff, v60  }
0x228: {  	v49 =	vmov s12;
	v41 =	vadd.s32 v16, v41;
	[tilespmem:v51+s23+$0x0] =	vst.idx.msk $0xffff, v50  }
0x229: {  	v42 =	vshrl.u32 v49, $0x3;
	v50 =	vld [tilespmem:s1+$0xFFFFFF10];
	v51 =	vadd.s32 v17, v44;
	[tilespmem:v53+s23+$0x0] =	vst.idx.msk $0xffff, v52  }
0x22a: {  	v52 =	vld [tilespmem:s1+$0xFFFFFF20];
	v53 =	vadd.s32 v18, v44;
	[tilespmem:v55+s23+$0x0] =	vst.idx.msk $0xffff, v54;
	v54 =	vshll.u32 v42, v1  }
0x22b: {  	s13 =	simm.s32 $0x6;
	v55 =	vld [tilespmem:s1+$0xFFFFFF30];
	[tilespmem:v38+s23+$0x0] =	vst.idx.msk $0xffff, v56;
	v56 =	vadd.s32 v19, v44;
	v57 =	vbroadcast v54, $0x0  }
0x22c: {  	v58 =	vld [tilespmem:s1+$0xFFFFFF40];
	v59 =	vmov s13;
	[tilespmem:v63+s23+$0x0] =	vst.idx.msk $0xffff, v62;
	v44 =	vadd.s32 v20, v44  }
0x22d: {  	v60 =	vld [tilespmem:s1+$0xFFFFFF50];
	v61 =	vshrl.u32 v59, $0x3;
	[tilespmem:v41+s23+$0x0] =	vst.idx.msk $0xffff, v48;
	v47 =	vadd.s32 v21, v57  }
0x22e: {  	v35 =	vld [tilespmem:s1+$0xFFFFFF60];
	v33 =	vshll.u32 v61, v1;
	[tilespmem:v51+s23+$0x0] =	vst.idx.msk $0xffff, v50;
	v43 =	vadd.s32 v22, v57  }
0x22f: {  	s14 =	simm.s32 $0xF;
	v40 =	vld [tilespmem:s1+$0xFFFFFF70];
	v36 =	vbroadcast v33, $0x0;
	v42 =	vadd.s32 v23, v57;
	[tilespmem:v53+s23+$0x0] =	vst.idx.msk $0xffff, v52  }
0x230: {  	v62 =	vmov s14;
	v33 =	vld [tilespmem:s1+$0xFFFFFF80];
	v37 =	vadd.s32 v24, v57;
	[tilespmem:v56+s23+$0x0] =	vst.idx.msk $0xffff, v55  }
0x231: {  	v34 =	vld [tilespmem:s1+$0xFFFFFF90];
	v63 =	vshrl.u32 v62, $0x3;
	v38 =	vadd.s32 v25, v36;
	[tilespmem:v44+s23+$0x0] =	vst.idx.msk $0xffff, v58  }
0x232: {  	s10 =	simm.s32 $0x8;
	s0 =	sor.u32 $0x3, s31;
	s11 =	simm.s32 $0x10;
	v39 =	vld [tilespmem:s1+$0xFFFFFFA0];
	v41 =	vadd.s32 v26, v36;
	v44 =	vshll.u32 v63, v1;
	[tilespmem:v47+s23+$0x0] =	vst.idx.msk $0xffff, v60  }
.LBB2_15:
0x233: {  	p0 =	slt.u32 s11, $0x78;
	v44 =	vbroadcast v44, $0x0;
	[tilespmem:v43+s23+$0x0] =	vst.idx.msk $0xffff, v35;
	v35 =	vld [tilespmem:s1+$0xFFFFFFB0];
	v43 =	vadd.s32 v27, v36  }
0x234: {  	v45 =	vmov s10;
	v36 =	vadd.s32 v28, v36;
	[tilespmem:v42+s23+$0x0] =	vst.idx.msk $0xffff, v40;
	v40 =	vld [tilespmem:s1+$0xFFFFFFC0];
	s1 =	sadd.s32 $0x200, s1  }
0x235: {  	v42 =	vshrl.u32 v45, $0x3;
	v45 =	vld [tilespmem:s1+$0xFFFFFFD0];
	v46 =	vadd.s32 v29, v44;
	[tilespmem:v37+s23+$0x0] =	vst.idx.msk $0xffff, v33  }
0x236: {  	v33 =	vshll.u32 v42, v1;
	v42 =	vadd.s32 v30, v44;
	v37 =	vld [tilespmem:s1+$0xFFFFFFE0];
	[tilespmem:v38+s23+$0x0] =	vst.idx.msk $0xffff, v34  }
0x237: {  	s12 =	sadd.s32 $0x1, s10;
	v33 =	vbroadcast v33, $0x0;
	v38 =	vadd.s32 v31, v44;
	v34 =	vld [tilespmem:s1+$0xFFFFFFF0];
	[tilespmem:v41+s23+$0x0] =	vst.idx.msk $0xffff, v39  }
0x238: {  	v44 =	vadd.s32 v32, v44;
	v39 =	vmov s12;
	v41 =	vld [tilespmem:s1+$0x0];
	[tilespmem:v43+s23+$0x0] =	vst.idx.msk $0xffff, v35  }
0x239: {  	v43 =	vadd.s32 v0, v33;
	v39 =	vshrl.u32 v39, $0x3;
	v35 =	vld [tilespmem:s1+$0xFFFFFE10];
	[tilespmem:v36+s23+$0x0] =	vst.idx.msk $0xffff, v40  }
0x23a: {  	v40 =	vadd.s32 v2, v33;
	v39 =	vshll.u32 v39, v1;
	v36 =	vld [tilespmem:s1+$0xFFFFFE20];
	[tilespmem:v46+s23+$0x0] =	vst.idx.msk $0xffff, v45  }
0x23b: {  	s12 =	sadd.s32 $0x2, s10;
	v46 =	vadd.s32 v3, v33;
	v39 =	vbroadcast v39, $0x0;
	v45 =	vld [tilespmem:s1+$0xFFFFFE30];
	[tilespmem:v42+s23+$0x0] =	vst.idx.msk $0xffff, v37  }
0x23c: {  	v33 =	vadd.s32 v4, v33;
	v42 =	vmov s12;
	v37 =	vld [tilespmem:s1+$0xFFFFFE40];
	[tilespmem:v38+s23+$0x0] =	vst.idx.msk $0xffff, v34  }
0x23d: {  	v38 =	vadd.s32 v5, v39;
	v42 =	vshrl.u32 v42, $0x3;
	v34 =	vld [tilespmem:s1+$0xFFFFFE50];
	[tilespmem:v44+s23+$0x0] =	vst.idx.msk $0xffff, v41  }
0x23e: {  	v41 =	vadd.s32 v6, v39;
	v42 =	vshll.u32 v42, v1;
	[tilespmem:v43+s23+$0x0] =	vst.idx.msk $0xffff, v35;
	v35 =	vld [tilespmem:s1+$0xFFFFFE60]  }
0x23f: {  	s12 =	sadd.s32 $0x3, s10;
	v42 =	vbroadcast v42, $0x0;
	[tilespmem:v40+s23+$0x0] =	vst.idx.msk $0xffff, v36;
	v36 =	vld [tilespmem:s1+$0xFFFFFE70];
	v40 =	vadd.s32 v7, v39  }
0x240: {  	v44 =	vmov s12;
	v39 =	vadd.s32 v8, v39;
	[tilespmem:v46+s23+$0x0] =	vst.idx.msk $0xffff, v45;
	v43 =	vld [tilespmem:s1+$0xFFFFFE80]  }
0x241: {  	v44 =	vshrl.u32 v44, $0x3;
	[tilespmem:v33+s23+$0x0] =	vst.idx.msk $0xffff, v37;
	v33 =	vld [tilespmem:s1+$0xFFFFFE90];
	v37 =	vadd.s32 v9, v42  }
0x242: {  	v44 =	vshll.u32 v44, v1;
	[tilespmem:v38+s23+$0x0] =	vst.idx.msk $0xffff, v34;
	v34 =	vld [tilespmem:s1+$0xFFFFFEA0];
	v38 =	vadd.s32 v10, v42  }
0x243: {  	s12 =	sadd.s32 $0x4, s10;
	v44 =	vbroadcast v44, $0x0;
	[tilespmem:v41+s23+$0x0] =	vst.idx.msk $0xffff, v35;
	v35 =	vld [tilespmem:s1+$0xFFFFFEB0];
	v41 =	vadd.s32 v11, v42  }
0x244: {  	[tilespmem:v40+s23+$0x0] =	vst.idx.msk $0xffff, v36;
	v36 =	vld [tilespmem:s1+$0xFFFFFEC0];
	v40 =	vadd.s32 v12, v42;
	v42 =	vmov s12  }
0x245: {  	[tilespmem:v39+s23+$0x0] =	vst.idx.msk $0xffff, v43;
	v39 =	vld [tilespmem:s1+$0xFFFFFED0];
	v43 =	vadd.s32 v13, v44;
	v42 =	vshrl.u32 v42, $0x3  }
0x246: {  	[tilespmem:v37+s23+$0x0] =	vst.idx.msk $0xffff, v33;
	v33 =	vld [tilespmem:s1+$0xFFFFFEE0];
	v37 =	vadd.s32 v14, v44;
	v42 =	vshll.u32 v42, v1  }
0x247: {  	s12 =	sadd.s32 $0x5, s10;
	[tilespmem:v38+s23+$0x0] =	vst.idx.msk $0xffff, v34;
	v34 =	vld [tilespmem:s1+$0xFFFFFEF0];
	v38 =	vadd.s32 v15, v44;
	v42 =	vbroadcast v42, $0x0  }
0x248: {  	[tilespmem:v41+s23+$0x0] =	vst.idx.msk $0xffff, v35;
	v35 =	vld [tilespmem:s1+$0xFFFFFF00];
	v41 =	vadd.s32 v16, v44;
	v44 =	vmov s12  }
0x249: {  	[tilespmem:v40+s23+$0x0] =	vst.idx.msk $0xffff, v36;
	v36 =	vld [tilespmem:s1+$0xFFFFFF10];
	v40 =	vadd.s32 v17, v42;
	v44 =	vshrl.u32 v44, $0x3  }
0x24a: {  	v45 =	vadd.s32 v18, v42;
	[tilespmem:v43+s23+$0x0] =	vst.idx.msk $0xffff, v39;
	v39 =	vld [tilespmem:s1+$0xFFFFFF20];
	v43 =	vshll.u32 v44, v1  }
0x24b: {  	s12 =	sadd.s32 $0x6, s10;
	s10 =	smov.u32 s11;
	[tilespmem:v37+s23+$0x0] =	vst.idx.msk $0xffff, v33;
	v33 =	vld [tilespmem:s1+$0xFFFFFF30];
	v37 =	vadd.s32 v19, v42;
	v44 =	vbroadcast v43, $0x0  }
0x24c: {  	[tilespmem:v38+s23+$0x0] =	vst.idx.msk $0xffff, v34;
	v34 =	vld [tilespmem:s1+$0xFFFFFF40];
	v38 =	vadd.s32 v20, v42;
	v42 =	vmov s12  }
0x24d: {  	[tilespmem:v41+s23+$0x0] =	vst.idx.msk $0xffff, v35;
	v41 =	vld [tilespmem:s1+$0xFFFFFF50];
	v46 =	vadd.s32 v21, v44;
	v42 =	vshrl.u32 v42, $0x3  }
.Ltmp8:
0x24e: {  	v43 =	vadd.s32 v22, v44;
	[tilespmem:v40+s23+$0x0] =	vst.idx.msk $0xffff, v36;
	v35 =	vld [tilespmem:s1+$0xFFFFFF60];
	v36 =	vshll.u32 v42, v1;
	(pc) =	sbr.rel @p0 .LBB2_15-.Ltmp8, $4  }
0x24f: {  	s12 =	sadd.s32 $0x7, s11;
	v42 =	vadd.s32 v23, v44;
	[tilespmem:v45+s23+$0x0] =	vst.idx.msk $0xffff, v39;
	v40 =	vld [tilespmem:s1+$0xFFFFFF70];
	v36 =	vbroadcast v36, $0x0  }
0x250: {  	v39 =	vmov s12;
	[tilespmem:v37+s23+$0x0] =	vst.idx.msk $0xffff, v33;
	v33 =	vld [tilespmem:s1+$0xFFFFFF80];
	v37 =	vadd.s32 v24, v44  }
0x251: {  	v39 =	vshrl.u32 v39, $0x3;
	[tilespmem:v38+s23+$0x0] =	vst.idx.msk $0xffff, v34;
	v34 =	vld [tilespmem:s1+$0xFFFFFF90];
	v38 =	vadd.s32 v25, v36  }
0x252: {  	s11 =	sadd.s32 $0x8, s11;
	v44 =	vshll.u32 v39, v1;
	[tilespmem:v46+s23+$0x0] =	vst.idx.msk $0xffff, v41;
	v39 =	vld [tilespmem:s1+$0xFFFFFFA0];
	v41 =	vadd.s32 v26, v36  }
0x253: {  	_ =	sdelay $0x3  }
0x254: {  	v44 =	vbroadcast v44, $0x0;
	[tilespmem:v43+s23+$0x0] =	vst.idx.msk $0xffff, v35;
	v60 =	vld [tilespmem:s1+$0xFFFFFFB0];
	v61 =	vadd.s32 v27, v36  }
0x255: {  	v45 =	vmov s10;
	v62 =	vld [tilespmem:s1+$0xFFFFFFC0];
	v63 =	vadd.s32 v28, v36;
	s1 =	sadd.s32 $0x200, s1;
	[tilespmem:v42+s23+$0x0] =	vst.idx.msk $0xffff, v40  }
0x256: {  	v48 =	vshrl.u32 v45, $0x3;
	v49 =	vld [tilespmem:s1+$0xFFFFFFD0];
	v46 =	vadd.s32 v29, v44;
	[tilespmem:v37+s23+$0x0] =	vst.idx.msk $0xffff, v33  }
0x257: {  	v51 =	vld [tilespmem:s1+$0xFFFFFFE0];
	v50 =	vshll.u32 v48, v1;
	v52 =	vadd.s32 v30, v44;
	[tilespmem:v38+s23+$0x0] =	vst.idx.msk $0xffff, v34  }
0x258: {  	s11 =	sadd.s32 $0x1, s10;
	v53 =	vld [tilespmem:s1+$0xFFFFFFF0];
	v54 =	vadd.s32 v31, v44;
	v33 =	vbroadcast v50, $0x0;
	[tilespmem:v41+s23+$0x0] =	vst.idx.msk $0xffff, v39  }
0x259: {  	v55 =	vmov s11;
	v56 =	vld [tilespmem:s1+$0x0];
	v44 =	vadd.s32 v32, v44;
	[tilespmem:v61+s23+$0x0] =	vst.idx.msk $0xffff, v60  }
0x25a: {  	v57 =	vld [tilespmem:s1+$0xFFFFFE10];
	v39 =	vshrl.u32 v55, $0x3;
	v58 =	vadd.s32 v0, v33;
	[tilespmem:v63+s23+$0x0] =	vst.idx.msk $0xffff, v62  }
0x25b: {  	s13 =	sadd.s32 $0x2, s10;
	v59 =	vld [tilespmem:s1+$0xFFFFFE20];
	v60 =	vadd.s32 v2, v33;
	v39 =	vshll.u32 v39, v1;
	[tilespmem:v46+s23+$0x0] =	vst.idx.msk $0xffff, v49  }
0x25c: {  	v47 =	vmov s13;
	v61 =	vld [tilespmem:s1+$0xFFFFFE30];
	v62 =	vadd.s32 v3, v33;
	v39 =	vbroadcast v39, $0x0;
	[tilespmem:v52+s23+$0x0] =	vst.idx.msk $0xffff, v51  }
0x25d: {  	v42 =	vshrl.u32 v47, $0x3;
	v63 =	vld [tilespmem:s1+$0xFFFFFE40];
	v33 =	vadd.s32 v4, v33;
	[tilespmem:v54+s23+$0x0] =	vst.idx.msk $0xffff, v53  }
0x25e: {  	v48 =	vld [tilespmem:s1+$0xFFFFFE50];
	v42 =	vshll.u32 v42, v1;
	v49 =	vadd.s32 v5, v39;
	[tilespmem:v44+s23+$0x0] =	vst.idx.msk $0xffff, v56  }
0x25f: {  	v50 =	vld [tilespmem:s1+$0xFFFFFE60];
	v42 =	vbroadcast v42, $0x0;
	v51 =	vadd.s32 v6, v39;
	[tilespmem:v58+s23+$0x0] =	vst.idx.msk $0xffff, v57  }
0x260: {  	s14 =	sadd.s32 $0x3, s10;
	v52 =	vld [tilespmem:s1+$0xFFFFFE70];
	v53 =	vadd.s32 v7, v39;
	[tilespmem:v60+s23+$0x0] =	vst.idx.msk $0xffff, v59  }
0x261: {  	v55 =	vmov s14;
	v56 =	vld [tilespmem:s1+$0xFFFFFE90];
	v57 =	vadd.s32 v9, v42;
	[tilespmem:v62+s23+$0x0] =	vst.idx.msk $0xffff, v61  }
0x262: {  	v54 =	vld [tilespmem:s1+$0xFFFFFE80];
	v39 =	vadd.s32 v8, v39;
	v44 =	vshrl.u32 v55, $0x3;
	[tilespmem:v33+s23+$0x0] =	vst.idx.msk $0xffff, v63  }
0x263: {  	v58 =	vld [tilespmem:s1+$0xFFFFFEA0];
	v59 =	vadd.s32 v10, v42;
	v44 =	vshll.u32 v44, v1;
	[tilespmem:v49+s23+$0x0] =	vst.idx.msk $0xffff, v48  }
0x264: {  	s31 =	sadd.s32 $0x4, s10;
	v60 =	vld [tilespmem:s1+$0xFFFFFEB0];
	v61 =	vadd.s32 v11, v42;
	v44 =	vbroadcast v44, $0x0;
	[tilespmem:v51+s23+$0x0] =	vst.idx.msk $0xffff, v50  }
0x265: {  	v62 =	vld [tilespmem:s1+$0xFFFFFEC0];
	v63 =	vadd.s32 v12, v42;
	v48 =	vmov s31;
	[tilespmem:v53+s23+$0x0] =	vst.idx.msk $0xffff, v52  }
0x266: {  	v49 =	vld [tilespmem:s1+$0xFFFFFED0];
	v50 =	vadd.s32 v13, v44;
	v42 =	vshrl.u32 v48, $0x3;
	[tilespmem:v57+s23+$0x0] =	vst.idx.msk $0xffff, v56  }
0x267: {  	s12 =	sadd.s32 $0x5, s10;
	v51 =	vld [tilespmem:s1+$0xFFFFFEE0];
	v52 =	vadd.s32 v14, v44;
	v42 =	vshll.u32 v42, v1;
	[tilespmem:v39+s23+$0x0] =	vst.idx.msk $0xffff, v54  }
0x268: {  	v53 =	vld [tilespmem:s1+$0xFFFFFEF0];
	v57 =	vmov s12;
	[tilespmem:v59+s23+$0x0] =	vst.idx.msk $0xffff, v58;
	v54 =	vadd.s32 v15, v44;
	v42 =	vbroadcast v42, $0x0  }
0x269: {  	v55 =	vld [tilespmem:s1+$0xFFFFFF00];
	v56 =	vadd.s32 v16, v44;
	v44 =	vshrl.u32 v57, $0x3;
	[tilespmem:v61+s23+$0x0] =	vst.idx.msk $0xffff, v60  }
0x26a: {  	v58 =	vld [tilespmem:s1+$0xFFFFFF10];
	v44 =	vshll.u32 v44, v1;
	[tilespmem:v63+s23+$0x0] =	vst.idx.msk $0xffff, v62;
	v59 =	vadd.s32 v17, v42  }
0x26b: {  	v60 =	vld [tilespmem:s1+$0xFFFFFF20];
	v61 =	vadd.s32 v18, v42;
	v44 =	vbroadcast v44, $0x0;
	[tilespmem:v50+s23+$0x0] =	vst.idx.msk $0xffff, v49  }
0x26c: {  	s13 =	sadd.s32 $0x6, s10;
	v62 =	vld [tilespmem:s1+$0xFFFFFF30];
	v63 =	vadd.s32 v19, v42;
	[tilespmem:v52+s23+$0x0] =	vst.idx.msk $0xffff, v51  }
0x26d: {  	v48 =	vmov s13;
	v49 =	vld [tilespmem:s1+$0xFFFFFF50];
	v50 =	vadd.s32 v21, v44;
	[tilespmem:v54+s23+$0x0] =	vst.idx.msk $0xffff, v53  }
0x26e: {  	v46 =	vld [tilespmem:s1+$0xFFFFFF40];
	v47 =	vadd.s32 v20, v42;
	v42 =	vshrl.u32 v48, $0x3;
	[tilespmem:v56+s23+$0x0] =	vst.idx.msk $0xffff, v55  }
0x26f: {  	v42 =	vshll.u32 v42, v1;
	v51 =	vld [tilespmem:s1+$0xFFFFFF60];
	v52 =	vadd.s32 v22, v44;
	[tilespmem:v59+s23+$0x0] =	vst.idx.msk $0xffff, v58  }
0x270: {  	v42 =	vbroadcast v42, $0x0;
	v53 =	vld [tilespmem:s1+$0xFFFFFF70];
	v54 =	vadd.s32 v23, v44;
	[tilespmem:v61+s23+$0x0] =	vst.idx.msk $0xffff, v60  }
0x271: {  	v55 =	vld [tilespmem:s1+$0xFFFFFF80];
	v56 =	vadd.s32 v24, v44;
	[tilespmem:v63+s23+$0x0] =	vst.idx.msk $0xffff, v62  }
0x272: {  	v57 =	vld [tilespmem:s1+$0xFFFFFF90];
	v58 =	vadd.s32 v25, v42;
	[tilespmem:v50+s23+$0x0] =	vst.idx.msk $0xffff, v49  }
0x273: {  	v59 =	vld [tilespmem:s1+$0xFFFFFFA0];
	v60 =	vadd.s32 v26, v42;
	[tilespmem:v47+s23+$0x0] =	vst.idx.msk $0xffff, v46  }
0x274: {  	v61 =	vld [tilespmem:s1+$0xFFFFFFB0];
	v62 =	vadd.s32 v27, v42;
	[tilespmem:v52+s23+$0x0] =	vst.idx.msk $0xffff, v51  }
0x275: {  	v63 =	vld [tilespmem:s1+$0xFFFFFFC0];
	v42 =	vadd.s32 v28, v42;
	[tilespmem:v54+s23+$0x0] =	vst.idx.msk $0xffff, v53  }
0x276: {  	s0 =	sadd.s32 s5, s0;
	[tilespmem:v56+s23+$0x0] =	vst.idx.msk $0xffff, v55  }
0x277: {  	s14 =	sshll.u32 s0, $0x7;
	[tilespmem:v58+s23+$0x0] =	vst.idx.msk $0xffff, v57  }
0x278: {  	s0 =	sshll.u32 s0, $0xA;
	s1 =	sand.u32 $0x3F80, s14;
	[tilespmem:v60+s23+$0x0] =	vst.idx.msk $0xffff, v59  }
0x279: {  	s0 =	sand.u32 $0xFFE0000, s0;
	s1 =	sadd.s32 s2, s1;
	[tilespmem:v62+s23+$0x0] =	vst.idx.msk $0xffff, v61  }
0x27a: {  	s31 =	simm.s32 $0x14A00;
	s1 =	sadd.s32 s0, s1;
	[tilespmem:v42+s23+$0x0] =	vst.idx.msk $0xffff, v63  }
0x27b: {  	[hbm4b:s1+s3] =	stream.linear.scatter [tilespmem:s31], [sflag:$0x8], $0x80, $0x38;
	[tilespmem:$0x16C00] =	vst v63  }
0x27c: {  	s10 =	simm.s32 $0x14A88;
	s11 =	sadd.s32 $0x10, s1  }
0x27d: {  	[hbm4b:s11+s3] =	stream.linear.scatter [tilespmem:s10], [sflag:$0x8], $0x80, $0x38;
	[tilespmem:$0x16C00] =	vst v63  }
0x27e: {  	s12 =	simm.s32 $0x14B10;
	s14 =	simm.s32 $0x14B98;
	s13 =	sadd.s32 $0x20, s1  }
0x27f: {  	[hbm4b:s13+s3] =	stream.linear.scatter [tilespmem:s12], [sflag:$0x8], $0x80, $0x38;
	[tilespmem:$0x16C00] =	vst v63  }
0x280: {  	s0 =	simm.s32 $0x440;
	s31 =	sadd.s32 $0x30, s1;
	s10 =	simm.s32 $0x14C20  }
0x281: {  	[hbm4b:s31+s3] =	stream.linear.scatter [tilespmem:s14], [sflag:$0x8], $0x80, $0x38;
	[tilespmem:$0x16C00] =	vst v63  }
0x282: {  	s11 =	sadd.s32 $0x40, s1;
	s12 =	simm.s32 $0x14CA8;
	s13 =	sadd.s32 $0x50, s1  }
0x283: {  	[hbm4b:s11+s3] =	stream.linear.scatter [tilespmem:s10], [sflag:$0x8], $0x80, $0x38;
	[tilespmem:$0x16C00] =	vst v63  }
0x284: {  	s14 =	simm.s32 $0x14D30;
	s31 =	sadd.s32 $0x60, s1;
	s10 =	simm.s32 $0x2200  }
0x285: {  	[hbm4b:s13+s3] =	stream.linear.scatter [tilespmem:s12], [sflag:$0x8], $0x80, $0x38;
	[tilespmem:$0x16C00] =	vst v63  }
0x286: {  	s11 =	simm.s32 $0x14DB8;
	s12 =	sadd.s32 $0x70, s1;
	s1 =	sadd.s32 $0x4000, s1  }
0x287: {  	[hbm4b:s31+s3] =	stream.linear.scatter [tilespmem:s14], [sflag:$0x8], $0x80, $0x38;
	[tilespmem:$0x16C00] =	vst v63  }
.LBB2_17:
0x288: {  	[hbm4b:s12+s3] =	stream.linear.scatter [tilespmem:s11], [sflag:$0x8], $0x80, $0x38;
	[tilespmem:$0x16C00] =	vst v63  }
0x289: {  	s11 =	smov.u32 s0;
	s0 =	smov.u32 s10  }
0x28a: {  	s13 =	sadd.s32 $0x1100, s10;
	s0 =	sshra.s32 s0, $0x2;
	s12 =	sadd.s32 $0x14A00, s11  }
0x28b: {  	[hbm4b:s1+s3] =	stream.linear.scatter [tilespmem:s12], [sflag:$0x8], $0x80, $0x38;
	[tilespmem:$0x16C00] =	vst v63  }
0x28c: {  	p0 =	sne.s32 s10, $0x7700;
	s10 =	sadd.s32 $0x14A88, s11;
	s12 =	sadd.s32 $0x10, s1  }
0x28d: {  	[hbm4b:s12+s3] =	stream.linear.scatter [tilespmem:s10], [sflag:$0x8], $0x80, $0x38;
	[tilespmem:$0x16C00] =	vst v63  }
0x28e: {  	s10 =	sadd.s32 $0x14B10, s11;
	s12 =	sadd.s32 $0x20, s1  }
0x28f: {  	[hbm4b:s12+s3] =	stream.linear.scatter [tilespmem:s10], [sflag:$0x8], $0x80, $0x38;
	[tilespmem:$0x16C00] =	vst v63  }
0x290: {  	s10 =	sadd.s32 $0x14B98, s11;
	s12 =	sadd.s32 $0x30, s1  }
0x291: {  	[hbm4b:s12+s3] =	stream.linear.scatter [tilespmem:s10], [sflag:$0x8], $0x80, $0x38;
	[tilespmem:$0x16C00] =	vst v63  }
0x292: {  	s10 =	sadd.s32 $0x14C20, s11;
	s12 =	sadd.s32 $0x40, s1  }
0x293: {  	[hbm4b:s12+s3] =	stream.linear.scatter [tilespmem:s10], [sflag:$0x8], $0x80, $0x38;
	[tilespmem:$0x16C00] =	vst v63  }
.Ltmp9:
0x294: {  	s10 =	sadd.s32 $0x14CA8, s11;
	s12 =	sadd.s32 $0x50, s1;
	(pc) =	sbr.rel @p0 .LBB2_17-.Ltmp9, $4  }
0x295: {  	[hbm4b:s12+s3] =	stream.linear.scatter [tilespmem:s10], [sflag:$0x8], $0x80, $0x38;
	[tilespmem:$0x16C00] =	vst v63  }
0x296: {  	s10 =	sadd.s32 $0x14D30, s11;
	s12 =	sadd.s32 $0x60, s1;
	s11 =	sadd.s32 $0x14DB8, s11  }
0x297: {  	[hbm4b:s12+s3] =	stream.linear.scatter [tilespmem:s10], [sflag:$0x8], $0x80, $0x38;
	[tilespmem:$0x16C00] =	vst v63  }
0x298: {  	s12 =	sadd.s32 $0x70, s1;
	s1 =	sadd.s32 $0x4000, s1;
	s10 =	smov.u32 s13  }
0x299: {  	[hbm4b:s12+s3] =	stream.linear.scatter [tilespmem:s11], [sflag:$0x8], $0x80, $0x38;
	[tilespmem:$0x16C00] =	vst v63  }
0x29a: {  	s10 =	sadd.s32 $0x14A00, s0  }
0x29b: {  	[hbm4b:s1+s3] =	stream.linear.scatter [tilespmem:s10], [sflag:$0x8], $0x80, $0x38;
	[tilespmem:$0x16C00] =	vst v63  }
0x29c: {  	s14 =	sadd.s32 $0x14A88, s0;
	s31 =	sadd.s32 $0x10, s1  }
0x29d: {  	[hbm4b:s31+s3] =	stream.linear.scatter [tilespmem:s14], [sflag:$0x8], $0x80, $0x38;
	[tilespmem:$0x16C00] =	vst v63  }
0x29e: {  	s12 =	sadd.s32 $0x14B10, s0;
	s13 =	sadd.s32 $0x20, s1  }
0x29f: {  	[hbm4b:s13+s3] =	stream.linear.scatter [tilespmem:s12], [sflag:$0x8], $0x80, $0x38;
	[tilespmem:$0x16C00] =	vst v63  }
0x2a0: {  	s14 =	sadd.s32 $0x14B98, s0;
	s31 =	sadd.s32 $0x30, s1  }
0x2a1: {  	[hbm4b:s31+s3] =	stream.linear.scatter [tilespmem:s14], [sflag:$0x8], $0x80, $0x38;
	[tilespmem:$0x16C00] =	vst v63  }
0x2a2: {  	s12 =	sadd.s32 $0x14C20, s0;
	s13 =	sadd.s32 $0x40, s1  }
0x2a3: {  	[hbm4b:s13+s3] =	stream.linear.scatter [tilespmem:s12], [sflag:$0x8], $0x80, $0x38;
	[tilespmem:$0x16C00] =	vst v63  }
0x2a4: {  	s14 =	sadd.s32 $0x14CA8, s0;
	s31 =	sadd.s32 $0x50, s1  }
0x2a5: {  	[hbm4b:s31+s3] =	stream.linear.scatter [tilespmem:s14], [sflag:$0x8], $0x80, $0x38;
	[tilespmem:$0x16C00] =	vst v63  }
.Ltmp10:
0x2a6: {  	_ = 	snop;
	(pc) =	sbr.rel @p1 .LBB2_20-.Ltmp10, $4  }
0x2a7: {  	s12 =	sadd.s32 $0x14D30, s0;
	s13 =	sadd.s32 $0x60, s1  }
0x2a8: {  	[hbm4b:s13+s3] =	stream.linear.scatter [tilespmem:s12], [sflag:$0x8], $0x80, $0x38;
	[tilespmem:$0x16C00] =	vst v63  }
0x2a9: {  	s14 =	sadd.s32 $0x14DB8, s0;
	s31 =	sadd.s32 $0x70, s1  }
0x2aa: {  	[hbm4b:s31+s3] =	stream.linear.scatter [tilespmem:s14], [sflag:$0x8], $0x80, $0x38;
	[tilespmem:$0x16C00] =	vst v63  }
.Ltmp11:
0x2ab: {  	(pc) =	sbr.rel .LBB2_2-.Ltmp11, $4  }
0x2ac: {  	s0 =	sshll.u32 s30, $0x9  }
0x2ad: {  	s0 =	sand.u32 $0x3FFFFE00, s0  }
0x2ae: {  	s30 =	sadd.s32 $0x1, s30;
	s0 =	sadd.s32 $0x380, s0  }
0x2af: {  	[tilespmem:s15], [sflag:$0x4] =	stream.indirect.gather [hbm4b:s4+s9], $0x40, s0, s9, $0xb8;
	[tilespmem:$0x16C00] =	vst v63  }
.LBB2_21:
0x2b0: {  	_ =	sfence.sel $0x180000  }
0x2b1: {  	[bflag:$0x0] =	sbarrier.arrive $0xFFFF  }
0x2b2: {  	_ =	strace $0x90000047  }
0x2b3: {  	s0 =	stileid.u32;
	[bflag:$0x2] =	sbarrier.arrive $0xFFFF  }
0x2b4: {  	p0 =	sne.s32 s0, $0x0;
	s0 =	rddreg [dreg:$0x2]  }
0x2b5: {  	s0 =	sadd.s32 @!p0 $0x100000, s0  }
0x2b6: {  	[sflag:s0] =	ssyncadd.tile.s32 @!p0 $0x1;
	_ =	shalt  }
.Lfunc_end2:
_tile_overlayer_lowered:
.L_overlay_start_2:
0x2b7: {  	(tag) =	ssettag $0x2  }
0x2b8: {  	s0 =	rddreg [dreg:$0x0];
	s2 =	stileid.u32  }
0x2b9: {  	s1 =	rddreg [dreg:$0x1];
	p0 =	sne.s32 s2, $0x0  }
0x2ba: {  	s3 =	rddreg [dreg:$0x2];
	[bflag:$0x3] =	sbarrier.arrive $0xFFFF;
	s2 =	simm.s32 @!p0 $0x1C09  }
0x2bb: {  	[timem:s3], [sflag:s2] =	dma.local @!p0 [hbm:s0], s1  }
0x2bc: {  	s0 =	simm.s32 @!p0 $0x9  }
0x2bd: {  	_ =	swait.ge @!p0 [sflag:s0], s1  }
0x2be: {  	s1 =	ssub.s32 @!p0 $0x0, s1;
	[sflag:s0] =	ssyncset.done @!p0 $0x0  }
0x2bf: {  	[sflag:s0] =	ssyncadd.s32 @!p0 s1  }
0x2c0: {  	[bflag:$0x3] =	sbarrier.arrive $0xFFFF  }
0x2c1: {  	_ =	shalt  }

</sc_bundles>
